<compile_context>
chip_gen: v7x
topology: tpu7x:2x2x1
jax: 0.10.2.dev20260603
libtpu: 0.0.44.dev20260713+nightly
codegen_flags: <defaults>
</compile_context>

<pallas_src>
import functools

import jax
import jax.numpy as jnp
from jax import lax
from jax.experimental import pallas as pl
from jax.experimental.pallas import tpu as pltpu
from jax.experimental.pallas import tpu_sc as plsc

N = 10000
E = 320000
IN_DIM = 128
H = 4
D = 32
HD = H * D
ALPHA = 0.2

NP = 10240
NTILES = 32
EPT = E // NTILES
CH = 80
NCH = EPT // CH
EPT5 = E // 16
NCH5 = EPT5 // CH
VPC = CH * H // 16
ROWS_PER_TILE = NP // 16

_NEG_INF = float("-inf")


def _leaky(x):
    return jnp.where(x > 0, x, ALPHA * x)


def _padmax(a):
    m128 = jnp.concatenate(
        [jnp.max(a, axis=0), jnp.full((128 - H,), _NEG_INF, jnp.float32)])
    rows = lax.broadcasted_iota(jnp.int32, (8, 128), 0)
    return jnp.where(rows == 0, m128[None, :], _NEG_INF)


def _k1_body(x_ref, w_ref, sl_ref, sr_ref, ft_ref, a1_ref, a2_ref, g1_ref):
    i = pl.program_id(0)
    ft = jnp.dot(x_ref[...], w_ref[...], preferred_element_type=jnp.float32)
    ft_ref[...] = ft
    a1 = jnp.dot(ft, sl_ref[...], preferred_element_type=jnp.float32)
    a2 = jnp.dot(ft, sr_ref[...], preferred_element_type=jnp.float32)
    a1_ref[...] = a1
    a2_ref[...] = a2

    @pl.when(i == 0)
    def _():
        g1_ref[...] = jnp.full((8, 128), _NEG_INF, jnp.float32)

    g1_ref[...] = jnp.maximum(g1_ref[...], _padmax(a1))


def _run_k1(x_pad, w, s_l, s_r):
    blk = 2048
    grid = NP // blk
    return pl.pallas_call(
        _k1_body,
        grid=(grid,),
        in_specs=[
            pl.BlockSpec((blk, IN_DIM), lambda i: (i, 0)),
            pl.BlockSpec((IN_DIM, HD), lambda i: (0, 0)),
            pl.BlockSpec((HD, H), lambda i: (0, 0)),
            pl.BlockSpec((HD, H), lambda i: (0, 0)),
        ],
        out_specs=[
            pl.BlockSpec((blk, HD), lambda i: (i, 0)),
            pl.BlockSpec((blk, H), lambda i: (i, 0)),
            pl.BlockSpec((blk, H), lambda i: (i, 0)),
            pl.BlockSpec((8, 128), lambda i: (0, 0)),
        ],
        out_shape=[
            jax.ShapeDtypeStruct((NP, HD), jnp.float32),
            jax.ShapeDtypeStruct((NP, H), jnp.float32),
            jax.ShapeDtypeStruct((NP, H), jnp.float32),
            jax.ShapeDtypeStruct((8, 128), jnp.float32),
        ],
    )(x_pad, w, s_l, s_r)


def _k2_body(x_ref, w_ref, se_ref, eft_ref, a3_ref, g3_ref):
    i = pl.program_id(0)
    eft = jnp.dot(x_ref[...], w_ref[...], preferred_element_type=jnp.float32)
    eft_ref[...] = eft
    a3 = jnp.dot(eft, se_ref[...], preferred_element_type=jnp.float32)
    a3_ref[...] = a3

    @pl.when(i == 0)
    def _():
        g3_ref[...] = jnp.full((8, 128), _NEG_INF, jnp.float32)

    g3_ref[...] = jnp.maximum(g3_ref[...], _padmax(a3))


def _run_k2(edge_feature, w, s_e):
    blk = 2000
    grid = E // blk
    return pl.pallas_call(
        _k2_body,
        grid=(grid,),
        in_specs=[
            pl.BlockSpec((blk, IN_DIM), lambda i: (i, 0)),
            pl.BlockSpec((IN_DIM, HD), lambda i: (0, 0)),
            pl.BlockSpec((HD, H), lambda i: (0, 0)),
        ],
        out_specs=[
            pl.BlockSpec((blk, HD), lambda i: (i, 0)),
            pl.BlockSpec((blk, H), lambda i: (i, 0)),
            pl.BlockSpec((8, 128), lambda i: (0, 0)),
        ],
        out_shape=[
            jax.ShapeDtypeStruct((E, HD), jnp.float32),
            jax.ShapeDtypeStruct((E, H), jnp.float32),
            jax.ShapeDtypeStruct((8, 128), jnp.float32),
        ],
    )(edge_feature, w, s_e)


def _k3_body(a1_hbm, a2_hbm, a3_hbm, srcf_hbm, dstf_hbm, g1_hbm, g3_hbm,
             z4_hbm, expa_hbm, p_hbm,
             acc_v, a1_v, a2_v, src_c, dst_c, a3c_v, g1_v, g3_v, expa_v):
    cid = lax.axis_index("c")
    sid = lax.axis_index("s")
    wid = sid * 2 + cid

    pltpu.sync_copy(a1_hbm, a1_v)
    pltpu.sync_copy(a2_hbm, a2_v)
    pltpu.sync_copy(g1_hbm, g1_v)
    pltpu.sync_copy(g3_hbm, g3_v)
    pltpu.sync_copy(z4_hbm, acc_v)

    iota = lax.iota(jnp.int32, 16)
    lane_h = jnp.bitwise_and(iota, 3)
    lane_lo = iota < H
    g13 = (plsc.load_gather(g1_v, [lane_h]) +
           plsc.load_gather(g3_v, [lane_h]))

    def _chunk(c, _):
        base = wid * EPT + c * CH
        pltpu.sync_copy(srcf_hbm.at[pl.ds(base, CH)], src_c)
        pltpu.sync_copy(dstf_hbm.at[pl.ds(base, CH)], dst_c)
        pltpu.sync_copy(a3_hbm.at[pl.ds(base * H, CH * H)], a3c_v)

        def _edge(e, _):
            e16 = jnp.full((16,), e, jnp.int32)
            ssp = plsc.load_gather(src_c, [e16])
            dsp = plsc.load_gather(dst_c, [e16])
            eh = e16 * H + lane_h
            v1 = plsc.load_gather(a1_v, [ssp * H + lane_h])
            didx = dsp * H + lane_h
            v2 = plsc.load_gather(a2_v, [didx])
            v3 = plsc.load_gather(a3c_v, [eh])
            a = _leaky(v1 + v3 + v2)
            u = _leaky(g13 + v2)
            ev = jnp.where(lane_lo, jnp.exp(a - u), 0.0)
            cur = plsc.load_gather(acc_v, [didx])
            plsc.store_scatter(acc_v, [didx], cur + ev, mask=lane_lo)
            plsc.store_scatter(expa_v, [eh], ev, mask=lane_lo)
            return ()

        lax.fori_loop(0, CH, _edge, ())
        pltpu.sync_copy(expa_v, expa_hbm.at[pl.ds(base * H, CH * H)])
        return ()

    lax.fori_loop(0, NCH, _chunk, ())
    pltpu.sync_copy(acc_v, p_hbm.at[wid])


def _run_k3(a1f, a2f, a3f, srcf, dstf, g1v, g3v, z4):
    mesh = plsc.VectorSubcoreMesh(core_axis_name="c", subcore_axis_name="s")
    kern = functools.partial(
        pl.kernel,
        mesh=mesh,
        out_type=[
            jax.ShapeDtypeStruct((E * H,), jnp.float32),
            jax.ShapeDtypeStruct((NTILES, NP * H), jnp.float32),
        ],
        scratch_types=[
            pltpu.VMEM((NP * H,), jnp.float32),
            pltpu.VMEM((NP * H,), jnp.float32),
            pltpu.VMEM((NP * H,), jnp.float32),
            pltpu.VMEM((CH,), jnp.int32),
            pltpu.VMEM((CH,), jnp.int32),
            pltpu.VMEM((CH * H,), jnp.float32),
            pltpu.VMEM((16,), jnp.float32),
            pltpu.VMEM((16,), jnp.float32),
            pltpu.VMEM((CH * H,), jnp.float32),
        ],
        compiler_params=pltpu.CompilerParams(needs_layout_passes=False),
    )(_k3_body)
    return kern(a1f, a2f, a3f, srcf, dstf, g1v, g3v, z4)


def _k4_body(p_ref, recip_ref):
    recip_ref[...] = 1.0 / jnp.sum(p_ref[...], axis=0, keepdims=True)


def _run_k4(p):
    return pl.pallas_call(
        _k4_body,
        grid=(1,),
        in_specs=[pl.BlockSpec((NTILES, NP * H), lambda i: (0, 0))],
        out_specs=pl.BlockSpec((1, NP * H), lambda i: (0, 0)),
        out_shape=jax.ShapeDtypeStruct((1, NP * H), jnp.float32),
    )(p)




def _k4b_body(expa_hbm, recip_hbm, dstf_hbm, adrop_hbm,
              recip_v, dst_c, expa_v, adrop_v):
    cid = lax.axis_index("c")
    sid = lax.axis_index("s")
    wid = sid * 2 + cid

    pltpu.sync_copy(recip_hbm, recip_v)
    iota = lax.iota(jnp.int32, 16)
    lane_h = jnp.bitwise_and(iota, 3)
    lane_e = lax.shift_right_logical(iota, 2)

    def _chunk(c, _):
        base = wid * EPT + c * CH
        pltpu.sync_copy(dstf_hbm.at[pl.ds(base, CH)], dst_c)
        pltpu.sync_copy(expa_hbm.at[pl.ds(base * H, CH * H)], expa_v)
        for v in range(VPC):
            lidx = jnp.full((16,), v * 4, jnp.int32) + lane_e
            dstl = plsc.load_gather(dst_c, [lidx])
            rl = plsc.load_gather(recip_v, [dstl * H + lane_h])
            ev = expa_v[pl.ds(v * 16, 16)]
            adrop_v[pl.ds(v * 16, 16)] = ev * rl
        pltpu.sync_copy(adrop_v, adrop_hbm.at[pl.ds(base * H, CH * H)])
        return ()

    lax.fori_loop(0, NCH, _chunk, ())


def _run_k4b(expa_flat, recipf, dstf):
    mesh = plsc.VectorSubcoreMesh(core_axis_name="c", subcore_axis_name="s")
    kern = functools.partial(
        pl.kernel,
        mesh=mesh,
        out_type=jax.ShapeDtypeStruct((E * H,), jnp.float32),
        scratch_types=[
            pltpu.VMEM((NP * H,), jnp.float32),
            pltpu.VMEM((CH,), jnp.int32),
            pltpu.VMEM((CH * H,), jnp.float32),
            pltpu.VMEM((CH * H,), jnp.float32),
        ],
        compiler_params=pltpu.CompilerParams(needs_layout_passes=False),
    )(_k4b_body)
    return kern(expa_flat, recipf, dstf)

HHD = HD // 2


def _k5_body(ft_hbm, eftf_hbm, adropf_hbm, srcf_hbm, dstf_hbm,
             ret2f_hbm, fhi_hbm, p2lo_hbm, p2hi_hbm,
             src_c, dst2_v, ftr_v, eftf_v, flo_v, fhi2_v,
             fflat_v, adrop_v, acc_sp, sem):
    cid = lax.axis_index("c")
    sid = lax.axis_index("s")
    wid = sid * 2 + cid

    zero16 = jnp.zeros((16,), jnp.float32)

    def _zbuf(e, _):
        for q in range(HHD // 16):
            fhi2_v[e, pl.ds(q * 16, 16)] = zero16
        return ()

    def _zero_table():
        lax.fori_loop(0, CH, _zbuf, ())

        def _zstripe(j, _):
            pltpu.sync_copy(
                fhi2_v, acc_sp.at[pl.ds(sid * ROWS_PER_TILE + j * CH, CH)])
            return ()

        lax.fori_loop(0, ROWS_PER_TILE // CH, _zstripe, ())

    def _dump_table(dst_flat_hbm):
        def _piece(j, _):
            row0 = sid * ROWS_PER_TILE + j * CH
            pltpu.sync_copy(acc_sp.at[pl.ds(row0, CH)], fhi2_v)

            def _row(e, _):
                for q in range(HHD // 16):
                    fflat_v[pl.ds(e * HHD + q * 16, 16)] = (
                        fhi2_v[e, pl.ds(q * 16, 16)])
                return ()

            lax.fori_loop(0, CH, _row, ())
            pltpu.sync_copy(fflat_v,
                            dst_flat_hbm.at[pl.ds(row0 * HHD, CH * HHD)])
            return ()

        lax.fori_loop(0, ROWS_PER_TILE // CH, _piece, ())

    _zero_table()
    plsc.subcore_barrier()

    def _chunk_a(c, _):
        erow = wid * EPT + c * CH
        pltpu.sync_copy(srcf_hbm.at[pl.ds(erow, CH)], src_c)
        pltpu.sync_copy(dstf_hbm.at[pl.ds(erow, CH)], dst2_v.at[c])
        pltpu.async_copy(ft_hbm.at[src_c], ftr_v, sem).wait()
        pltpu.sync_copy(eftf_hbm.at[pl.ds(erow * HD, CH * HD)], eftf_v)
        pltpu.sync_copy(adropf_hbm.at[pl.ds(erow * H, CH * H)], adrop_v)

        def _edge(e, _):
            for h in range(H):
                sp = plsc.load_gather(adrop_v, [jnp.full((16,), e * H + h,
                                                         jnp.int32)])
                for q in range(2):
                    col = h * D + q * 16
                    off = pl.ds(e * HD + col, 16)
                    f = (ftr_v[e, pl.ds(col, 16)] + eftf_v[off]) * sp
                    if col < HHD:
                        flo_v[e, pl.ds(col, 16)] = f
                    else:
                        fflat_v[pl.ds(e * HHD + col - HHD, 16)] = f
                    eftf_v[off] = jnp.where(f > 0, f, jnp.exp(f) - 1.0)
            return ()

        lax.fori_loop(0, CH, _edge, ())
        pltpu.sync_copy(flo_v, acc_sp.at[dst2_v.at[c]], add=True)
        pltpu.sync_copy(fflat_v, fhi_hbm.at[pl.ds(erow * HHD, CH * HHD)])
        pltpu.sync_copy(eftf_v, ret2f_hbm.at[pl.ds(erow * HD, CH * HD)])
        return ()

    lax.fori_loop(0, NCH, _chunk_a, ())
    plsc.subcore_barrier()
    _dump_table(p2lo_hbm.at[cid])
    plsc.subcore_barrier()
    _zero_table()
    plsc.subcore_barrier()

    def _chunk_b(c, _):
        erow = wid * EPT + c * CH
        pltpu.sync_copy(fhi_hbm.at[pl.ds(erow * HHD, CH * HHD)], fflat_v)

        def _row(e, _):
            for q in range(HHD // 16):
                fhi2_v[e, pl.ds(q * 16, 16)] = (
                    fflat_v[pl.ds(e * HHD + q * 16, 16)])
            return ()

        lax.fori_loop(0, CH, _row, ())
        pltpu.sync_copy(fhi2_v, acc_sp.at[dst2_v.at[c]], add=True)
        return ()

    lax.fori_loop(0, NCH, _chunk_b, ())
    plsc.subcore_barrier()
    _dump_table(p2hi_hbm.at[cid])


def _run_k5(ft, eftf, adrop_flat, srcf, dstf):
    mesh = plsc.VectorSubcoreMesh(core_axis_name="c", subcore_axis_name="s")
    kern = functools.partial(
        pl.kernel,
        mesh=mesh,
        out_type=[
            jax.ShapeDtypeStruct((E * HD,), jnp.float32),
            jax.ShapeDtypeStruct((E * HHD,), jnp.float32),
            jax.ShapeDtypeStruct((2, NP * HHD), jnp.float32),
            jax.ShapeDtypeStruct((2, NP * HHD), jnp.float32),
        ],
        scratch_types=[
            pltpu.VMEM((CH,), jnp.int32),
            pltpu.VMEM((NCH, CH), jnp.int32),
            pltpu.VMEM((CH, HD), jnp.float32),
            pltpu.VMEM((CH * HD,), jnp.float32),
            pltpu.VMEM((CH, HHD), jnp.float32),
            pltpu.VMEM((CH, HHD), jnp.float32),
            pltpu.VMEM((CH * HHD,), jnp.float32),
            pltpu.VMEM((CH * H,), jnp.float32),
            pltpu.VMEM_SHARED((NP, HHD), jnp.float32),
            pltpu.SemaphoreType.DMA,
        ],
        compiler_params=pltpu.CompilerParams(needs_layout_passes=False,
                                             use_tc_tiling_on_sc=False),
    )(_k5_body)
    return kern(ft, eftf, adrop_flat, srcf, dstf)


def _k6_body(plo_ref, phi_ref, out_ref):
    s = jnp.concatenate([plo_ref[0] + plo_ref[1], phi_ref[0] + phi_ref[1]],
                        axis=1)
    out_ref[...] = jnp.where(s > 0, s, jnp.exp(s) - 1.0)


def _run_k6(p2lo, p2hi):
    blk = 2048
    return pl.pallas_call(
        _k6_body,
        grid=(NP // blk,),
        in_specs=[pl.BlockSpec((2, blk, HHD), lambda i: (0, i, 0)),
                  pl.BlockSpec((2, blk, HHD), lambda i: (0, i, 0))],
        out_specs=pl.BlockSpec((blk, HD), lambda i: (i, 0)),
        out_shape=jax.ShapeDtypeStruct((NP, HD), jnp.float32),
    )(p2lo, p2hi)


def kernel(node_feature, edge_feature, edge_index, W, attn_l, attn_r, attn_e):
    f32 = jnp.float32
    eye = jnp.eye(H, dtype=f32)
    s_l = (attn_l[..., 0][:, :, None] * eye[:, None, :]).reshape(HD, H)
    s_r = (attn_r[..., 0][:, :, None] * eye[:, None, :]).reshape(HD, H)
    s_e = (attn_e[..., 0][:, :, None] * eye[:, None, :]).reshape(HD, H)

    x_pad = jnp.pad(node_feature, ((0, NP - N), (0, 0)))

    ft, a1, a2, g1 = _run_k1(x_pad, W, s_l, s_r)
    eft, a3, g3 = _run_k2(edge_feature, W, s_e)

    g1v = g1.reshape(-1)[:16]
    g3v = g3.reshape(-1)[:16]
    srcf = edge_index[0].reshape(-1)
    dstf = edge_index[1].reshape(-1)
    z4 = jnp.zeros((NP * H,), f32)

    expa_flat, p_asum = _run_k3(a1.reshape(-1), a2.reshape(-1),
                                a3.reshape(-1), srcf, dstf, g1v, g3v, z4)
    recip = _run_k4(p_asum)
    adrop_flat = _run_k4b(expa_flat, recip.reshape(-1), dstf)
    ret2f, _, p2lo, p2hi = _run_k5(ft, eft.reshape(-1), adrop_flat, srcf,
                                   dstf)
    ret1 = _run_k6(p2lo.reshape(2, NP, HHD), p2hi.reshape(2, NP, HHD))[:N]
    return ret1, ret2f.reshape(E, HD)

# --- scband reference (transcript-rebuilt; emitter-appended) ---
"""Pipeline reference for scband-gatlayer-52871047414197 (READ-ONLY COPY).

The authoritative reference and input builder live on the scoring server;
editing this copy changes nothing except your own understanding.
"""

import jax, jax.numpy as jnp
import numpy as np

N = 10000
E = 320000
IN_DIM = 128
H = 4
D = 32
ALPHA = 0.2


def setup_inputs(seed: int = 0) -> dict:
    key = jax.random.key(seed)
    k1, k2, k3, k4, k5, k6, k7 = jax.random.split(key, 7)
    node_feature = jax.random.normal(k1, (N, IN_DIM), dtype=jnp.float32)
    edge_feature = jax.random.normal(k2, (E, IN_DIM), dtype=jnp.float32)
    edge_index = jax.random.randint(k3, (2, E), 0, N, dtype=jnp.int32)
    # fc: nn.Linear(in_dim, num_heads*hidden_dim, bias=False) -> W: [IN_DIM, H*D]
    W = jax.random.normal(k4, (IN_DIM, H * D), dtype=jnp.float32) * (1.0 / np.sqrt(IN_DIM))
    attn_l = jax.random.normal(k5, (H, D, 1), dtype=jnp.float32)
    attn_r = jax.random.normal(k6, (H, D, 1), dtype=jnp.float32)
    attn_e = jax.random.normal(k7, (H, D, 1), dtype=jnp.float32)
    return {
        "node_feature": node_feature,
        "edge_feature": edge_feature,
        "edge_index": edge_index,
        "W": W,
        "attn_l": attn_l,
        "attn_r": attn_r,
        "attn_e": attn_e,
    }


def reference(node_feature, edge_feature, edge_index, W, attn_l, attn_r, attn_e):
    src = edge_index[0]
    dst = edge_index[1]
    # feat_drop / attn_drop are 0.0 -> identity at eval
    ft = (node_feature @ W).reshape(N, H, D)
    e_ft = (edge_feature @ W).reshape(E, H, D)
    # bmm(head_ft [H,N,D], attn [H,D,1]) -> [H,N,1] -> transpose -> [N,H,1]
    a1 = jnp.einsum('nhd,hd->nh', ft, attn_l[..., 0])[..., None]   # [N,H,1]
    a2 = jnp.einsum('nhd,hd->nh', ft, attn_r[..., 0])[..., None]   # [N,H,1]
    a3 = jnp.einsum('ehd,hd->eh', e_ft, attn_e[..., 0])[..., None] # [E,H,1]
    # edge_attention: LeakyReLU(src.a1 + edge.a3 + dst.a2)
    a = jax.nn.leaky_relu(a1[src] + a3 + a2[dst], negative_slope=ALPHA)  # [E,H,1]
    # edge_softmax: softmax over incoming edges of each dst node
    a_flat = a[..., 0]  # [E,H]
    amax = jax.ops.segment_max(a_flat, dst, num_segments=N)  # [N,H]
    a_exp = jnp.exp(a_flat - amax[dst])
    asum = jax.ops.segment_sum(a_exp, dst, num_segments=N)   # [N,H]
    a_drop = (a_exp / asum[dst])[..., None]                  # [E,H,1]
    # src_mul_edge: w_n_ft = ft[src] * a_drop
    w_n_ft = ft[src] * a_drop                                # [E,H,D]
    # edge_concat: f_cat = e_ft * a_drop + w_n_ft
    f_cat = e_ft * a_drop + w_n_ft                           # [E,H,D]
    # update_all copy_edge + sum -> scatter-add into dst nodes
    node_ft = jax.ops.segment_sum(f_cat, dst, num_segments=N)  # [N,H,D]
    ret1 = jax.nn.elu(node_ft.reshape(N, H * D))
    ret2 = jax.nn.elu(f_cat.reshape(E, H * D))
    return ret1, ret2

if __name__ == "__main__":
    import jax
    _d = setup_inputs()
    print(jax.jit(kernel)(*tuple(_d.values())))

</pallas_src>

<mosaic_0001>
#map = affine_map<(d0, d1) -> (0)>
#map1 = affine_map<(d0, d1) -> (0, 0)>
module attributes {stable_mosaic.version = 14 : i64} {
  func.func @_k3_body(%arg0: i32, %arg1: i32, %arg2: memref<40960xf32, #tpu.memory_space<hbm>>, %arg3: memref<40960xf32, #tpu.memory_space<hbm>>, %arg4: memref<1280000xf32, #tpu.memory_space<hbm>>, %arg5: memref<320000xi32, #tpu.memory_space<hbm>>, %arg6: memref<320000xi32, #tpu.memory_space<hbm>>, %arg7: memref<16xf32, #tpu.memory_space<hbm>>, %arg8: memref<16xf32, #tpu.memory_space<hbm>>, %arg9: memref<40960xf32, #tpu.memory_space<hbm>>, %arg10: memref<1280000xf32, #tpu.memory_space<hbm>>, %arg11: memref<32x40960xf32, #tpu.memory_space<hbm>>, %arg12: memref<40960xf32, #tpu.memory_space<vmem>>, %arg13: memref<40960xf32, #tpu.memory_space<vmem>>, %arg14: memref<40960xf32, #tpu.memory_space<vmem>>, %arg15: memref<80xi32, #tpu.memory_space<vmem>>, %arg16: memref<80xi32, #tpu.memory_space<vmem>>, %arg17: memref<320xf32, #tpu.memory_space<vmem>>, %arg18: memref<16xf32, #tpu.memory_space<vmem>>, %arg19: memref<16xf32, #tpu.memory_space<vmem>>, %arg20: memref<320xf32, #tpu.memory_space<vmem>>) attributes {dimension_semantics = [#tpu.dimension_semantics<core_parallel>, #tpu.dimension_semantics<subcore_parallel>], iteration_bounds = array<i64: 2, 16>, scalar_prefetch = 0 : i64, scratch_operands = 9 : i64, tpu.core_type = #tpu.core_type<sc_vector_subcore>, window_params = [{transform_indices = #map}, {transform_indices = #map}, {transform_indices = #map}, {transform_indices = #map}, {transform_indices = #map}, {transform_indices = #map}, {transform_indices = #map}, {transform_indices = #map}, {transform_indices = #map}, {transform_indices = #map1}]} {
    %mul3A = arith.constant 2 : i32
    %mul3A_0 = arith.muli %arg1, %mul3A : i32
    %add3A = arith.addi %mul3A_0, %arg0 : i32
    "tpu.region"() ({
      %run_scoped3A = tpu.sem_alloc : memref<!tpu.dma_semaphore, #tpu.memory_space<semaphore_mem>>
      tpu.enqueue_dma source(%arg2 : memref<40960xf32, #tpu.memory_space<hbm>>) target(%arg13 : memref<40960xf32, #tpu.memory_space<vmem>>) target_semaphore(%run_scoped3A : memref<!tpu.dma_semaphore, #tpu.memory_space<semaphore_mem>>)
      tpu.wait_dma2 semaphore(%run_scoped3A : memref<!tpu.dma_semaphore, #tpu.memory_space<semaphore_mem>>) src(%arg2 : memref<40960xf32, #tpu.memory_space<hbm>>) dst(%arg13 : memref<40960xf32, #tpu.memory_space<vmem>>)
      tpu.yield
    }) : () -> ()
    "tpu.region"() ({
      %run_scoped3A = tpu.sem_alloc : memref<!tpu.dma_semaphore, #tpu.memory_space<semaphore_mem>>
      tpu.enqueue_dma source(%arg3 : memref<40960xf32, #tpu.memory_space<hbm>>) target(%arg14 : memref<40960xf32, #tpu.memory_space<vmem>>) target_semaphore(%run_scoped3A : memref<!tpu.dma_semaphore, #tpu.memory_space<semaphore_mem>>)
      tpu.wait_dma2 semaphore(%run_scoped3A : memref<!tpu.dma_semaphore, #tpu.memory_space<semaphore_mem>>) src(%arg3 : memref<40960xf32, #tpu.memory_space<hbm>>) dst(%arg14 : memref<40960xf32, #tpu.memory_space<vmem>>)
      tpu.yield
    }) : () -> ()
    "tpu.region"() ({
      %run_scoped3A = tpu.sem_alloc : memref<!tpu.dma_semaphore, #tpu.memory_space<semaphore_mem>>
      tpu.enqueue_dma source(%arg7 : memref<16xf32, #tpu.memory_space<hbm>>) target(%arg18 : memref<16xf32, #tpu.memory_space<vmem>>) target_semaphore(%run_scoped3A : memref<!tpu.dma_semaphore, #tpu.memory_space<semaphore_mem>>)
      tpu.wait_dma2 semaphore(%run_scoped3A : memref<!tpu.dma_semaphore, #tpu.memory_space<semaphore_mem>>) src(%arg7 : memref<16xf32, #tpu.memory_space<hbm>>) dst(%arg18 : memref<16xf32, #tpu.memory_space<vmem>>)
      tpu.yield
    }) : () -> ()
    "tpu.region"() ({
      %run_scoped3A = tpu.sem_alloc : memref<!tpu.dma_semaphore, #tpu.memory_space<semaphore_mem>>
      tpu.enqueue_dma source(%arg8 : memref<16xf32, #tpu.memory_space<hbm>>) target(%arg19 : memref<16xf32, #tpu.memory_space<vmem>>) target_semaphore(%run_scoped3A : memref<!tpu.dma_semaphore, #tpu.memory_space<semaphore_mem>>)
      tpu.wait_dma2 semaphore(%run_scoped3A : memref<!tpu.dma_semaphore, #tpu.memory_space<semaphore_mem>>) src(%arg8 : memref<16xf32, #tpu.memory_space<hbm>>) dst(%arg19 : memref<16xf32, #tpu.memory_space<vmem>>)
      tpu.yield
    }) : () -> ()
    "tpu.region"() ({
      %run_scoped3A = tpu.sem_alloc : memref<!tpu.dma_semaphore, #tpu.memory_space<semaphore_mem>>
      tpu.enqueue_dma source(%arg9 : memref<40960xf32, #tpu.memory_space<hbm>>) target(%arg12 : memref<40960xf32, #tpu.memory_space<vmem>>) target_semaphore(%run_scoped3A : memref<!tpu.dma_semaphore, #tpu.memory_space<semaphore_mem>>)
      tpu.wait_dma2 semaphore(%run_scoped3A : memref<!tpu.dma_semaphore, #tpu.memory_space<semaphore_mem>>) src(%arg9 : memref<40960xf32, #tpu.memory_space<hbm>>) dst(%arg12 : memref<40960xf32, #tpu.memory_space<vmem>>)
      tpu.yield
    }) : () -> ()
    %iota3A = tpu.iota {dimensions = array<i32: 0>} : vector<16xi32>
    %and3A = arith.constant 3 : i32
    %and3A_1 = vector.broadcast %and3A : i32 to vector<16xi32>
    %and3A_2 = arith.andi %iota3A, %and3A_1 : vector<16xi32>
    %lt3A = arith.constant 4 : i32
    %lt3A_3 = vector.broadcast %lt3A : i32 to vector<16xi32>
    %lt3A_4 = arith.cmpi slt, %iota3A, %lt3A_3 : vector<16xi32>
    %gather3A = tpu.vector_load_idx %arg18[%and3A_2] : memref<16xf32, #tpu.memory_space<vmem>>[vector<16xi32>], vector<16xf32>,
    %gather3A_5 = tpu.vector_load_idx %arg19[%and3A_2] : memref<16xf32, #tpu.memory_space<vmem>>[vector<16xi32>], vector<16xf32>,
    %add3A_6 = arith.addf %gather3A, %gather3A_5 : vector<16xf32>
    %scan3A = arith.constant 0 : i32
    %scan3A_7 = arith.constant 125 : i32
    %scan3A_8 = arith.addi %scan3A, %scan3A_7 : i32
    %scan3A_9 = arith.constant 1 : i32
    scf.for %scan3A_11 = %scan3A to %scan3A_8 step %scan3A_9  : i32 {
      %mul3A_12 = arith.constant 10000 : i32
      %mul3A_13 = arith.muli %add3A, %mul3A_12 : i32
      %mul3A_14 = arith.constant 80 : i32
      %mul3A_15 = arith.muli %scan3A_11, %mul3A_14 : i32
      %add3A_16 = arith.addi %mul3A_13, %mul3A_15 : i32
      "tpu.region"() ({
        %run_scoped3A = tpu.sem_alloc : memref<!tpu.dma_semaphore, #tpu.memory_space<semaphore_mem>>
        %dma_start3A = tpu.memref_slice %arg5[%add3A_16] : memref<320000xi32, #tpu.memory_space<hbm>> -> memref<80xi32, #tpu.memory_space<hbm>>
        %dma_start3A_26 = tpu.memref_slice %arg5[%add3A_16] : memref<320000xi32, #tpu.memory_space<hbm>> -> memref<80xi32, #tpu.memory_space<hbm>>
        tpu.enqueue_dma source(%dma_start3A_26 : memref<80xi32, #tpu.memory_space<hbm>>) target(%arg15 : memref<80xi32, #tpu.memory_space<vmem>>) target_semaphore(%run_scoped3A : memref<!tpu.dma_semaphore, #tpu.memory_space<semaphore_mem>>)
        %dma_wait3A = tpu.memref_slice %arg5[%add3A_16] : memref<320000xi32, #tpu.memory_space<hbm>> -> memref<80xi32, #tpu.memory_space<hbm>>
        %dma_wait3A_27 = tpu.memref_slice %arg5[%add3A_16] : memref<320000xi32, #tpu.memory_space<hbm>> -> memref<80xi32, #tpu.memory_space<hbm>>
        tpu.wait_dma2 semaphore(%run_scoped3A : memref<!tpu.dma_semaphore, #tpu.memory_space<semaphore_mem>>) src(%dma_wait3A_27 : memref<80xi32, #tpu.memory_space<hbm>>) dst(%arg15 : memref<80xi32, #tpu.memory_space<vmem>>)
        tpu.yield
      }) : () -> ()
      "tpu.region"() ({
        %run_scoped3A = tpu.sem_alloc : memref<!tpu.dma_semaphore, #tpu.memory_space<semaphore_mem>>
        %dma_start3A = tpu.memref_slice %arg6[%add3A_16] : memref<320000xi32, #tpu.memory_space<hbm>> -> memref<80xi32, #tpu.memory_space<hbm>>
        %dma_start3A_26 = tpu.memref_slice %arg6[%add3A_16] : memref<320000xi32, #tpu.memory_space<hbm>> -> memref<80xi32, #tpu.memory_space<hbm>>
        tpu.enqueue_dma source(%dma_start3A_26 : memref<80xi32, #tpu.memory_space<hbm>>) target(%arg16 : memref<80xi32, #tpu.memory_space<vmem>>) target_semaphore(%run_scoped3A : memref<!tpu.dma_semaphore, #tpu.memory_space<semaphore_mem>>)
        %dma_wait3A = tpu.memref_slice %arg6[%add3A_16] : memref<320000xi32, #tpu.memory_space<hbm>> -> memref<80xi32, #tpu.memory_space<hbm>>
        %dma_wait3A_27 = tpu.memref_slice %arg6[%add3A_16] : memref<320000xi32, #tpu.memory_space<hbm>> -> memref<80xi32, #tpu.memory_space<hbm>>
        tpu.wait_dma2 semaphore(%run_scoped3A : memref<!tpu.dma_semaphore, #tpu.memory_space<semaphore_mem>>) src(%dma_wait3A_27 : memref<80xi32, #tpu.memory_space<hbm>>) dst(%arg16 : memref<80xi32, #tpu.memory_space<vmem>>)
        tpu.yield
      }) : () -> ()
      %mul3A_17 = arith.constant 4 : i32
      %mul3A_18 = arith.muli %add3A_16, %mul3A_17 : i32
      "tpu.region"() ({
        %run_scoped3A = tpu.sem_alloc : memref<!tpu.dma_semaphore, #tpu.memory_space<semaphore_mem>>
        %dma_start3A = tpu.memref_slice %arg4[%mul3A_18] : memref<1280000xf32, #tpu.memory_space<hbm>> -> memref<320xf32, #tpu.memory_space<hbm>>
        %dma_start3A_26 = tpu.memref_slice %arg4[%mul3A_18] : memref<1280000xf32, #tpu.memory_space<hbm>> -> memref<320xf32, #tpu.memory_space<hbm>>
        tpu.enqueue_dma source(%dma_start3A_26 : memref<320xf32, #tpu.memory_space<hbm>>) target(%arg17 : memref<320xf32, #tpu.memory_space<vmem>>) target_semaphore(%run_scoped3A : memref<!tpu.dma_semaphore, #tpu.memory_space<semaphore_mem>>)
        %dma_wait3A = tpu.memref_slice %arg4[%mul3A_18] : memref<1280000xf32, #tpu.memory_space<hbm>> -> memref<320xf32, #tpu.memory_space<hbm>>
        %dma_wait3A_27 = tpu.memref_slice %arg4[%mul3A_18] : memref<1280000xf32, #tpu.memory_space<hbm>> -> memref<320xf32, #tpu.memory_space<hbm>>
        tpu.wait_dma2 semaphore(%run_scoped3A : memref<!tpu.dma_semaphore, #tpu.memory_space<semaphore_mem>>) src(%dma_wait3A_27 : memref<320xf32, #tpu.memory_space<hbm>>) dst(%arg17 : memref<320xf32, #tpu.memory_space<vmem>>)
        tpu.yield
      }) : () -> ()
      %scan3A_19 = arith.constant 0 : i32
      %scan3A_20 = arith.constant 80 : i32
      %scan3A_21 = arith.addi %scan3A_19, %scan3A_20 : i32
      %scan3A_22 = arith.constant 1 : i32
      scf.for %scan3A_26 = %scan3A_19 to %scan3A_21 step %scan3A_22  : i32 {
        %broadcast_in_dim3A = vector.broadcast %scan3A_26 : i32 to vector<16xi32>
        %gather3A_27 = tpu.vector_load_idx %arg15[%broadcast_in_dim3A] : memref<80xi32, #tpu.memory_space<vmem>>[vector<16xi32>], vector<16xi32>,
        %gather3A_28 = tpu.vector_load_idx %arg16[%broadcast_in_dim3A] : memref<80xi32, #tpu.memory_space<vmem>>[vector<16xi32>], vector<16xi32>,
        %mul3A_29 = arith.constant 4 : i32
        %mul3A_30 = vector.broadcast %mul3A_29 : i32 to vector<16xi32>
        %mul3A_31 = arith.muli %broadcast_in_dim3A, %mul3A_30 : vector<16xi32>
        %add3A_32 = arith.addi %mul3A_31, %and3A_2 : vector<16xi32>
        %mul3A_33 = arith.constant 4 : i32
        %mul3A_34 = vector.broadcast %mul3A_33 : i32 to vector<16xi32>
        %mul3A_35 = arith.muli %gather3A_27, %mul3A_34 : vector<16xi32>
        %add3A_36 = arith.addi %mul3A_35, %and3A_2 : vector<16xi32>
        %gather3A_37 = tpu.vector_load_idx %arg13[%add3A_36] : memref<40960xf32, #tpu.memory_space<vmem>>[vector<16xi32>], vector<16xf32>,
        %mul3A_38 = arith.constant 4 : i32
        %mul3A_39 = vector.broadcast %mul3A_38 : i32 to vector<16xi32>
        %mul3A_40 = arith.muli %gather3A_28, %mul3A_39 : vector<16xi32>
        %add3A_41 = arith.addi %mul3A_40, %and3A_2 : vector<16xi32>
        %gather3A_42 = tpu.vector_load_idx %arg14[%add3A_41] : memref<40960xf32, #tpu.memory_space<vmem>>[vector<16xi32>], vector<16xf32>,
        %gather3A_43 = tpu.vector_load_idx %arg17[%add3A_32] : memref<320xf32, #tpu.memory_space<vmem>>[vector<16xi32>], vector<16xf32>,
        %add3A_44 = arith.addf %gather3A_37, %gather3A_43 : vector<16xf32>
        %add3A_45 = arith.addf %add3A_44, %gather3A_42 : vector<16xf32>
        %gt3A = arith.constant 0.000000e+00 : f32
        %gt3A_46 = vector.broadcast %gt3A : f32 to vector<16xf32>
        %gt3A_47 = arith.cmpf ogt, %add3A_45, %gt3A_46 : vector<16xf32>
        %mul3A_48 = arith.constant 2.000000e-01 : f32
        %mul3A_49 = vector.broadcast %mul3A_48 : f32 to vector<16xf32>
        %mul3A_50 = arith.mulf %mul3A_49, %add3A_45 : vector<16xf32>
        %select_n3A = arith.select %gt3A_47, %add3A_45, %mul3A_50 : vector<16xi1>, vector<16xf32>
        %add3A_51 = arith.addf %add3A_6, %gather3A_42 : vector<16xf32>
        %gt3A_52 = arith.constant 0.000000e+00 : f32
        %gt3A_53 = vector.broadcast %gt3A_52 : f32 to vector<16xf32>
        %gt3A_54 = arith.cmpf ogt, %add3A_51, %gt3A_53 : vector<16xf32>
        %mul3A_55 = arith.constant 2.000000e-01 : f32
        %mul3A_56 = vector.broadcast %mul3A_55 : f32 to vector<16xf32>
        %mul3A_57 = arith.mulf %mul3A_56, %add3A_51 : vector<16xf32>
        %select_n3A_58 = arith.select %gt3A_54, %add3A_51, %mul3A_57 : vector<16xi1>, vector<16xf32>
        %sub3A = arith.subf %select_n3A, %select_n3A_58 : vector<16xf32>
        %exp3A = math.exp %sub3A : vector<16xf32>
        %jit3A = arith.constant 0.000000e+00 : f32
        %broadcast_in_dim3A_59 = vector.broadcast %jit3A : f32 to vector<16xf32>
        %select_n3A_60 = arith.select %lt3A_4, %exp3A, %broadcast_in_dim3A_59 : vector<16xi1>, vector<16xf32>
        %gather3A_61 = tpu.vector_load_idx %arg12[%add3A_41] : memref<40960xf32, #tpu.memory_space<vmem>>[vector<16xi32>], vector<16xf32>,
        %add3A_62 = arith.addf %gather3A_61, %select_n3A_60 : vector<16xf32>
        tpu.vector_store_idx %arg12[%add3A_41], %add3A_62 masked %lt3A_4 : memref<40960xf32, #tpu.memory_space<vmem>>[vector<16xi32>], vector<16xf32>, vector<16xi1>
        tpu.vector_store_idx %arg20[%add3A_32], %select_n3A_60 masked %lt3A_4 : memref<320xf32, #tpu.memory_space<vmem>>[vector<16xi32>], vector<16xf32>, vector<16xi1>
      }
      %scan3A_23 = arith.constant 80 : i32
      %mul3A_24 = arith.constant 4 : i32
      %mul3A_25 = arith.muli %add3A_16, %mul3A_24 : i32
      "tpu.region"() ({
        %run_scoped3A = tpu.sem_alloc : memref<!tpu.dma_semaphore, #tpu.memory_space<semaphore_mem>>
        %dma_start3A = tpu.memref_slice %arg10[%mul3A_25] : memref<1280000xf32, #tpu.memory_space<hbm>> -> memref<320xf32, #tpu.memory_space<hbm>>
        %dma_start3A_26 = tpu.memref_slice %arg10[%mul3A_25] : memref<1280000xf32, #tpu.memory_space<hbm>> -> memref<320xf32, #tpu.memory_space<hbm>>
        tpu.enqueue_dma source(%arg20 : memref<320xf32, #tpu.memory_space<vmem>>) target(%dma_start3A_26 : memref<320xf32, #tpu.memory_space<hbm>>) target_semaphore(%run_scoped3A : memref<!tpu.dma_semaphore, #tpu.memory_space<semaphore_mem>>)
        %dma_wait3A = tpu.memref_slice %arg10[%mul3A_25] : memref<1280000xf32, #tpu.memory_space<hbm>> -> memref<320xf32, #tpu.memory_space<hbm>>
        %dma_wait3A_27 = tpu.memref_slice %arg10[%mul3A_25] : memref<1280000xf32, #tpu.memory_space<hbm>> -> memref<320xf32, #tpu.memory_space<hbm>>
        tpu.wait_dma2 semaphore(%run_scoped3A : memref<!tpu.dma_semaphore, #tpu.memory_space<semaphore_mem>>) src(%arg20 : memref<320xf32, #tpu.memory_space<vmem>>) dst(%dma_wait3A_27 : memref<320xf32, #tpu.memory_space<hbm>>)
        tpu.yield
      }) : () -> ()
    }
    %scan3A_10 = arith.constant 125 : i32
    "tpu.region"() ({
      %run_scoped3A = tpu.sem_alloc : memref<!tpu.dma_semaphore, #tpu.memory_space<semaphore_mem>>
      %dma_start3A = arith.constant 0 : i32
      %dma_start3A_11 = tpu.memref_slice %arg11[%add3A, %dma_start3A] : memref<32x40960xf32, #tpu.memory_space<hbm>> -> memref<1x40960xf32, #tpu.memory_space<hbm>>
      %dma_start3A_12 = tpu.memref_squeeze %dma_start3A_11 : memref<1x40960xf32, #tpu.memory_space<hbm>> -> memref<40960xf32, #tpu.memory_space<hbm>>
      %dma_start3A_13 = arith.constant 0 : i32
      %dma_start3A_14 = tpu.memref_slice %arg11[%add3A, %dma_start3A_13] : memref<32x40960xf32, #tpu.memory_space<hbm>> -> memref<1x40960xf32, #tpu.memory_space<hbm>>
      %dma_start3A_15 = tpu.memref_squeeze %dma_start3A_14 : memref<1x40960xf32, #tpu.memory_space<hbm>> -> memref<40960xf32, #tpu.memory_space<hbm>>
      tpu.enqueue_dma source(%arg12 : memref<40960xf32, #tpu.memory_space<vmem>>) target(%dma_start3A_15 : memref<40960xf32, #tpu.memory_space<hbm>>) target_semaphore(%run_scoped3A : memref<!tpu.dma_semaphore, #tpu.memory_space<semaphore_mem>>)
      %dma_wait3A = arith.constant 0 : i32
      %dma_wait3A_16 = tpu.memref_slice %arg11[%add3A, %dma_wait3A] : memref<32x40960xf32, #tpu.memory_space<hbm>> -> memref<1x40960xf32, #tpu.memory_space<hbm>>
      %dma_wait3A_17 = tpu.memref_squeeze %dma_wait3A_16 : memref<1x40960xf32, #tpu.memory_space<hbm>> -> memref<40960xf32, #tpu.memory_space<hbm>>
      %dma_wait3A_18 = arith.constant 0 : i32
      %dma_wait3A_19 = tpu.memref_slice %arg11[%add3A, %dma_wait3A_18] : memref<32x40960xf32, #tpu.memory_space<hbm>> -> memref<1x40960xf32, #tpu.memory_space<hbm>>
      %dma_wait3A_20 = tpu.memref_squeeze %dma_wait3A_19 : memref<1x40960xf32, #tpu.memory_space<hbm>> -> memref<40960xf32, #tpu.memory_space<hbm>>
      tpu.wait_dma2 semaphore(%run_scoped3A : memref<!tpu.dma_semaphore, #tpu.memory_space<semaphore_mem>>) src(%arg12 : memref<40960xf32, #tpu.memory_space<vmem>>) dst(%dma_wait3A_20 : memref<40960xf32, #tpu.memory_space<hbm>>)
      tpu.yield
    }) : () -> ()
    return
  }
}

#map = affine_map<(d0, d1) -> (0, 0)>
#map1 = affine_map<(d0, d1) -> (0)>
module attributes {stable_mosaic.version = 14 : i64} {
  func.func @_k5_body(%arg0: i32, %arg1: i32, %arg2: memref<10240x128xf32, #tpu.memory_space<hbm>>, %arg3: memref<40960000xf32, #tpu.memory_space<hbm>>, %arg4: memref<1280000xf32, #tpu.memory_space<hbm>>, %arg5: memref<320000xi32, #tpu.memory_space<hbm>>, %arg6: memref<320000xi32, #tpu.memory_space<hbm>>, %arg7: memref<40960000xf32, #tpu.memory_space<hbm>>, %arg8: memref<20480000xf32, #tpu.memory_space<hbm>>, %arg9: memref<2x655360xf32, #tpu.memory_space<hbm>>, %arg10: memref<2x655360xf32, #tpu.memory_space<hbm>>, %arg11: memref<80xi32, #tpu.memory_space<vmem>>, %arg12: memref<125x80xi32, #tpu.memory_space<vmem>>, %arg13: memref<80x128xf32, #tpu.memory_space<vmem>>, %arg14: memref<10240xf32, #tpu.memory_space<vmem>>, %arg15: memref<80x64xf32, #tpu.memory_space<vmem>>, %arg16: memref<80x64xf32, #tpu.memory_space<vmem>>, %arg17: memref<5120xf32, #tpu.memory_space<vmem>>, %arg18: memref<320xf32, #tpu.memory_space<vmem>>, %arg19: memref<10240x64xf32, #tpu.memory_space<vmem_shared>>, %arg20: memref<!tpu.dma_semaphore, #tpu.memory_space<semaphore_mem>>) attributes {dimension_semantics = [#tpu.dimension_semantics<core_parallel>, #tpu.dimension_semantics<subcore_parallel>], iteration_bounds = array<i64: 2, 16>, scalar_prefetch = 0 : i64, scratch_operands = 10 : i64, tpu.core_type = #tpu.core_type<sc_vector_subcore>, window_params = [{transform_indices = #map}, {transform_indices = #map1}, {transform_indices = #map1}, {transform_indices = #map1}, {transform_indices = #map1}, {transform_indices = #map1}, {transform_indices = #map1}, {transform_indices = #map}, {transform_indices = #map}]} {
    %mul3A = arith.constant 2 : i32
    %mul3A_0 = arith.muli %arg1, %mul3A : i32
    %add3A = arith.addi %mul3A_0, %arg0 : i32
    %broadcast_in_dim3A = arith.constant 0.000000e+00 : f32
    %broadcast_in_dim3A_1 = vector.broadcast %broadcast_in_dim3A : f32 to vector<16xf32>
    %scan3A = arith.constant 0 : i32
    %scan3A_2 = arith.constant 80 : i32
    %scan3A_3 = arith.addi %scan3A, %scan3A_2 : i32
    %scan3A_4 = arith.constant 1 : i32
    scf.for %scan3A_45 = %scan3A to %scan3A_3 step %scan3A_4  : i32 {
      %swap3A = arith.index_cast %scan3A_45 : i32 to index
      %swap3A_46 = arith.constant 0 : index
      %swap3A_47 = tpu.vector_load %arg16[%swap3A, %swap3A_46] {strides = array<i32>} : memref<80x64xf32, #tpu.memory_space<vmem>>, vector<16xf32>,
      tpu.vector_store %arg16[%swap3A, %swap3A_46], %broadcast_in_dim3A_1 {strides = array<i32>} : memref<80x64xf32, #tpu.memory_space<vmem>>, vector<16xf32>,
      %swap3A_48 = arith.index_cast %scan3A_45 : i32 to index
      %swap3A_49 = arith.constant 16 : index
      %swap3A_50 = tpu.vector_load %arg16[%swap3A_48, %swap3A_49] {strides = array<i32>} : memref<80x64xf32, #tpu.memory_space<vmem>>, vector<16xf32>,
      tpu.vector_store %arg16[%swap3A_48, %swap3A_49], %broadcast_in_dim3A_1 {strides = array<i32>} : memref<80x64xf32, #tpu.memory_space<vmem>>, vector<16xf32>,
      %swap3A_51 = arith.index_cast %scan3A_45 : i32 to index
      %swap3A_52 = arith.constant 32 : index
      %swap3A_53 = tpu.vector_load %arg16[%swap3A_51, %swap3A_52] {strides = array<i32>} : memref<80x64xf32, #tpu.memory_space<vmem>>, vector<16xf32>,
      tpu.vector_store %arg16[%swap3A_51, %swap3A_52], %broadcast_in_dim3A_1 {strides = array<i32>} : memref<80x64xf32, #tpu.memory_space<vmem>>, vector<16xf32>,
      %swap3A_54 = arith.index_cast %scan3A_45 : i32 to index
      %swap3A_55 = arith.constant 48 : index
      %swap3A_56 = tpu.vector_load %arg16[%swap3A_54, %swap3A_55] {strides = array<i32>} : memref<80x64xf32, #tpu.memory_space<vmem>>, vector<16xf32>,
      tpu.vector_store %arg16[%swap3A_54, %swap3A_55], %broadcast_in_dim3A_1 {strides = array<i32>} : memref<80x64xf32, #tpu.memory_space<vmem>>, vector<16xf32>,
    }
    %scan3A_5 = arith.constant 80 : i32
    %scan3A_6 = arith.constant 0 : i32
    %scan3A_7 = arith.constant 8 : i32
    %scan3A_8 = arith.addi %scan3A_6, %scan3A_7 : i32
    %scan3A_9 = arith.constant 1 : i32
    scf.for %scan3A_45 = %scan3A_6 to %scan3A_8 step %scan3A_9  : i32 {
      %mul3A_46 = arith.constant 640 : i32
      %mul3A_47 = arith.muli %arg1, %mul3A_46 : i32
      %mul3A_48 = arith.constant 80 : i32
      %mul3A_49 = arith.muli %scan3A_45, %mul3A_48 : i32
      %add3A_50 = arith.addi %mul3A_47, %mul3A_49 : i32
      "tpu.region"() ({
        %run_scoped3A = tpu.sem_alloc : memref<!tpu.dma_semaphore, #tpu.memory_space<semaphore_mem>>
        %dma_start3A = arith.constant 0 : i32
        %dma_start3A_51 = tpu.memref_slice %arg19[%add3A_50, %dma_start3A] : memref<10240x64xf32, #tpu.memory_space<vmem_shared>> -> memref<80x64xf32, #tpu.memory_space<vmem_shared>>
        %dma_start3A_52 = arith.constant 0 : i32
        %dma_start3A_53 = tpu.memref_slice %arg19[%add3A_50, %dma_start3A_52] : memref<10240x64xf32, #tpu.memory_space<vmem_shared>> -> memref<80x64xf32, #tpu.memory_space<vmem_shared>>
        tpu.enqueue_dma source(%arg16 : memref<80x64xf32, #tpu.memory_space<vmem>>) target(%dma_start3A_53 : memref<80x64xf32, #tpu.memory_space<vmem_shared>>) target_semaphore(%run_scoped3A : memref<!tpu.dma_semaphore, #tpu.memory_space<semaphore_mem>>)
        %dma_wait3A = arith.constant 0 : i32
        %dma_wait3A_54 = tpu.memref_slice %arg19[%add3A_50, %dma_wait3A] : memref<10240x64xf32, #tpu.memory_space<vmem_shared>> -> memref<80x64xf32, #tpu.memory_space<vmem_shared>>
        %dma_wait3A_55 = arith.constant 0 : i32
        %dma_wait3A_56 = tpu.memref_slice %arg19[%add3A_50, %dma_wait3A_55] : memref<10240x64xf32, #tpu.memory_space<vmem_shared>> -> memref<80x64xf32, #tpu.memory_space<vmem_shared>>
        tpu.wait_dma2 semaphore(%run_scoped3A : memref<!tpu.dma_semaphore, #tpu.memory_space<semaphore_mem>>) src(%arg16 : memref<80x64xf32, #tpu.memory_space<vmem>>) dst(%dma_wait3A_56 : memref<80x64xf32, #tpu.memory_space<vmem_shared>>)
        tpu.yield
      }) : () -> ()
    }
    %scan3A_10 = arith.constant 8 : i32
    %barrier3A = arith.constant 0 : index
    tpu.barrier barrier_id(%barrier3A)
    %scan3A_11 = arith.constant 0 : i32
    %scan3A_12 = arith.constant 125 : i32
    %scan3A_13 = arith.addi %scan3A_11, %scan3A_12 : i32
    %scan3A_14 = arith.constant 1 : i32
    scf.for %scan3A_45 = %scan3A_11 to %scan3A_13 step %scan3A_14  : i32 {
      %mul3A_46 = arith.constant 10000 : i32
      %mul3A_47 = arith.muli %add3A, %mul3A_46 : i32
      %mul3A_48 = arith.constant 80 : i32
      %mul3A_49 = arith.muli %scan3A_45, %mul3A_48 : i32
      %add3A_50 = arith.addi %mul3A_47, %mul3A_49 : i32
      "tpu.region"() ({
        %run_scoped3A = tpu.sem_alloc : memref<!tpu.dma_semaphore, #tpu.memory_space<semaphore_mem>>
        %dma_start3A_68 = tpu.memref_slice %arg5[%add3A_50] : memref<320000xi32, #tpu.memory_space<hbm>> -> memref<80xi32, #tpu.memory_space<hbm>>
        %dma_start3A_69 = tpu.memref_slice %arg5[%add3A_50] : memref<320000xi32, #tpu.memory_space<hbm>> -> memref<80xi32, #tpu.memory_space<hbm>>
        tpu.enqueue_dma source(%dma_start3A_69 : memref<80xi32, #tpu.memory_space<hbm>>) target(%arg11 : memref<80xi32, #tpu.memory_space<vmem>>) target_semaphore(%run_scoped3A : memref<!tpu.dma_semaphore, #tpu.memory_space<semaphore_mem>>)
        %dma_wait3A_70 = tpu.memref_slice %arg5[%add3A_50] : memref<320000xi32, #tpu.memory_space<hbm>> -> memref<80xi32, #tpu.memory_space<hbm>>
        %dma_wait3A_71 = tpu.memref_slice %arg5[%add3A_50] : memref<320000xi32, #tpu.memory_space<hbm>> -> memref<80xi32, #tpu.memory_space<hbm>>
        tpu.wait_dma2 semaphore(%run_scoped3A : memref<!tpu.dma_semaphore, #tpu.memory_space<semaphore_mem>>) src(%dma_wait3A_71 : memref<80xi32, #tpu.memory_space<hbm>>) dst(%arg11 : memref<80xi32, #tpu.memory_space<vmem>>)
        tpu.yield
      }) : () -> ()
      "tpu.region"() ({
        %run_scoped3A = tpu.sem_alloc : memref<!tpu.dma_semaphore, #tpu.memory_space<semaphore_mem>>
        %dma_start3A_68 = arith.constant 0 : i32
        %dma_start3A_69 = tpu.memref_slice %arg12[%scan3A_45, %dma_start3A_68] : memref<125x80xi32, #tpu.memory_space<vmem>> -> memref<1x80xi32, #tpu.memory_space<vmem>>
        %dma_start3A_70 = tpu.memref_squeeze %dma_start3A_69 : memref<1x80xi32, #tpu.memory_space<vmem>> -> memref<80xi32, #tpu.memory_space<vmem>>
        %dma_start3A_71 = tpu.memref_slice %arg6[%add3A_50] : memref<320000xi32, #tpu.memory_space<hbm>> -> memref<80xi32, #tpu.memory_space<hbm>>
        %dma_start3A_72 = arith.constant 0 : i32
        %dma_start3A_73 = tpu.memref_slice %arg12[%scan3A_45, %dma_start3A_72] : memref<125x80xi32, #tpu.memory_space<vmem>> -> memref<1x80xi32, #tpu.memory_space<vmem>>
        %dma_start3A_74 = tpu.memref_squeeze %dma_start3A_73 : memref<1x80xi32, #tpu.memory_space<vmem>> -> memref<80xi32, #tpu.memory_space<vmem>>
        %dma_start3A_75 = tpu.memref_slice %arg6[%add3A_50] : memref<320000xi32, #tpu.memory_space<hbm>> -> memref<80xi32, #tpu.memory_space<hbm>>
        tpu.enqueue_dma source(%dma_start3A_75 : memref<80xi32, #tpu.memory_space<hbm>>) target(%dma_start3A_74 : memref<80xi32, #tpu.memory_space<vmem>>) target_semaphore(%run_scoped3A : memref<!tpu.dma_semaphore, #tpu.memory_space<semaphore_mem>>)
        %dma_wait3A_76 = arith.constant 0 : i32
        %dma_wait3A_77 = tpu.memref_slice %arg12[%scan3A_45, %dma_wait3A_76] : memref<125x80xi32, #tpu.memory_space<vmem>> -> memref<1x80xi32, #tpu.memory_space<vmem>>
        %dma_wait3A_78 = tpu.memref_squeeze %dma_wait3A_77 : memref<1x80xi32, #tpu.memory_space<vmem>> -> memref<80xi32, #tpu.memory_space<vmem>>
        %dma_wait3A_79 = tpu.memref_slice %arg6[%add3A_50] : memref<320000xi32, #tpu.memory_space<hbm>> -> memref<80xi32, #tpu.memory_space<hbm>>
        %dma_wait3A_80 = arith.constant 0 : i32
        %dma_wait3A_81 = tpu.memref_slice %arg12[%scan3A_45, %dma_wait3A_80] : memref<125x80xi32, #tpu.memory_space<vmem>> -> memref<1x80xi32, #tpu.memory_space<vmem>>
        %dma_wait3A_82 = tpu.memref_squeeze %dma_wait3A_81 : memref<1x80xi32, #tpu.memory_space<vmem>> -> memref<80xi32, #tpu.memory_space<vmem>>
        %dma_wait3A_83 = tpu.memref_slice %arg6[%add3A_50] : memref<320000xi32, #tpu.memory_space<hbm>> -> memref<80xi32, #tpu.memory_space<hbm>>
        tpu.wait_dma2 semaphore(%run_scoped3A : memref<!tpu.dma_semaphore, #tpu.memory_space<semaphore_mem>>) src(%dma_wait3A_83 : memref<80xi32, #tpu.memory_space<hbm>>) dst(%dma_wait3A_82 : memref<80xi32, #tpu.memory_space<vmem>>)
        tpu.yield
      }) : () -> ()
      %dma_start3A = arith.constant 0 : i32
      %dma_start3A_51 = arith.constant 0 : i32
      %dma_start3A_52 = tpu.memref_slice %arg2[%dma_start3A, %dma_start3A_51] : memref<10240x128xf32, #tpu.memory_space<hbm>> -> memref<10240x128xf32, #tpu.memory_space<hbm>>
      tpu.enqueue_indirect_dma source(%dma_start3A_52 : memref<10240x128xf32, #tpu.memory_space<hbm>>) target(%arg13 : memref<80x128xf32, #tpu.memory_space<vmem>>) offsets(%arg11 : memref<80xi32, #tpu.memory_space<vmem>>) semaphore(%arg20 : memref<!tpu.dma_semaphore, #tpu.memory_space<semaphore_mem>>)
      %dma_wait3A = arith.constant 0 : i32
      %dma_wait3A_53 = arith.constant 0 : i32
      %dma_wait3A_54 = tpu.memref_slice %arg2[%dma_wait3A, %dma_wait3A_53] : memref<10240x128xf32, #tpu.memory_space<hbm>> -> memref<10240x128xf32, #tpu.memory_space<hbm>>
      tpu.wait_indirect_dma semaphore(%arg20 : memref<!tpu.dma_semaphore, #tpu.memory_space<semaphore_mem>>) src(%dma_wait3A_54 : memref<10240x128xf32, #tpu.memory_space<hbm>>) dst(%arg13 : memref<80x128xf32, #tpu.memory_space<vmem>>)
      %mul3A_55 = arith.constant 128 : i32
      %mul3A_56 = arith.muli %add3A_50, %mul3A_55 : i32
      "tpu.region"() ({
        %run_scoped3A = tpu.sem_alloc : memref<!tpu.dma_semaphore, #tpu.memory_space<semaphore_mem>>
        %dma_start3A_68 = tpu.memref_slice %arg3[%mul3A_56] : memref<40960000xf32, #tpu.memory_space<hbm>> -> memref<10240xf32, #tpu.memory_space<hbm>>
        %dma_start3A_69 = tpu.memref_slice %arg3[%mul3A_56] : memref<40960000xf32, #tpu.memory_space<hbm>> -> memref<10240xf32, #tpu.memory_space<hbm>>
        tpu.enqueue_dma source(%dma_start3A_69 : memref<10240xf32, #tpu.memory_space<hbm>>) target(%arg14 : memref<10240xf32, #tpu.memory_space<vmem>>) target_semaphore(%run_scoped3A : memref<!tpu.dma_semaphore, #tpu.memory_space<semaphore_mem>>)
        %dma_wait3A_70 = tpu.memref_slice %arg3[%mul3A_56] : memref<40960000xf32, #tpu.memory_space<hbm>> -> memref<10240xf32, #tpu.memory_space<hbm>>
        %dma_wait3A_71 = tpu.memref_slice %arg3[%mul3A_56] : memref<40960000xf32, #tpu.memory_space<hbm>> -> memref<10240xf32, #tpu.memory_space<hbm>>
        tpu.wait_dma2 semaphore(%run_scoped3A : memref<!tpu.dma_semaphore, #tpu.memory_space<semaphore_mem>>) src(%dma_wait3A_71 : memref<10240xf32, #tpu.memory_space<hbm>>) dst(%arg14 : memref<10240xf32, #tpu.memory_space<vmem>>)
        tpu.yield
      }) : () -> ()
      %mul3A_57 = arith.constant 4 : i32
      %mul3A_58 = arith.muli %add3A_50, %mul3A_57 : i32
      "tpu.region"() ({
        %run_scoped3A = tpu.sem_alloc : memref<!tpu.dma_semaphore, #tpu.memory_space<semaphore_mem>>
        %dma_start3A_68 = tpu.memref_slice %arg4[%mul3A_58] : memref<1280000xf32, #tpu.memory_space<hbm>> -> memref<320xf32, #tpu.memory_space<hbm>>
        %dma_start3A_69 = tpu.memref_slice %arg4[%mul3A_58] : memref<1280000xf32, #tpu.memory_space<hbm>> -> memref<320xf32, #tpu.memory_space<hbm>>
        tpu.enqueue_dma source(%dma_start3A_69 : memref<320xf32, #tpu.memory_space<hbm>>) target(%arg18 : memref<320xf32, #tpu.memory_space<vmem>>) target_semaphore(%run_scoped3A : memref<!tpu.dma_semaphore, #tpu.memory_space<semaphore_mem>>)
        %dma_wait3A_70 = tpu.memref_slice %arg4[%mul3A_58] : memref<1280000xf32, #tpu.memory_space<hbm>> -> memref<320xf32, #tpu.memory_space<hbm>>
        %dma_wait3A_71 = tpu.memref_slice %arg4[%mul3A_58] : memref<1280000xf32, #tpu.memory_space<hbm>> -> memref<320xf32, #tpu.memory_space<hbm>>
        tpu.wait_dma2 semaphore(%run_scoped3A : memref<!tpu.dma_semaphore, #tpu.memory_space<semaphore_mem>>) src(%dma_wait3A_71 : memref<320xf32, #tpu.memory_space<hbm>>) dst(%arg18 : memref<320xf32, #tpu.memory_space<vmem>>)
        tpu.yield
      }) : () -> ()
      %scan3A_59 = arith.constant 0 : i32
      %scan3A_60 = arith.constant 80 : i32
      %scan3A_61 = arith.addi %scan3A_59, %scan3A_60 : i32
      %scan3A_62 = arith.constant 1 : i32
      scf.for %scan3A_68 = %scan3A_59 to %scan3A_61 step %scan3A_62  : i32 {
        %mul3A_69 = arith.constant 4 : i32
        %mul3A_70 = arith.muli %scan3A_68, %mul3A_69 : i32
        %add3A_71 = arith.constant 0 : i32
        %add3A_72 = arith.addi %mul3A_70, %add3A_71 : i32
        %broadcast_in_dim3A_73 = vector.broadcast %add3A_72 : i32 to vector<16xi32>
        %gather3A = tpu.vector_load_idx %arg18[%broadcast_in_dim3A_73] : memref<320xf32, #tpu.memory_space<vmem>>[vector<16xi32>], vector<16xf32>,
        %mul3A_74 = arith.constant 128 : i32
        %mul3A_75 = arith.muli %scan3A_68, %mul3A_74 : i32
        %add3A_76 = arith.constant 0 : i32
        %add3A_77 = arith.addi %mul3A_75, %add3A_76 : i32
        %get3A = arith.index_cast %scan3A_68 : i32 to index
        %get3A_78 = arith.constant 0 : index
        %get3A_79 = tpu.vector_load %arg13[%get3A, %get3A_78] {strides = array<i32>} : memref<80x128xf32, #tpu.memory_space<vmem>>, vector<16xf32>,
        %get3A_80 = arith.index_cast %add3A_77 : i32 to index
        %get3A_81 = tpu.vector_load %arg14[%get3A_80] {strides = array<i32>} : memref<10240xf32, #tpu.memory_space<vmem>>, vector<16xf32>,
        %add3A_82 = arith.addf %get3A_79, %get3A_81 : vector<16xf32>
        %mul3A_83 = arith.mulf %add3A_82, %gather3A : vector<16xf32>
        %swap3A = arith.index_cast %scan3A_68 : i32 to index
        %swap3A_84 = arith.constant 0 : index
        %swap3A_85 = tpu.vector_load %arg15[%swap3A, %swap3A_84] {strides = array<i32>} : memref<80x64xf32, #tpu.memory_space<vmem>>, vector<16xf32>,
        tpu.vector_store %arg15[%swap3A, %swap3A_84], %mul3A_83 {strides = array<i32>} : memref<80x64xf32, #tpu.memory_space<vmem>>, vector<16xf32>,
        %gt3A = arith.constant 0.000000e+00 : f32
        %gt3A_86 = vector.broadcast %gt3A : f32 to vector<16xf32>
        %gt3A_87 = arith.cmpf ogt, %mul3A_83, %gt3A_86 : vector<16xf32>
        %exp3A = math.exp %mul3A_83 : vector<16xf32>
        %sub3A = arith.constant 1.000000e+00 : f32
        %sub3A_88 = vector.broadcast %sub3A : f32 to vector<16xf32>
        %sub3A_89 = arith.subf %exp3A, %sub3A_88 : vector<16xf32>
        %select_n3A = arith.select %gt3A_87, %mul3A_83, %sub3A_89 : vector<16xi1>, vector<16xf32>
        %swap3A_90 = arith.index_cast %add3A_77 : i32 to index
        %swap3A_91 = tpu.vector_load %arg14[%swap3A_90] {strides = array<i32>} : memref<10240xf32, #tpu.memory_space<vmem>>, vector<16xf32>,
        tpu.vector_store %arg14[%swap3A_90], %select_n3A {strides = array<i32>} : memref<10240xf32, #tpu.memory_space<vmem>>, vector<16xf32>,
        %mul3A_92 = arith.constant 128 : i32
        %mul3A_93 = arith.muli %scan3A_68, %mul3A_92 : i32
        %add3A_94 = arith.constant 16 : i32
        %add3A_95 = arith.addi %mul3A_93, %add3A_94 : i32
        %get3A_96 = arith.index_cast %scan3A_68 : i32 to index
        %get3A_97 = arith.constant 16 : index
        %get3A_98 = tpu.vector_load %arg13[%get3A_96, %get3A_97] {strides = array<i32>} : memref<80x128xf32, #tpu.memory_space<vmem>>, vector<16xf32>,
        %get3A_99 = arith.index_cast %add3A_95 : i32 to index
        %get3A_100 = tpu.vector_load %arg14[%get3A_99] {strides = array<i32>} : memref<10240xf32, #tpu.memory_space<vmem>>, vector<16xf32>,
        %add3A_101 = arith.addf %get3A_98, %get3A_100 : vector<16xf32>
        %mul3A_102 = arith.mulf %add3A_101, %gather3A : vector<16xf32>
        %swap3A_103 = arith.index_cast %scan3A_68 : i32 to index
        %swap3A_104 = arith.constant 16 : index
        %swap3A_105 = tpu.vector_load %arg15[%swap3A_103, %swap3A_104] {strides = array<i32>} : memref<80x64xf32, #tpu.memory_space<vmem>>, vector<16xf32>,
        tpu.vector_store %arg15[%swap3A_103, %swap3A_104], %mul3A_102 {strides = array<i32>} : memref<80x64xf32, #tpu.memory_space<vmem>>, vector<16xf32>,
        %gt3A_106 = arith.constant 0.000000e+00 : f32
        %gt3A_107 = vector.broadcast %gt3A_106 : f32 to vector<16xf32>
        %gt3A_108 = arith.cmpf ogt, %mul3A_102, %gt3A_107 : vector<16xf32>
        %exp3A_109 = math.exp %mul3A_102 : vector<16xf32>
        %sub3A_110 = arith.constant 1.000000e+00 : f32
        %sub3A_111 = vector.broadcast %sub3A_110 : f32 to vector<16xf32>
        %sub3A_112 = arith.subf %exp3A_109, %sub3A_111 : vector<16xf32>
        %select_n3A_113 = arith.select %gt3A_108, %mul3A_102, %sub3A_112 : vector<16xi1>, vector<16xf32>
        %swap3A_114 = arith.index_cast %add3A_95 : i32 to index
        %swap3A_115 = tpu.vector_load %arg14[%swap3A_114] {strides = array<i32>} : memref<10240xf32, #tpu.memory_space<vmem>>, vector<16xf32>,
        tpu.vector_store %arg14[%swap3A_114], %select_n3A_113 {strides = array<i32>} : memref<10240xf32, #tpu.memory_space<vmem>>, vector<16xf32>,
        %mul3A_116 = arith.constant 4 : i32
        %mul3A_117 = arith.muli %scan3A_68, %mul3A_116 : i32
        %add3A_118 = arith.constant 1 : i32
        %add3A_119 = arith.addi %mul3A_117, %add3A_118 : i32
        %broadcast_in_dim3A_120 = vector.broadcast %add3A_119 : i32 to vector<16xi32>
        %gather3A_121 = tpu.vector_load_idx %arg18[%broadcast_in_dim3A_120] : memref<320xf32, #tpu.memory_space<vmem>>[vector<16xi32>], vector<16xf32>,
        %mul3A_122 = arith.constant 128 : i32
        %mul3A_123 = arith.muli %scan3A_68, %mul3A_122 : i32
        %add3A_124 = arith.constant 32 : i32
        %add3A_125 = arith.addi %mul3A_123, %add3A_124 : i32
        %get3A_126 = arith.index_cast %scan3A_68 : i32 to index
        %get3A_127 = arith.constant 32 : index
        %get3A_128 = tpu.vector_load %arg13[%get3A_126, %get3A_127] {strides = array<i32>} : memref<80x128xf32, #tpu.memory_space<vmem>>, vector<16xf32>,
        %get3A_129 = arith.index_cast %add3A_125 : i32 to index
        %get3A_130 = tpu.vector_load %arg14[%get3A_129] {strides = array<i32>} : memref<10240xf32, #tpu.memory_space<vmem>>, vector<16xf32>,
        %add3A_131 = arith.addf %get3A_128, %get3A_130 : vector<16xf32>
        %mul3A_132 = arith.mulf %add3A_131, %gather3A_121 : vector<16xf32>
        %swap3A_133 = arith.index_cast %scan3A_68 : i32 to index
        %swap3A_134 = arith.constant 32 : index
        %swap3A_135 = tpu.vector_load %arg15[%swap3A_133, %swap3A_134] {strides = array<i32>} : memref<80x64xf32, #tpu.memory_space<vmem>>, vector<16xf32>,
        tpu.vector_store %arg15[%swap3A_133, %swap3A_134], %mul3A_132 {strides = array<i32>} : memref<80x64xf32, #tpu.memory_space<vmem>>, vector<16xf32>,
        %gt3A_136 = arith.constant 0.000000e+00 : f32
        %gt3A_137 = vector.broadcast %gt3A_136 : f32 to vector<16xf32>
        %gt3A_138 = arith.cmpf ogt, %mul3A_132, %gt3A_137 : vector<16xf32>
        %exp3A_139 = math.exp %mul3A_132 : vector<16xf32>
        %sub3A_140 = arith.constant 1.000000e+00 : f32
        %sub3A_141 = vector.broadcast %sub3A_140 : f32 to vector<16xf32>
        %sub3A_142 = arith.subf %exp3A_139, %sub3A_141 : vector<16xf32>
        %select_n3A_143 = arith.select %gt3A_138, %mul3A_132, %sub3A_142 : vector<16xi1>, vector<16xf32>
        %swap3A_144 = arith.index_cast %add3A_125 : i32 to index
        %swap3A_145 = tpu.vector_load %arg14[%swap3A_144] {strides = array<i32>} : memref<10240xf32, #tpu.memory_space<vmem>>, vector<16xf32>,
        tpu.vector_store %arg14[%swap3A_144], %select_n3A_143 {strides = array<i32>} : memref<10240xf32, #tpu.memory_space<vmem>>, vector<16xf32>,
        %mul3A_146 = arith.constant 128 : i32
        %mul3A_147 = arith.muli %scan3A_68, %mul3A_146 : i32
        %add3A_148 = arith.constant 48 : i32
        %add3A_149 = arith.addi %mul3A_147, %add3A_148 : i32
        %get3A_150 = arith.index_cast %scan3A_68 : i32 to index
        %get3A_151 = arith.constant 48 : index
        %get3A_152 = tpu.vector_load %arg13[%get3A_150, %get3A_151] {strides = array<i32>} : memref<80x128xf32, #tpu.memory_space<vmem>>, vector<16xf32>,
        %get3A_153 = arith.index_cast %add3A_149 : i32 to index
        %get3A_154 = tpu.vector_load %arg14[%get3A_153] {strides = array<i32>} : memref<10240xf32, #tpu.memory_space<vmem>>, vector<16xf32>,
        %add3A_155 = arith.addf %get3A_152, %get3A_154 : vector<16xf32>
        %mul3A_156 = arith.mulf %add3A_155, %gather3A_121 : vector<16xf32>
        %swap3A_157 = arith.index_cast %scan3A_68 : i32 to index
        %swap3A_158 = arith.constant 48 : index
        %swap3A_159 = tpu.vector_load %arg15[%swap3A_157, %swap3A_158] {strides = array<i32>} : memref<80x64xf32, #tpu.memory_space<vmem>>, vector<16xf32>,
        tpu.vector_store %arg15[%swap3A_157, %swap3A_158], %mul3A_156 {strides = array<i32>} : memref<80x64xf32, #tpu.memory_space<vmem>>, vector<16xf32>,
        %gt3A_160 = arith.constant 0.000000e+00 : f32
        %gt3A_161 = vector.broadcast %gt3A_160 : f32 to vector<16xf32>
        %gt3A_162 = arith.cmpf ogt, %mul3A_156, %gt3A_161 : vector<16xf32>
        %exp3A_163 = math.exp %mul3A_156 : vector<16xf32>
        %sub3A_164 = arith.constant 1.000000e+00 : f32
        %sub3A_165 = vector.broadcast %sub3A_164 : f32 to vector<16xf32>
        %sub3A_166 = arith.subf %exp3A_163, %sub3A_165 : vector<16xf32>
        %select_n3A_167 = arith.select %gt3A_162, %mul3A_156, %sub3A_166 : vector<16xi1>, vector<16xf32>
        %swap3A_168 = arith.index_cast %add3A_149 : i32 to index
        %swap3A_169 = tpu.vector_load %arg14[%swap3A_168] {strides = array<i32>} : memref<10240xf32, #tpu.memory_space<vmem>>, vector<16xf32>,
        tpu.vector_store %arg14[%swap3A_168], %select_n3A_167 {strides = array<i32>} : memref<10240xf32, #tpu.memory_space<vmem>>, vector<16xf32>,
        %mul3A_170 = arith.constant 4 : i32
        %mul3A_171 = arith.muli %scan3A_68, %mul3A_170 : i32
        %add3A_172 = arith.constant 2 : i32
        %add3A_173 = arith.addi %mul3A_171, %add3A_172 : i32
        %broadcast_in_dim3A_174 = vector.broadcast %add3A_173 : i32 to vector<16xi32>
        %gather3A_175 = tpu.vector_load_idx %arg18[%broadcast_in_dim3A_174] : memref<320xf32, #tpu.memory_space<vmem>>[vector<16xi32>], vector<16xf32>,
        %mul3A_176 = arith.constant 128 : i32
        %mul3A_177 = arith.muli %scan3A_68, %mul3A_176 : i32
        %add3A_178 = arith.constant 64 : i32
        %add3A_179 = arith.addi %mul3A_177, %add3A_178 : i32
        %get3A_180 = arith.index_cast %scan3A_68 : i32 to index
        %get3A_181 = arith.constant 64 : index
        %get3A_182 = tpu.vector_load %arg13[%get3A_180, %get3A_181] {strides = array<i32>} : memref<80x128xf32, #tpu.memory_space<vmem>>, vector<16xf32>,
        %get3A_183 = arith.index_cast %add3A_179 : i32 to index
        %get3A_184 = tpu.vector_load %arg14[%get3A_183] {strides = array<i32>} : memref<10240xf32, #tpu.memory_space<vmem>>, vector<16xf32>,
        %add3A_185 = arith.addf %get3A_182, %get3A_184 : vector<16xf32>
        %mul3A_186 = arith.mulf %add3A_185, %gather3A_175 : vector<16xf32>
        %mul3A_187 = arith.constant 64 : i32
        %mul3A_188 = arith.muli %scan3A_68, %mul3A_187 : i32
        %add3A_189 = arith.constant 64 : i32
        %add3A_190 = arith.addi %mul3A_188, %add3A_189 : i32
        %sub3A_191 = arith.constant 64 : i32
        %sub3A_192 = arith.subi %add3A_190, %sub3A_191 : i32
        %swap3A_193 = arith.index_cast %sub3A_192 : i32 to index
        %swap3A_194 = tpu.vector_load %arg17[%swap3A_193] {strides = array<i32>} : memref<5120xf32, #tpu.memory_space<vmem>>, vector<16xf32>,
        tpu.vector_store %arg17[%swap3A_193], %mul3A_186 {strides = array<i32>} : memref<5120xf32, #tpu.memory_space<vmem>>, vector<16xf32>,
        %gt3A_195 = arith.constant 0.000000e+00 : f32
        %gt3A_196 = vector.broadcast %gt3A_195 : f32 to vector<16xf32>
        %gt3A_197 = arith.cmpf ogt, %mul3A_186, %gt3A_196 : vector<16xf32>
        %exp3A_198 = math.exp %mul3A_186 : vector<16xf32>
        %sub3A_199 = arith.constant 1.000000e+00 : f32
        %sub3A_200 = vector.broadcast %sub3A_199 : f32 to vector<16xf32>
        %sub3A_201 = arith.subf %exp3A_198, %sub3A_200 : vector<16xf32>
        %select_n3A_202 = arith.select %gt3A_197, %mul3A_186, %sub3A_201 : vector<16xi1>, vector<16xf32>
        %swap3A_203 = arith.index_cast %add3A_179 : i32 to index
        %swap3A_204 = tpu.vector_load %arg14[%swap3A_203] {strides = array<i32>} : memref<10240xf32, #tpu.memory_space<vmem>>, vector<16xf32>,
        tpu.vector_store %arg14[%swap3A_203], %select_n3A_202 {strides = array<i32>} : memref<10240xf32, #tpu.memory_space<vmem>>, vector<16xf32>,
        %mul3A_205 = arith.constant 128 : i32
        %mul3A_206 = arith.muli %scan3A_68, %mul3A_205 : i32
        %add3A_207 = arith.constant 80 : i32
        %add3A_208 = arith.addi %mul3A_206, %add3A_207 : i32
        %get3A_209 = arith.index_cast %scan3A_68 : i32 to index
        %get3A_210 = arith.constant 80 : index
        %get3A_211 = tpu.vector_load %arg13[%get3A_209, %get3A_210] {strides = array<i32>} : memref<80x128xf32, #tpu.memory_space<vmem>>, vector<16xf32>,
        %get3A_212 = arith.index_cast %add3A_208 : i32 to index
        %get3A_213 = tpu.vector_load %arg14[%get3A_212] {strides = array<i32>} : memref<10240xf32, #tpu.memory_space<vmem>>, vector<16xf32>,
        %add3A_214 = arith.addf %get3A_211, %get3A_213 : vector<16xf32>
        %mul3A_215 = arith.mulf %add3A_214, %gather3A_175 : vector<16xf32>
        %mul3A_216 = arith.constant 64 : i32
        %mul3A_217 = arith.muli %scan3A_68, %mul3A_216 : i32
        %add3A_218 = arith.constant 80 : i32
        %add3A_219 = arith.addi %mul3A_217, %add3A_218 : i32
        %sub3A_220 = arith.constant 64 : i32
        %sub3A_221 = arith.subi %add3A_219, %sub3A_220 : i32
        %swap3A_222 = arith.index_cast %sub3A_221 : i32 to index
        %swap3A_223 = tpu.vector_load %arg17[%swap3A_222] {strides = array<i32>} : memref<5120xf32, #tpu.memory_space<vmem>>, vector<16xf32>,
        tpu.vector_store %arg17[%swap3A_222], %mul3A_215 {strides = array<i32>} : memref<5120xf32, #tpu.memory_space<vmem>>, vector<16xf32>,
        %gt3A_224 = arith.constant 0.000000e+00 : f32
        %gt3A_225 = vector.broadcast %gt3A_224 : f32 to vector<16xf32>
        %gt3A_226 = arith.cmpf ogt, %mul3A_215, %gt3A_225 : vector<16xf32>
        %exp3A_227 = math.exp %mul3A_215 : vector<16xf32>
        %sub3A_228 = arith.constant 1.000000e+00 : f32
        %sub3A_229 = vector.broadcast %sub3A_228 : f32 to vector<16xf32>
        %sub3A_230 = arith.subf %exp3A_227, %sub3A_229 : vector<16xf32>
        %select_n3A_231 = arith.select %gt3A_226, %mul3A_215, %sub3A_230 : vector<16xi1>, vector<16xf32>
        %swap3A_232 = arith.index_cast %add3A_208 : i32 to index
        %swap3A_233 = tpu.vector_load %arg14[%swap3A_232] {strides = array<i32>} : memref<10240xf32, #tpu.memory_space<vmem>>, vector<16xf32>,
        tpu.vector_store %arg14[%swap3A_232], %select_n3A_231 {strides = array<i32>} : memref<10240xf32, #tpu.memory_space<vmem>>, vector<16xf32>,
        %mul3A_234 = arith.constant 4 : i32
        %mul3A_235 = arith.muli %scan3A_68, %mul3A_234 : i32
        %add3A_236 = arith.constant 3 : i32
        %add3A_237 = arith.addi %mul3A_235, %add3A_236 : i32
        %broadcast_in_dim3A_238 = vector.broadcast %add3A_237 : i32 to vector<16xi32>
        %gather3A_239 = tpu.vector_load_idx %arg18[%broadcast_in_dim3A_238] : memref<320xf32, #tpu.memory_space<vmem>>[vector<16xi32>], vector<16xf32>,
        %mul3A_240 = arith.constant 128 : i32
        %mul3A_241 = arith.muli %scan3A_68, %mul3A_240 : i32
        %add3A_242 = arith.constant 96 : i32
        %add3A_243 = arith.addi %mul3A_241, %add3A_242 : i32
        %get3A_244 = arith.index_cast %scan3A_68 : i32 to index
        %get3A_245 = arith.constant 96 : index
        %get3A_246 = tpu.vector_load %arg13[%get3A_244, %get3A_245] {strides = array<i32>} : memref<80x128xf32, #tpu.memory_space<vmem>>, vector<16xf32>,
        %get3A_247 = arith.index_cast %add3A_243 : i32 to index
        %get3A_248 = tpu.vector_load %arg14[%get3A_247] {strides = array<i32>} : memref<10240xf32, #tpu.memory_space<vmem>>, vector<16xf32>,
        %add3A_249 = arith.addf %get3A_246, %get3A_248 : vector<16xf32>
        %mul3A_250 = arith.mulf %add3A_249, %gather3A_239 : vector<16xf32>
        %mul3A_251 = arith.constant 64 : i32
        %mul3A_252 = arith.muli %scan3A_68, %mul3A_251 : i32
        %add3A_253 = arith.constant 96 : i32
        %add3A_254 = arith.addi %mul3A_252, %add3A_253 : i32
        %sub3A_255 = arith.constant 64 : i32
        %sub3A_256 = arith.subi %add3A_254, %sub3A_255 : i32
        %swap3A_257 = arith.index_cast %sub3A_256 : i32 to index
        %swap3A_258 = tpu.vector_load %arg17[%swap3A_257] {strides = array<i32>} : memref<5120xf32, #tpu.memory_space<vmem>>, vector<16xf32>,
        tpu.vector_store %arg17[%swap3A_257], %mul3A_250 {strides = array<i32>} : memref<5120xf32, #tpu.memory_space<vmem>>, vector<16xf32>,
        %gt3A_259 = arith.constant 0.000000e+00 : f32
        %gt3A_260 = vector.broadcast %gt3A_259 : f32 to vector<16xf32>
        %gt3A_261 = arith.cmpf ogt, %mul3A_250, %gt3A_260 : vector<16xf32>
        %exp3A_262 = math.exp %mul3A_250 : vector<16xf32>
        %sub3A_263 = arith.constant 1.000000e+00 : f32
        %sub3A_264 = vector.broadcast %sub3A_263 : f32 to vector<16xf32>
        %sub3A_265 = arith.subf %exp3A_262, %sub3A_264 : vector<16xf32>
        %select_n3A_266 = arith.select %gt3A_261, %mul3A_250, %sub3A_265 : vector<16xi1>, vector<16xf32>
        %swap3A_267 = arith.index_cast %add3A_243 : i32 to index
        %swap3A_268 = tpu.vector_load %arg14[%swap3A_267] {strides = array<i32>} : memref<10240xf32, #tpu.memory_space<vmem>>, vector<16xf32>,
        tpu.vector_store %arg14[%swap3A_267], %select_n3A_266 {strides = array<i32>} : memref<10240xf32, #tpu.memory_space<vmem>>, vector<16xf32>,
        %mul3A_269 = arith.constant 128 : i32
        %mul3A_270 = arith.muli %scan3A_68, %mul3A_269 : i32
        %add3A_271 = arith.constant 112 : i32
        %add3A_272 = arith.addi %mul3A_270, %add3A_271 : i32
        %get3A_273 = arith.index_cast %scan3A_68 : i32 to index
        %get3A_274 = arith.constant 112 : index
        %get3A_275 = tpu.vector_load %arg13[%get3A_273, %get3A_274] {strides = array<i32>} : memref<80x128xf32, #tpu.memory_space<vmem>>, vector<16xf32>,
        %get3A_276 = arith.index_cast %add3A_272 : i32 to index
        %get3A_277 = tpu.vector_load %arg14[%get3A_276] {strides = array<i32>} : memref<10240xf32, #tpu.memory_space<vmem>>, vector<16xf32>,
        %add3A_278 = arith.addf %get3A_275, %get3A_277 : vector<16xf32>
        %mul3A_279 = arith.mulf %add3A_278, %gather3A_239 : vector<16xf32>
        %mul3A_280 = arith.constant 64 : i32
        %mul3A_281 = arith.muli %scan3A_68, %mul3A_280 : i32
        %add3A_282 = arith.constant 112 : i32
        %add3A_283 = arith.addi %mul3A_281, %add3A_282 : i32
        %sub3A_284 = arith.constant 64 : i32
        %sub3A_285 = arith.subi %add3A_283, %sub3A_284 : i32
        %swap3A_286 = arith.index_cast %sub3A_285 : i32 to index
        %swap3A_287 = tpu.vector_load %arg17[%swap3A_286] {strides = array<i32>} : memref<5120xf32, #tpu.memory_space<vmem>>, vector<16xf32>,
        tpu.vector_store %arg17[%swap3A_286], %mul3A_279 {strides = array<i32>} : memref<5120xf32, #tpu.memory_space<vmem>>, vector<16xf32>,
        %gt3A_288 = arith.constant 0.000000e+00 : f32
        %gt3A_289 = vector.broadcast %gt3A_288 : f32 to vector<16xf32>
        %gt3A_290 = arith.cmpf ogt, %mul3A_279, %gt3A_289 : vector<16xf32>
        %exp3A_291 = math.exp %mul3A_279 : vector<16xf32>
        %sub3A_292 = arith.constant 1.000000e+00 : f32
        %sub3A_293 = vector.broadcast %sub3A_292 : f32 to vector<16xf32>
        %sub3A_294 = arith.subf %exp3A_291, %sub3A_293 : vector<16xf32>
        %select_n3A_295 = arith.select %gt3A_290, %mul3A_279, %sub3A_294 : vector<16xi1>, vector<16xf32>
        %swap3A_296 = arith.index_cast %add3A_272 : i32 to index
        %swap3A_297 = tpu.vector_load %arg14[%swap3A_296] {strides = array<i32>} : memref<10240xf32, #tpu.memory_space<vmem>>, vector<16xf32>,
        tpu.vector_store %arg14[%swap3A_296], %select_n3A_295 {strides = array<i32>} : memref<10240xf32, #tpu.memory_space<vmem>>, vector<16xf32>,
      }
      %scan3A_63 = arith.constant 80 : i32
      "tpu.region"() ({
        %run_scoped3A = tpu.sem_alloc : memref<!tpu.dma_semaphore, #tpu.memory_space<semaphore_mem>>
        %dma_start3A_68 = arith.constant 0 : i32
        %dma_start3A_69 = tpu.memref_slice %arg12[%scan3A_45, %dma_start3A_68] : memref<125x80xi32, #tpu.memory_space<vmem>> -> memref<1x80xi32, #tpu.memory_space<vmem>>
        %dma_start3A_70 = tpu.memref_squeeze %dma_start3A_69 : memref<1x80xi32, #tpu.memory_space<vmem>> -> memref<80xi32, #tpu.memory_space<vmem>>
        %dma_start3A_71 = arith.constant 0 : i32
        %dma_start3A_72 = arith.constant 0 : i32
        %dma_start3A_73 = tpu.memref_slice %arg19[%dma_start3A_71, %dma_start3A_72] : memref<10240x64xf32, #tpu.memory_space<vmem_shared>> -> memref<10240x64xf32, #tpu.memory_space<vmem_shared>>
        tpu.enqueue_indirect_dma source(%arg15 : memref<80x64xf32, #tpu.memory_space<vmem>>) target(%dma_start3A_73 : memref<10240x64xf32, #tpu.memory_space<vmem_shared>>) offsets(%dma_start3A_70 : memref<80xi32, #tpu.memory_space<vmem>>) semaphore(%run_scoped3A : memref<!tpu.dma_semaphore, #tpu.memory_space<semaphore_mem>>) {add = true}
        %dma_wait3A_74 = arith.constant 0 : i32
        %dma_wait3A_75 = tpu.memref_slice %arg12[%scan3A_45, %dma_wait3A_74] : memref<125x80xi32, #tpu.memory_space<vmem>> -> memref<1x80xi32, #tpu.memory_space<vmem>>
        %dma_wait3A_76 = tpu.memref_squeeze %dma_wait3A_75 : memref<1x80xi32, #tpu.memory_space<vmem>> -> memref<80xi32, #tpu.memory_space<vmem>>
        %dma_wait3A_77 = arith.constant 0 : i32
        %dma_wait3A_78 = arith.constant 0 : i32
        %dma_wait3A_79 = tpu.memref_slice %arg19[%dma_wait3A_77, %dma_wait3A_78] : memref<10240x64xf32, #tpu.memory_space<vmem_shared>> -> memref<10240x64xf32, #tpu.memory_space<vmem_shared>>
        tpu.wait_indirect_dma semaphore(%run_scoped3A : memref<!tpu.dma_semaphore, #tpu.memory_space<semaphore_mem>>) src(%arg15 : memref<80x64xf32, #tpu.memory_space<vmem>>) dst(%dma_wait3A_79 : memref<10240x64xf32, #tpu.memory_space<vmem_shared>>)
        tpu.yield
      }) : () -> ()
      %mul3A_64 = arith.constant 64 : i32
      %mul3A_65 = arith.muli %add3A_50, %mul3A_64 : i32
      "tpu.region"() ({
        %run_scoped3A = tpu.sem_alloc : memref<!tpu.dma_semaphore, #tpu.memory_space<semaphore_mem>>
        %dma_start3A_68 = tpu.memref_slice %arg8[%mul3A_65] : memref<20480000xf32, #tpu.memory_space<hbm>> -> memref<5120xf32, #tpu.memory_space<hbm>>
        %dma_start3A_69 = tpu.memref_slice %arg8[%mul3A_65] : memref<20480000xf32, #tpu.memory_space<hbm>> -> memref<5120xf32, #tpu.memory_space<hbm>>
        tpu.enqueue_dma source(%arg17 : memref<5120xf32, #tpu.memory_space<vmem>>) target(%dma_start3A_69 : memref<5120xf32, #tpu.memory_space<hbm>>) target_semaphore(%run_scoped3A : memref<!tpu.dma_semaphore, #tpu.memory_space<semaphore_mem>>)
        %dma_wait3A_70 = tpu.memref_slice %arg8[%mul3A_65] : memref<20480000xf32, #tpu.memory_space<hbm>> -> memref<5120xf32, #tpu.memory_space<hbm>>
        %dma_wait3A_71 = tpu.memref_slice %arg8[%mul3A_65] : memref<20480000xf32, #tpu.memory_space<hbm>> -> memref<5120xf32, #tpu.memory_space<hbm>>
        tpu.wait_dma2 semaphore(%run_scoped3A : memref<!tpu.dma_semaphore, #tpu.memory_space<semaphore_mem>>) src(%arg17 : memref<5120xf32, #tpu.memory_space<vmem>>) dst(%dma_wait3A_71 : memref<5120xf32, #tpu.memory_space<hbm>>)
        tpu.yield
      }) : () -> ()
      %mul3A_66 = arith.constant 128 : i32
      %mul3A_67 = arith.muli %add3A_50, %mul3A_66 : i32
      "tpu.region"() ({
        %run_scoped3A = tpu.sem_alloc : memref<!tpu.dma_semaphore, #tpu.memory_space<semaphore_mem>>
        %dma_start3A_68 = tpu.memref_slice %arg7[%mul3A_67] : memref<40960000xf32, #tpu.memory_space<hbm>> -> memref<10240xf32, #tpu.memory_space<hbm>>
        %dma_start3A_69 = tpu.memref_slice %arg7[%mul3A_67] : memref<40960000xf32, #tpu.memory_space<hbm>> -> memref<10240xf32, #tpu.memory_space<hbm>>
        tpu.enqueue_dma source(%arg14 : memref<10240xf32, #tpu.memory_space<vmem>>) target(%dma_start3A_69 : memref<10240xf32, #tpu.memory_space<hbm>>) target_semaphore(%run_scoped3A : memref<!tpu.dma_semaphore, #tpu.memory_space<semaphore_mem>>)
        %dma_wait3A_70 = tpu.memref_slice %arg7[%mul3A_67] : memref<40960000xf32, #tpu.memory_space<hbm>> -> memref<10240xf32, #tpu.memory_space<hbm>>
        %dma_wait3A_71 = tpu.memref_slice %arg7[%mul3A_67] : memref<40960000xf32, #tpu.memory_space<hbm>> -> memref<10240xf32, #tpu.memory_space<hbm>>
        tpu.wait_dma2 semaphore(%run_scoped3A : memref<!tpu.dma_semaphore, #tpu.memory_space<semaphore_mem>>) src(%arg14 : memref<10240xf32, #tpu.memory_space<vmem>>) dst(%dma_wait3A_71 : memref<10240xf32, #tpu.memory_space<hbm>>)
        tpu.yield
      }) : () -> ()
    }
    %scan3A_15 = arith.constant 125 : i32
    %barrier3A_16 = arith.constant 0 : index
    tpu.barrier barrier_id(%barrier3A_16)
    %scan3A_17 = arith.constant 0 : i32
    %scan3A_18 = arith.constant 8 : i32
    %scan3A_19 = arith.addi %scan3A_17, %scan3A_18 : i32
    %scan3A_20 = arith.constant 1 : i32
    scf.for %scan3A_45 = %scan3A_17 to %scan3A_19 step %scan3A_20  : i32 {
      %mul3A_46 = arith.constant 640 : i32
      %mul3A_47 = arith.muli %arg1, %mul3A_46 : i32
      %mul3A_48 = arith.constant 80 : i32
      %mul3A_49 = arith.muli %scan3A_45, %mul3A_48 : i32
      %add3A_50 = arith.addi %mul3A_47, %mul3A_49 : i32
      "tpu.region"() ({
        %run_scoped3A = tpu.sem_alloc : memref<!tpu.dma_semaphore, #tpu.memory_space<semaphore_mem>>
        %dma_start3A = arith.constant 0 : i32
        %dma_start3A_58 = tpu.memref_slice %arg19[%add3A_50, %dma_start3A] : memref<10240x64xf32, #tpu.memory_space<vmem_shared>> -> memref<80x64xf32, #tpu.memory_space<vmem_shared>>
        %dma_start3A_59 = arith.constant 0 : i32
        %dma_start3A_60 = tpu.memref_slice %arg19[%add3A_50, %dma_start3A_59] : memref<10240x64xf32, #tpu.memory_space<vmem_shared>> -> memref<80x64xf32, #tpu.memory_space<vmem_shared>>
        tpu.enqueue_dma source(%dma_start3A_60 : memref<80x64xf32, #tpu.memory_space<vmem_shared>>) target(%arg16 : memref<80x64xf32, #tpu.memory_space<vmem>>) target_semaphore(%run_scoped3A : memref<!tpu.dma_semaphore, #tpu.memory_space<semaphore_mem>>)
        %dma_wait3A = arith.constant 0 : i32
        %dma_wait3A_61 = tpu.memref_slice %arg19[%add3A_50, %dma_wait3A] : memref<10240x64xf32, #tpu.memory_space<vmem_shared>> -> memref<80x64xf32, #tpu.memory_space<vmem_shared>>
        %dma_wait3A_62 = arith.constant 0 : i32
        %dma_wait3A_63 = tpu.memref_slice %arg19[%add3A_50, %dma_wait3A_62] : memref<10240x64xf32, #tpu.memory_space<vmem_shared>> -> memref<80x64xf32, #tpu.memory_space<vmem_shared>>
        tpu.wait_dma2 semaphore(%run_scoped3A : memref<!tpu.dma_semaphore, #tpu.memory_space<semaphore_mem>>) src(%dma_wait3A_63 : memref<80x64xf32, #tpu.memory_space<vmem_shared>>) dst(%arg16 : memref<80x64xf32, #tpu.memory_space<vmem>>)
        tpu.yield
      }) : () -> ()
      %scan3A_51 = arith.constant 0 : i32
      %scan3A_52 = arith.constant 80 : i32
      %scan3A_53 = arith.addi %scan3A_51, %scan3A_52 : i32
      %scan3A_54 = arith.constant 1 : i32
      scf.for %scan3A_58 = %scan3A_51 to %scan3A_53 step %scan3A_54  : i32 {
        %get3A = arith.index_cast %scan3A_58 : i32 to index
        %get3A_59 = arith.constant 0 : index
        %get3A_60 = tpu.vector_load %arg16[%get3A, %get3A_59] {strides = array<i32>} : memref<80x64xf32, #tpu.memory_space<vmem>>, vector<16xf32>,
        %mul3A_61 = arith.constant 64 : i32
        %mul3A_62 = arith.muli %scan3A_58, %mul3A_61 : i32
        %add3A_63 = arith.constant 0 : i32
        %add3A_64 = arith.addi %mul3A_62, %add3A_63 : i32
        %swap3A = arith.index_cast %add3A_64 : i32 to index
        %swap3A_65 = tpu.vector_load %arg17[%swap3A] {strides = array<i32>} : memref<5120xf32, #tpu.memory_space<vmem>>, vector<16xf32>,
        tpu.vector_store %arg17[%swap3A], %get3A_60 {strides = array<i32>} : memref<5120xf32, #tpu.memory_space<vmem>>, vector<16xf32>,
        %get3A_66 = arith.index_cast %scan3A_58 : i32 to index
        %get3A_67 = arith.constant 16 : index
        %get3A_68 = tpu.vector_load %arg16[%get3A_66, %get3A_67] {strides = array<i32>} : memref<80x64xf32, #tpu.memory_space<vmem>>, vector<16xf32>,
        %mul3A_69 = arith.constant 64 : i32
        %mul3A_70 = arith.muli %scan3A_58, %mul3A_69 : i32
        %add3A_71 = arith.constant 16 : i32
        %add3A_72 = arith.addi %mul3A_70, %add3A_71 : i32
        %swap3A_73 = arith.index_cast %add3A_72 : i32 to index
        %swap3A_74 = tpu.vector_load %arg17[%swap3A_73] {strides = array<i32>} : memref<5120xf32, #tpu.memory_space<vmem>>, vector<16xf32>,
        tpu.vector_store %arg17[%swap3A_73], %get3A_68 {strides = array<i32>} : memref<5120xf32, #tpu.memory_space<vmem>>, vector<16xf32>,
        %get3A_75 = arith.index_cast %scan3A_58 : i32 to index
        %get3A_76 = arith.constant 32 : index
        %get3A_77 = tpu.vector_load %arg16[%get3A_75, %get3A_76] {strides = array<i32>} : memref<80x64xf32, #tpu.memory_space<vmem>>, vector<16xf32>,
        %mul3A_78 = arith.constant 64 : i32
        %mul3A_79 = arith.muli %scan3A_58, %mul3A_78 : i32
        %add3A_80 = arith.constant 32 : i32
        %add3A_81 = arith.addi %mul3A_79, %add3A_80 : i32
        %swap3A_82 = arith.index_cast %add3A_81 : i32 to index
        %swap3A_83 = tpu.vector_load %arg17[%swap3A_82] {strides = array<i32>} : memref<5120xf32, #tpu.memory_space<vmem>>, vector<16xf32>,
        tpu.vector_store %arg17[%swap3A_82], %get3A_77 {strides = array<i32>} : memref<5120xf32, #tpu.memory_space<vmem>>, vector<16xf32>,
        %get3A_84 = arith.index_cast %scan3A_58 : i32 to index
        %get3A_85 = arith.constant 48 : index
        %get3A_86 = tpu.vector_load %arg16[%get3A_84, %get3A_85] {strides = array<i32>} : memref<80x64xf32, #tpu.memory_space<vmem>>, vector<16xf32>,
        %mul3A_87 = arith.constant 64 : i32
        %mul3A_88 = arith.muli %scan3A_58, %mul3A_87 : i32
        %add3A_89 = arith.constant 48 : i32
        %add3A_90 = arith.addi %mul3A_88, %add3A_89 : i32
        %swap3A_91 = arith.index_cast %add3A_90 : i32 to index
        %swap3A_92 = tpu.vector_load %arg17[%swap3A_91] {strides = array<i32>} : memref<5120xf32, #tpu.memory_space<vmem>>, vector<16xf32>,
        tpu.vector_store %arg17[%swap3A_91], %get3A_86 {strides = array<i32>} : memref<5120xf32, #tpu.memory_space<vmem>>, vector<16xf32>,
      }
      %scan3A_55 = arith.constant 80 : i32
      %mul3A_56 = arith.constant 64 : i32
      %mul3A_57 = arith.muli %add3A_50, %mul3A_56 : i32
      "tpu.region"() ({
        %run_scoped3A = tpu.sem_alloc : memref<!tpu.dma_semaphore, #tpu.memory_space<semaphore_mem>>
        %dma_start3A = arith.constant 0 : i32
        %dma_start3A_58 = tpu.memref_slice %arg9[%arg0, %dma_start3A] : memref<2x655360xf32, #tpu.memory_space<hbm>> -> memref<1x655360xf32, #tpu.memory_space<hbm>>
        %dma_start3A_59 = tpu.memref_squeeze %dma_start3A_58 : memref<1x655360xf32, #tpu.memory_space<hbm>> -> memref<655360xf32, #tpu.memory_space<hbm>>
        %dma_start3A_60 = tpu.memref_slice %dma_start3A_59[%mul3A_57] : memref<655360xf32, #tpu.memory_space<hbm>> -> memref<5120xf32, #tpu.memory_space<hbm>>
        %dma_start3A_61 = arith.constant 0 : i32
        %dma_start3A_62 = tpu.memref_slice %arg9[%arg0, %dma_start3A_61] : memref<2x655360xf32, #tpu.memory_space<hbm>> -> memref<1x655360xf32, #tpu.memory_space<hbm>>
        %dma_start3A_63 = tpu.memref_squeeze %dma_start3A_62 : memref<1x655360xf32, #tpu.memory_space<hbm>> -> memref<655360xf32, #tpu.memory_space<hbm>>
        %dma_start3A_64 = tpu.memref_slice %dma_start3A_63[%mul3A_57] : memref<655360xf32, #tpu.memory_space<hbm>> -> memref<5120xf32, #tpu.memory_space<hbm>>
        tpu.enqueue_dma source(%arg17 : memref<5120xf32, #tpu.memory_space<vmem>>) target(%dma_start3A_64 : memref<5120xf32, #tpu.memory_space<hbm>>) target_semaphore(%run_scoped3A : memref<!tpu.dma_semaphore, #tpu.memory_space<semaphore_mem>>)
        %dma_wait3A = arith.constant 0 : i32
        %dma_wait3A_65 = tpu.memref_slice %arg9[%arg0, %dma_wait3A] : memref<2x655360xf32, #tpu.memory_space<hbm>> -> memref<1x655360xf32, #tpu.memory_space<hbm>>
        %dma_wait3A_66 = tpu.memref_squeeze %dma_wait3A_65 : memref<1x655360xf32, #tpu.memory_space<hbm>> -> memref<655360xf32, #tpu.memory_space<hbm>>
        %dma_wait3A_67 = tpu.memref_slice %dma_wait3A_66[%mul3A_57] : memref<655360xf32, #tpu.memory_space<hbm>> -> memref<5120xf32, #tpu.memory_space<hbm>>
        %dma_wait3A_68 = arith.constant 0 : i32
        %dma_wait3A_69 = tpu.memref_slice %arg9[%arg0, %dma_wait3A_68] : memref<2x655360xf32, #tpu.memory_space<hbm>> -> memref<1x655360xf32, #tpu.memory_space<hbm>>
        %dma_wait3A_70 = tpu.memref_squeeze %dma_wait3A_69 : memref<1x655360xf32, #tpu.memory_space<hbm>> -> memref<655360xf32, #tpu.memory_space<hbm>>
        %dma_wait3A_71 = tpu.memref_slice %dma_wait3A_70[%mul3A_57] : memref<655360xf32, #tpu.memory_space<hbm>> -> memref<5120xf32, #tpu.memory_space<hbm>>
        tpu.wait_dma2 semaphore(%run_scoped3A : memref<!tpu.dma_semaphore, #tpu.memory_space<semaphore_mem>>) src(%arg17 : memref<5120xf32, #tpu.memory_space<vmem>>) dst(%dma_wait3A_71 : memref<5120xf32, #tpu.memory_space<hbm>>)
        tpu.yield
      }) : () -> ()
    }
    %scan3A_21 = arith.constant 8 : i32
    %barrier3A_22 = arith.constant 0 : index
    tpu.barrier barrier_id(%barrier3A_22)
    %scan3A_23 = arith.constant 0 : i32
    %scan3A_24 = arith.constant 80 : i32
    %scan3A_25 = arith.addi %scan3A_23, %scan3A_24 : i32
    %scan3A_26 = arith.constant 1 : i32
    scf.for %scan3A_45 = %scan3A_23 to %scan3A_25 step %scan3A_26  : i32 {
      %swap3A = arith.index_cast %scan3A_45 : i32 to index
      %swap3A_46 = arith.constant 0 : index
      %swap3A_47 = tpu.vector_load %arg16[%swap3A, %swap3A_46] {strides = array<i32>} : memref<80x64xf32, #tpu.memory_space<vmem>>, vector<16xf32>,
      tpu.vector_store %arg16[%swap3A, %swap3A_46], %broadcast_in_dim3A_1 {strides = array<i32>} : memref<80x64xf32, #tpu.memory_space<vmem>>, vector<16xf32>,
      %swap3A_48 = arith.index_cast %scan3A_45 : i32 to index
      %swap3A_49 = arith.constant 16 : index
      %swap3A_50 = tpu.vector_load %arg16[%swap3A_48, %swap3A_49] {strides = array<i32>} : memref<80x64xf32, #tpu.memory_space<vmem>>, vector<16xf32>,
      tpu.vector_store %arg16[%swap3A_48, %swap3A_49], %broadcast_in_dim3A_1 {strides = array<i32>} : memref<80x64xf32, #tpu.memory_space<vmem>>, vector<16xf32>,
      %swap3A_51 = arith.index_cast %scan3A_45 : i32 to index
      %swap3A_52 = arith.constant 32 : index
      %swap3A_53 = tpu.vector_load %arg16[%swap3A_51, %swap3A_52] {strides = array<i32>} : memref<80x64xf32, #tpu.memory_space<vmem>>, vector<16xf32>,
      tpu.vector_store %arg16[%swap3A_51, %swap3A_52], %broadcast_in_dim3A_1 {strides = array<i32>} : memref<80x64xf32, #tpu.memory_space<vmem>>, vector<16xf32>,
      %swap3A_54 = arith.index_cast %scan3A_45 : i32 to index
      %swap3A_55 = arith.constant 48 : index
      %swap3A_56 = tpu.vector_load %arg16[%swap3A_54, %swap3A_55] {strides = array<i32>} : memref<80x64xf32, #tpu.memory_space<vmem>>, vector<16xf32>,
      tpu.vector_store %arg16[%swap3A_54, %swap3A_55], %broadcast_in_dim3A_1 {strides = array<i32>} : memref<80x64xf32, #tpu.memory_space<vmem>>, vector<16xf32>,
    }
    %scan3A_27 = arith.constant 80 : i32
    %scan3A_28 = arith.constant 0 : i32
    %scan3A_29 = arith.constant 8 : i32
    %scan3A_30 = arith.addi %scan3A_28, %scan3A_29 : i32
    %scan3A_31 = arith.constant 1 : i32
    scf.for %scan3A_45 = %scan3A_28 to %scan3A_30 step %scan3A_31  : i32 {
      %mul3A_46 = arith.constant 640 : i32
      %mul3A_47 = arith.muli %arg1, %mul3A_46 : i32
      %mul3A_48 = arith.constant 80 : i32
      %mul3A_49 = arith.muli %scan3A_45, %mul3A_48 : i32
      %add3A_50 = arith.addi %mul3A_47, %mul3A_49 : i32
      "tpu.region"() ({
        %run_scoped3A = tpu.sem_alloc : memref<!tpu.dma_semaphore, #tpu.memory_space<semaphore_mem>>
        %dma_start3A = arith.constant 0 : i32
        %dma_start3A_51 = tpu.memref_slice %arg19[%add3A_50, %dma_start3A] : memref<10240x64xf32, #tpu.memory_space<vmem_shared>> -> memref<80x64xf32, #tpu.memory_space<vmem_shared>>
        %dma_start3A_52 = arith.constant 0 : i32
        %dma_start3A_53 = tpu.memref_slice %arg19[%add3A_50, %dma_start3A_52] : memref<10240x64xf32, #tpu.memory_space<vmem_shared>> -> memref<80x64xf32, #tpu.memory_space<vmem_shared>>
        tpu.enqueue_dma source(%arg16 : memref<80x64xf32, #tpu.memory_space<vmem>>) target(%dma_start3A_53 : memref<80x64xf32, #tpu.memory_space<vmem_shared>>) target_semaphore(%run_scoped3A : memref<!tpu.dma_semaphore, #tpu.memory_space<semaphore_mem>>)
        %dma_wait3A = arith.constant 0 : i32
        %dma_wait3A_54 = tpu.memref_slice %arg19[%add3A_50, %dma_wait3A] : memref<10240x64xf32, #tpu.memory_space<vmem_shared>> -> memref<80x64xf32, #tpu.memory_space<vmem_shared>>
        %dma_wait3A_55 = arith.constant 0 : i32
        %dma_wait3A_56 = tpu.memref_slice %arg19[%add3A_50, %dma_wait3A_55] : memref<10240x64xf32, #tpu.memory_space<vmem_shared>> -> memref<80x64xf32, #tpu.memory_space<vmem_shared>>
        tpu.wait_dma2 semaphore(%run_scoped3A : memref<!tpu.dma_semaphore, #tpu.memory_space<semaphore_mem>>) src(%arg16 : memref<80x64xf32, #tpu.memory_space<vmem>>) dst(%dma_wait3A_56 : memref<80x64xf32, #tpu.memory_space<vmem_shared>>)
        tpu.yield
      }) : () -> ()
    }
    %scan3A_32 = arith.constant 8 : i32
    %barrier3A_33 = arith.constant 0 : index
    tpu.barrier barrier_id(%barrier3A_33)
    %scan3A_34 = arith.constant 0 : i32
    %scan3A_35 = arith.constant 125 : i32
    %scan3A_36 = arith.addi %scan3A_34, %scan3A_35 : i32
    %scan3A_37 = arith.constant 1 : i32
    scf.for %scan3A_45 = %scan3A_34 to %scan3A_36 step %scan3A_37  : i32 {
      %mul3A_46 = arith.constant 10000 : i32
      %mul3A_47 = arith.muli %add3A, %mul3A_46 : i32
      %mul3A_48 = arith.constant 80 : i32
      %mul3A_49 = arith.muli %scan3A_45, %mul3A_48 : i32
      %add3A_50 = arith.addi %mul3A_47, %mul3A_49 : i32
      %mul3A_51 = arith.constant 64 : i32
      %mul3A_52 = arith.muli %add3A_50, %mul3A_51 : i32
      "tpu.region"() ({
        %run_scoped3A = tpu.sem_alloc : memref<!tpu.dma_semaphore, #tpu.memory_space<semaphore_mem>>
        %dma_start3A = tpu.memref_slice %arg8[%mul3A_52] : memref<20480000xf32, #tpu.memory_space<hbm>> -> memref<5120xf32, #tpu.memory_space<hbm>>
        %dma_start3A_58 = tpu.memref_slice %arg8[%mul3A_52] : memref<20480000xf32, #tpu.memory_space<hbm>> -> memref<5120xf32, #tpu.memory_space<hbm>>
        tpu.enqueue_dma source(%dma_start3A_58 : memref<5120xf32, #tpu.memory_space<hbm>>) target(%arg17 : memref<5120xf32, #tpu.memory_space<vmem>>) target_semaphore(%run_scoped3A : memref<!tpu.dma_semaphore, #tpu.memory_space<semaphore_mem>>)
        %dma_wait3A = tpu.memref_slice %arg8[%mul3A_52] : memref<20480000xf32, #tpu.memory_space<hbm>> -> memref<5120xf32, #tpu.memory_space<hbm>>
        %dma_wait3A_59 = tpu.memref_slice %arg8[%mul3A_52] : memref<20480000xf32, #tpu.memory_space<hbm>> -> memref<5120xf32, #tpu.memory_space<hbm>>
        tpu.wait_dma2 semaphore(%run_scoped3A : memref<!tpu.dma_semaphore, #tpu.memory_space<semaphore_mem>>) src(%dma_wait3A_59 : memref<5120xf32, #tpu.memory_space<hbm>>) dst(%arg17 : memref<5120xf32, #tpu.memory_space<vmem>>)
        tpu.yield
      }) : () -> ()
      %scan3A_53 = arith.constant 0 : i32
      %scan3A_54 = arith.constant 80 : i32
      %scan3A_55 = arith.addi %scan3A_53, %scan3A_54 : i32
      %scan3A_56 = arith.constant 1 : i32
      scf.for %scan3A_58 = %scan3A_53 to %scan3A_55 step %scan3A_56  : i32 {
        %mul3A_59 = arith.constant 64 : i32
        %mul3A_60 = arith.muli %scan3A_58, %mul3A_59 : i32
        %add3A_61 = arith.constant 0 : i32
        %add3A_62 = arith.addi %mul3A_60, %add3A_61 : i32
        %get3A = arith.index_cast %add3A_62 : i32 to index
        %get3A_63 = tpu.vector_load %arg17[%get3A] {strides = array<i32>} : memref<5120xf32, #tpu.memory_space<vmem>>, vector<16xf32>,
        %swap3A = arith.index_cast %scan3A_58 : i32 to index
        %swap3A_64 = arith.constant 0 : index
        %swap3A_65 = tpu.vector_load %arg16[%swap3A, %swap3A_64] {strides = array<i32>} : memref<80x64xf32, #tpu.memory_space<vmem>>, vector<16xf32>,
        tpu.vector_store %arg16[%swap3A, %swap3A_64], %get3A_63 {strides = array<i32>} : memref<80x64xf32, #tpu.memory_space<vmem>>, vector<16xf32>,
        %mul3A_66 = arith.constant 64 : i32
        %mul3A_67 = arith.muli %scan3A_58, %mul3A_66 : i32
        %add3A_68 = arith.constant 16 : i32
        %add3A_69 = arith.addi %mul3A_67, %add3A_68 : i32
        %get3A_70 = arith.index_cast %add3A_69 : i32 to index
        %get3A_71 = tpu.vector_load %arg17[%get3A_70] {strides = array<i32>} : memref<5120xf32, #tpu.memory_space<vmem>>, vector<16xf32>,
        %swap3A_72 = arith.index_cast %scan3A_58 : i32 to index
        %swap3A_73 = arith.constant 16 : index
        %swap3A_74 = tpu.vector_load %arg16[%swap3A_72, %swap3A_73] {strides = array<i32>} : memref<80x64xf32, #tpu.memory_space<vmem>>, vector<16xf32>,
        tpu.vector_store %arg16[%swap3A_72, %swap3A_73], %get3A_71 {strides = array<i32>} : memref<80x64xf32, #tpu.memory_space<vmem>>, vector<16xf32>,
        %mul3A_75 = arith.constant 64 : i32
        %mul3A_76 = arith.muli %scan3A_58, %mul3A_75 : i32
        %add3A_77 = arith.constant 32 : i32
        %add3A_78 = arith.addi %mul3A_76, %add3A_77 : i32
        %get3A_79 = arith.index_cast %add3A_78 : i32 to index
        %get3A_80 = tpu.vector_load %arg17[%get3A_79] {strides = array<i32>} : memref<5120xf32, #tpu.memory_space<vmem>>, vector<16xf32>,
        %swap3A_81 = arith.index_cast %scan3A_58 : i32 to index
        %swap3A_82 = arith.constant 32 : index
        %swap3A_83 = tpu.vector_load %arg16[%swap3A_81, %swap3A_82] {strides = array<i32>} : memref<80x64xf32, #tpu.memory_space<vmem>>, vector<16xf32>,
        tpu.vector_store %arg16[%swap3A_81, %swap3A_82], %get3A_80 {strides = array<i32>} : memref<80x64xf32, #tpu.memory_space<vmem>>, vector<16xf32>,
        %mul3A_84 = arith.constant 64 : i32
        %mul3A_85 = arith.muli %scan3A_58, %mul3A_84 : i32
        %add3A_86 = arith.constant 48 : i32
        %add3A_87 = arith.addi %mul3A_85, %add3A_86 : i32
        %get3A_88 = arith.index_cast %add3A_87 : i32 to index
        %get3A_89 = tpu.vector_load %arg17[%get3A_88] {strides = array<i32>} : memref<5120xf32, #tpu.memory_space<vmem>>, vector<16xf32>,
        %swap3A_90 = arith.index_cast %scan3A_58 : i32 to index
        %swap3A_91 = arith.constant 48 : index
        %swap3A_92 = tpu.vector_load %arg16[%swap3A_90, %swap3A_91] {strides = array<i32>} : memref<80x64xf32, #tpu.memory_space<vmem>>, vector<16xf32>,
        tpu.vector_store %arg16[%swap3A_90, %swap3A_91], %get3A_89 {strides = array<i32>} : memref<80x64xf32, #tpu.memory_space<vmem>>, vector<16xf32>,
      }
      %scan3A_57 = arith.constant 80 : i32
      "tpu.region"() ({
        %run_scoped3A = tpu.sem_alloc : memref<!tpu.dma_semaphore, #tpu.memory_space<semaphore_mem>>
        %dma_start3A = arith.constant 0 : i32
        %dma_start3A_58 = tpu.memref_slice %arg12[%scan3A_45, %dma_start3A] : memref<125x80xi32, #tpu.memory_space<vmem>> -> memref<1x80xi32, #tpu.memory_space<vmem>>
        %dma_start3A_59 = tpu.memref_squeeze %dma_start3A_58 : memref<1x80xi32, #tpu.memory_space<vmem>> -> memref<80xi32, #tpu.memory_space<vmem>>
        %dma_start3A_60 = arith.constant 0 : i32
        %dma_start3A_61 = arith.constant 0 : i32
        %dma_start3A_62 = tpu.memref_slice %arg19[%dma_start3A_60, %dma_start3A_61] : memref<10240x64xf32, #tpu.memory_space<vmem_shared>> -> memref<10240x64xf32, #tpu.memory_space<vmem_shared>>
        tpu.enqueue_indirect_dma source(%arg16 : memref<80x64xf32, #tpu.memory_space<vmem>>) target(%dma_start3A_62 : memref<10240x64xf32, #tpu.memory_space<vmem_shared>>) offsets(%dma_start3A_59 : memref<80xi32, #tpu.memory_space<vmem>>) semaphore(%run_scoped3A : memref<!tpu.dma_semaphore, #tpu.memory_space<semaphore_mem>>) {add = true}
        %dma_wait3A = arith.constant 0 : i32
        %dma_wait3A_63 = tpu.memref_slice %arg12[%scan3A_45, %dma_wait3A] : memref<125x80xi32, #tpu.memory_space<vmem>> -> memref<1x80xi32, #tpu.memory_space<vmem>>
        %dma_wait3A_64 = tpu.memref_squeeze %dma_wait3A_63 : memref<1x80xi32, #tpu.memory_space<vmem>> -> memref<80xi32, #tpu.memory_space<vmem>>
        %dma_wait3A_65 = arith.constant 0 : i32
        %dma_wait3A_66 = arith.constant 0 : i32
        %dma_wait3A_67 = tpu.memref_slice %arg19[%dma_wait3A_65, %dma_wait3A_66] : memref<10240x64xf32, #tpu.memory_space<vmem_shared>> -> memref<10240x64xf32, #tpu.memory_space<vmem_shared>>
        tpu.wait_indirect_dma semaphore(%run_scoped3A : memref<!tpu.dma_semaphore, #tpu.memory_space<semaphore_mem>>) src(%arg16 : memref<80x64xf32, #tpu.memory_space<vmem>>) dst(%dma_wait3A_67 : memref<10240x64xf32, #tpu.memory_space<vmem_shared>>)
        tpu.yield
      }) : () -> ()
    }
    %scan3A_38 = arith.constant 125 : i32
    %barrier3A_39 = arith.constant 0 : index
    tpu.barrier barrier_id(%barrier3A_39)
    %scan3A_40 = arith.constant 0 : i32
    %scan3A_41 = arith.constant 8 : i32
    %scan3A_42 = arith.addi %scan3A_40, %scan3A_41 : i32
    %scan3A_43 = arith.constant 1 : i32
    scf.for %scan3A_45 = %scan3A_40 to %scan3A_42 step %scan3A_43  : i32 {
      %mul3A_46 = arith.constant 640 : i32
      %mul3A_47 = arith.muli %arg1, %mul3A_46 : i32
      %mul3A_48 = arith.constant 80 : i32
      %mul3A_49 = arith.muli %scan3A_45, %mul3A_48 : i32
      %add3A_50 = arith.addi %mul3A_47, %mul3A_49 : i32
      "tpu.region"() ({
        %run_scoped3A = tpu.sem_alloc : memref<!tpu.dma_semaphore, #tpu.memory_space<semaphore_mem>>
        %dma_start3A = arith.constant 0 : i32
        %dma_start3A_58 = tpu.memref_slice %arg19[%add3A_50, %dma_start3A] : memref<10240x64xf32, #tpu.memory_space<vmem_shared>> -> memref<80x64xf32, #tpu.memory_space<vmem_shared>>
        %dma_start3A_59 = arith.constant 0 : i32
        %dma_start3A_60 = tpu.memref_slice %arg19[%add3A_50, %dma_start3A_59] : memref<10240x64xf32, #tpu.memory_space<vmem_shared>> -> memref<80x64xf32, #tpu.memory_space<vmem_shared>>
        tpu.enqueue_dma source(%dma_start3A_60 : memref<80x64xf32, #tpu.memory_space<vmem_shared>>) target(%arg16 : memref<80x64xf32, #tpu.memory_space<vmem>>) target_semaphore(%run_scoped3A : memref<!tpu.dma_semaphore, #tpu.memory_space<semaphore_mem>>)
        %dma_wait3A = arith.constant 0 : i32
        %dma_wait3A_61 = tpu.memref_slice %arg19[%add3A_50, %dma_wait3A] : memref<10240x64xf32, #tpu.memory_space<vmem_shared>> -> memref<80x64xf32, #tpu.memory_space<vmem_shared>>
        %dma_wait3A_62 = arith.constant 0 : i32
        %dma_wait3A_63 = tpu.memref_slice %arg19[%add3A_50, %dma_wait3A_62] : memref<10240x64xf32, #tpu.memory_space<vmem_shared>> -> memref<80x64xf32, #tpu.memory_space<vmem_shared>>
        tpu.wait_dma2 semaphore(%run_scoped3A : memref<!tpu.dma_semaphore, #tpu.memory_space<semaphore_mem>>) src(%dma_wait3A_63 : memref<80x64xf32, #tpu.memory_space<vmem_shared>>) dst(%arg16 : memref<80x64xf32, #tpu.memory_space<vmem>>)
        tpu.yield
      }) : () -> ()
      %scan3A_51 = arith.constant 0 : i32
      %scan3A_52 = arith.constant 80 : i32
      %scan3A_53 = arith.addi %scan3A_51, %scan3A_52 : i32
      %scan3A_54 = arith.constant 1 : i32
      scf.for %scan3A_58 = %scan3A_51 to %scan3A_53 step %scan3A_54  : i32 {
        %get3A = arith.index_cast %scan3A_58 : i32 to index
        %get3A_59 = arith.constant 0 : index
        %get3A_60 = tpu.vector_load %arg16[%get3A, %get3A_59] {strides = array<i32>} : memref<80x64xf32, #tpu.memory_space<vmem>>, vector<16xf32>,
        %mul3A_61 = arith.constant 64 : i32
        %mul3A_62 = arith.muli %scan3A_58, %mul3A_61 : i32
        %add3A_63 = arith.constant 0 : i32
        %add3A_64 = arith.addi %mul3A_62, %add3A_63 : i32
        %swap3A = arith.index_cast %add3A_64 : i32 to index
        %swap3A_65 = tpu.vector_load %arg17[%swap3A] {strides = array<i32>} : memref<5120xf32, #tpu.memory_space<vmem>>, vector<16xf32>,
        tpu.vector_store %arg17[%swap3A], %get3A_60 {strides = array<i32>} : memref<5120xf32, #tpu.memory_space<vmem>>, vector<16xf32>,
        %get3A_66 = arith.index_cast %scan3A_58 : i32 to index
        %get3A_67 = arith.constant 16 : index
        %get3A_68 = tpu.vector_load %arg16[%get3A_66, %get3A_67] {strides = array<i32>} : memref<80x64xf32, #tpu.memory_space<vmem>>, vector<16xf32>,
        %mul3A_69 = arith.constant 64 : i32
        %mul3A_70 = arith.muli %scan3A_58, %mul3A_69 : i32
        %add3A_71 = arith.constant 16 : i32
        %add3A_72 = arith.addi %mul3A_70, %add3A_71 : i32
        %swap3A_73 = arith.index_cast %add3A_72 : i32 to index
        %swap3A_74 = tpu.vector_load %arg17[%swap3A_73] {strides = array<i32>} : memref<5120xf32, #tpu.memory_space<vmem>>, vector<16xf32>,
        tpu.vector_store %arg17[%swap3A_73], %get3A_68 {strides = array<i32>} : memref<5120xf32, #tpu.memory_space<vmem>>, vector<16xf32>,
        %get3A_75 = arith.index_cast %scan3A_58 : i32 to index
        %get3A_76 = arith.constant 32 : index
        %get3A_77 = tpu.vector_load %arg16[%get3A_75, %get3A_76] {strides = array<i32>} : memref<80x64xf32, #tpu.memory_space<vmem>>, vector<16xf32>,
        %mul3A_78 = arith.constant 64 : i32
        %mul3A_79 = arith.muli %scan3A_58, %mul3A_78 : i32
        %add3A_80 = arith.constant 32 : i32
        %add3A_81 = arith.addi %mul3A_79, %add3A_80 : i32
        %swap3A_82 = arith.index_cast %add3A_81 : i32 to index
        %swap3A_83 = tpu.vector_load %arg17[%swap3A_82] {strides = array<i32>} : memref<5120xf32, #tpu.memory_space<vmem>>, vector<16xf32>,
        tpu.vector_store %arg17[%swap3A_82], %get3A_77 {strides = array<i32>} : memref<5120xf32, #tpu.memory_space<vmem>>, vector<16xf32>,
        %get3A_84 = arith.index_cast %scan3A_58 : i32 to index
        %get3A_85 = arith.constant 48 : index
        %get3A_86 = tpu.vector_load %arg16[%get3A_84, %get3A_85] {strides = array<i32>} : memref<80x64xf32, #tpu.memory_space<vmem>>, vector<16xf32>,
        %mul3A_87 = arith.constant 64 : i32
        %mul3A_88 = arith.muli %scan3A_58, %mul3A_87 : i32
        %add3A_89 = arith.constant 48 : i32
        %add3A_90 = arith.addi %mul3A_88, %add3A_89 : i32
        %swap3A_91 = arith.index_cast %add3A_90 : i32 to index
        %swap3A_92 = tpu.vector_load %arg17[%swap3A_91] {strides = array<i32>} : memref<5120xf32, #tpu.memory_space<vmem>>, vector<16xf32>,
        tpu.vector_store %arg17[%swap3A_91], %get3A_86 {strides = array<i32>} : memref<5120xf32, #tpu.memory_space<vmem>>, vector<16xf32>,
      }
      %scan3A_55 = arith.constant 80 : i32
      %mul3A_56 = arith.constant 64 : i32
      %mul3A_57 = arith.muli %add3A_50, %mul3A_56 : i32
      "tpu.region"() ({
        %run_scoped3A = tpu.sem_alloc : memref<!tpu.dma_semaphore, #tpu.memory_space<semaphore_mem>>
        %dma_start3A = arith.constant 0 : i32
        %dma_start3A_58 = tpu.memref_slice %arg10[%arg0, %dma_start3A] : memref<2x655360xf32, #tpu.memory_space<hbm>> -> memref<1x655360xf32, #tpu.memory_space<hbm>>
        %dma_start3A_59 = tpu.memref_squeeze %dma_start3A_58 : memref<1x655360xf32, #tpu.memory_space<hbm>> -> memref<655360xf32, #tpu.memory_space<hbm>>
        %dma_start3A_60 = tpu.memref_slice %dma_start3A_59[%mul3A_57] : memref<655360xf32, #tpu.memory_space<hbm>> -> memref<5120xf32, #tpu.memory_space<hbm>>
        %dma_start3A_61 = arith.constant 0 : i32
        %dma_start3A_62 = tpu.memref_slice %arg10[%arg0, %dma_start3A_61] : memref<2x655360xf32, #tpu.memory_space<hbm>> -> memref<1x655360xf32, #tpu.memory_space<hbm>>
        %dma_start3A_63 = tpu.memref_squeeze %dma_start3A_62 : memref<1x655360xf32, #tpu.memory_space<hbm>> -> memref<655360xf32, #tpu.memory_space<hbm>>
        %dma_start3A_64 = tpu.memref_slice %dma_start3A_63[%mul3A_57] : memref<655360xf32, #tpu.memory_space<hbm>> -> memref<5120xf32, #tpu.memory_space<hbm>>
        tpu.enqueue_dma source(%arg17 : memref<5120xf32, #tpu.memory_space<vmem>>) target(%dma_start3A_64 : memref<5120xf32, #tpu.memory_space<hbm>>) target_semaphore(%run_scoped3A : memref<!tpu.dma_semaphore, #tpu.memory_space<semaphore_mem>>)
        %dma_wait3A = arith.constant 0 : i32
        %dma_wait3A_65 = tpu.memref_slice %arg10[%arg0, %dma_wait3A] : memref<2x655360xf32, #tpu.memory_space<hbm>> -> memref<1x655360xf32, #tpu.memory_space<hbm>>
        %dma_wait3A_66 = tpu.memref_squeeze %dma_wait3A_65 : memref<1x655360xf32, #tpu.memory_space<hbm>> -> memref<655360xf32, #tpu.memory_space<hbm>>
        %dma_wait3A_67 = tpu.memref_slice %dma_wait3A_66[%mul3A_57] : memref<655360xf32, #tpu.memory_space<hbm>> -> memref<5120xf32, #tpu.memory_space<hbm>>
        %dma_wait3A_68 = arith.constant 0 : i32
        %dma_wait3A_69 = tpu.memref_slice %arg10[%arg0, %dma_wait3A_68] : memref<2x655360xf32, #tpu.memory_space<hbm>> -> memref<1x655360xf32, #tpu.memory_space<hbm>>
        %dma_wait3A_70 = tpu.memref_squeeze %dma_wait3A_69 : memref<1x655360xf32, #tpu.memory_space<hbm>> -> memref<655360xf32, #tpu.memory_space<hbm>>
        %dma_wait3A_71 = tpu.memref_slice %dma_wait3A_70[%mul3A_57] : memref<655360xf32, #tpu.memory_space<hbm>> -> memref<5120xf32, #tpu.memory_space<hbm>>
        tpu.wait_dma2 semaphore(%run_scoped3A : memref<!tpu.dma_semaphore, #tpu.memory_space<semaphore_mem>>) src(%arg17 : memref<5120xf32, #tpu.memory_space<vmem>>) dst(%dma_wait3A_71 : memref<5120xf32, #tpu.memory_space<hbm>>)
        tpu.yield
      }) : () -> ()
    }
    %scan3A_44 = arith.constant 8 : i32
    return
  }
}

#map = affine_map<(d0, d1) -> (0)>
module attributes {stable_mosaic.version = 14 : i64} {
  func.func @_k4b_body(%arg0: i32, %arg1: i32, %arg2: memref<1280000xf32, #tpu.memory_space<hbm>>, %arg3: memref<40960xf32, #tpu.memory_space<hbm>>, %arg4: memref<320000xi32, #tpu.memory_space<hbm>>, %arg5: memref<1280000xf32, #tpu.memory_space<hbm>>, %arg6: memref<40960xf32, #tpu.memory_space<vmem>>, %arg7: memref<80xi32, #tpu.memory_space<vmem>>, %arg8: memref<320xf32, #tpu.memory_space<vmem>>, %arg9: memref<320xf32, #tpu.memory_space<vmem>>) attributes {dimension_semantics = [#tpu.dimension_semantics<core_parallel>, #tpu.dimension_semantics<subcore_parallel>], iteration_bounds = array<i64: 2, 16>, scalar_prefetch = 0 : i64, scratch_operands = 4 : i64, tpu.core_type = #tpu.core_type<sc_vector_subcore>, window_params = [{transform_indices = #map}, {transform_indices = #map}, {transform_indices = #map}, {transform_indices = #map}]} {
    %mul3A = arith.constant 2 : i32
    %mul3A_0 = arith.muli %arg1, %mul3A : i32
    %add3A = arith.addi %mul3A_0, %arg0 : i32
    "tpu.region"() ({
      %run_scoped3A = tpu.sem_alloc : memref<!tpu.dma_semaphore, #tpu.memory_space<semaphore_mem>>
      tpu.enqueue_dma source(%arg3 : memref<40960xf32, #tpu.memory_space<hbm>>) target(%arg6 : memref<40960xf32, #tpu.memory_space<vmem>>) target_semaphore(%run_scoped3A : memref<!tpu.dma_semaphore, #tpu.memory_space<semaphore_mem>>)
      tpu.wait_dma2 semaphore(%run_scoped3A : memref<!tpu.dma_semaphore, #tpu.memory_space<semaphore_mem>>) src(%arg3 : memref<40960xf32, #tpu.memory_space<hbm>>) dst(%arg6 : memref<40960xf32, #tpu.memory_space<vmem>>)
      tpu.yield
    }) : () -> ()
    %iota3A = tpu.iota {dimensions = array<i32: 0>} : vector<16xi32>
    %and3A = arith.constant 3 : i32
    %and3A_1 = vector.broadcast %and3A : i32 to vector<16xi32>
    %and3A_2 = arith.andi %iota3A, %and3A_1 : vector<16xi32>
    %shift_right_logical3A = arith.constant 2 : i32
    %shift_right_logical3A_3 = vector.broadcast %shift_right_logical3A : i32 to vector<16xi32>
    %shift_right_logical3A_4 = arith.shrui %iota3A, %shift_right_logical3A_3 : vector<16xi32>
    %scan3A = arith.constant 0 : i32
    %scan3A_5 = arith.constant 125 : i32
    %scan3A_6 = arith.addi %scan3A, %scan3A_5 : i32
    %scan3A_7 = arith.constant 1 : i32
    scf.for %scan3A_9 = %scan3A to %scan3A_6 step %scan3A_7  : i32 {
      %mul3A_10 = arith.constant 10000 : i32
      %mul3A_11 = arith.muli %add3A, %mul3A_10 : i32
      %mul3A_12 = arith.constant 80 : i32
      %mul3A_13 = arith.muli %scan3A_9, %mul3A_12 : i32
      %add3A_14 = arith.addi %mul3A_11, %mul3A_13 : i32
      "tpu.region"() ({
        %run_scoped3A = tpu.sem_alloc : memref<!tpu.dma_semaphore, #tpu.memory_space<semaphore_mem>>
        %dma_start3A = tpu.memref_slice %arg4[%add3A_14] : memref<320000xi32, #tpu.memory_space<hbm>> -> memref<80xi32, #tpu.memory_space<hbm>>
        %dma_start3A_295 = tpu.memref_slice %arg4[%add3A_14] : memref<320000xi32, #tpu.memory_space<hbm>> -> memref<80xi32, #tpu.memory_space<hbm>>
        tpu.enqueue_dma source(%dma_start3A_295 : memref<80xi32, #tpu.memory_space<hbm>>) target(%arg7 : memref<80xi32, #tpu.memory_space<vmem>>) target_semaphore(%run_scoped3A : memref<!tpu.dma_semaphore, #tpu.memory_space<semaphore_mem>>)
        %dma_wait3A = tpu.memref_slice %arg4[%add3A_14] : memref<320000xi32, #tpu.memory_space<hbm>> -> memref<80xi32, #tpu.memory_space<hbm>>
        %dma_wait3A_296 = tpu.memref_slice %arg4[%add3A_14] : memref<320000xi32, #tpu.memory_space<hbm>> -> memref<80xi32, #tpu.memory_space<hbm>>
        tpu.wait_dma2 semaphore(%run_scoped3A : memref<!tpu.dma_semaphore, #tpu.memory_space<semaphore_mem>>) src(%dma_wait3A_296 : memref<80xi32, #tpu.memory_space<hbm>>) dst(%arg7 : memref<80xi32, #tpu.memory_space<vmem>>)
        tpu.yield
      }) : () -> ()
      %mul3A_15 = arith.constant 4 : i32
      %mul3A_16 = arith.muli %add3A_14, %mul3A_15 : i32
      "tpu.region"() ({
        %run_scoped3A = tpu.sem_alloc : memref<!tpu.dma_semaphore, #tpu.memory_space<semaphore_mem>>
        %dma_start3A = tpu.memref_slice %arg2[%mul3A_16] : memref<1280000xf32, #tpu.memory_space<hbm>> -> memref<320xf32, #tpu.memory_space<hbm>>
        %dma_start3A_295 = tpu.memref_slice %arg2[%mul3A_16] : memref<1280000xf32, #tpu.memory_space<hbm>> -> memref<320xf32, #tpu.memory_space<hbm>>
        tpu.enqueue_dma source(%dma_start3A_295 : memref<320xf32, #tpu.memory_space<hbm>>) target(%arg8 : memref<320xf32, #tpu.memory_space<vmem>>) target_semaphore(%run_scoped3A : memref<!tpu.dma_semaphore, #tpu.memory_space<semaphore_mem>>)
        %dma_wait3A = tpu.memref_slice %arg2[%mul3A_16] : memref<1280000xf32, #tpu.memory_space<hbm>> -> memref<320xf32, #tpu.memory_space<hbm>>
        %dma_wait3A_296 = tpu.memref_slice %arg2[%mul3A_16] : memref<1280000xf32, #tpu.memory_space<hbm>> -> memref<320xf32, #tpu.memory_space<hbm>>
        tpu.wait_dma2 semaphore(%run_scoped3A : memref<!tpu.dma_semaphore, #tpu.memory_space<semaphore_mem>>) src(%dma_wait3A_296 : memref<320xf32, #tpu.memory_space<hbm>>) dst(%arg8 : memref<320xf32, #tpu.memory_space<vmem>>)
        tpu.yield
      }) : () -> ()
      %broadcast_in_dim3A = arith.constant 0 : i32
      %broadcast_in_dim3A_17 = vector.broadcast %broadcast_in_dim3A : i32 to vector<16xi32>
      %add3A_18 = arith.addi %broadcast_in_dim3A_17, %shift_right_logical3A_4 : vector<16xi32>
      %gather3A = tpu.vector_load_idx %arg7[%add3A_18] : memref<80xi32, #tpu.memory_space<vmem>>[vector<16xi32>], vector<16xi32>,
      %mul3A_19 = arith.constant 4 : i32
      %mul3A_20 = vector.broadcast %mul3A_19 : i32 to vector<16xi32>
      %mul3A_21 = arith.muli %gather3A, %mul3A_20 : vector<16xi32>
      %add3A_22 = arith.addi %mul3A_21, %and3A_2 : vector<16xi32>
      %gather3A_23 = tpu.vector_load_idx %arg6[%add3A_22] : memref<40960xf32, #tpu.memory_space<vmem>>[vector<16xi32>], vector<16xf32>,
      %get3A = arith.constant 0 : index
      %get3A_24 = tpu.vector_load %arg8[%get3A] {strides = array<i32>} : memref<320xf32, #tpu.memory_space<vmem>>, vector<16xf32>,
      %mul3A_25 = arith.mulf %get3A_24, %gather3A_23 : vector<16xf32>
      %swap3A = arith.constant 0 : index
      %swap3A_26 = tpu.vector_load %arg9[%swap3A] {strides = array<i32>} : memref<320xf32, #tpu.memory_space<vmem>>, vector<16xf32>,
      tpu.vector_store %arg9[%swap3A], %mul3A_25 {strides = array<i32>} : memref<320xf32, #tpu.memory_space<vmem>>, vector<16xf32>,
      %broadcast_in_dim3A_27 = arith.constant 4 : i32
      %broadcast_in_dim3A_28 = vector.broadcast %broadcast_in_dim3A_27 : i32 to vector<16xi32>
      %add3A_29 = arith.addi %broadcast_in_dim3A_28, %shift_right_logical3A_4 : vector<16xi32>
      %gather3A_30 = tpu.vector_load_idx %arg7[%add3A_29] : memref<80xi32, #tpu.memory_space<vmem>>[vector<16xi32>], vector<16xi32>,
      %mul3A_31 = arith.constant 4 : i32
      %mul3A_32 = vector.broadcast %mul3A_31 : i32 to vector<16xi32>
      %mul3A_33 = arith.muli %gather3A_30, %mul3A_32 : vector<16xi32>
      %add3A_34 = arith.addi %mul3A_33, %and3A_2 : vector<16xi32>
      %gather3A_35 = tpu.vector_load_idx %arg6[%add3A_34] : memref<40960xf32, #tpu.memory_space<vmem>>[vector<16xi32>], vector<16xf32>,
      %get3A_36 = arith.constant 16 : index
      %get3A_37 = tpu.vector_load %arg8[%get3A_36] {strides = array<i32>} : memref<320xf32, #tpu.memory_space<vmem>>, vector<16xf32>,
      %mul3A_38 = arith.mulf %get3A_37, %gather3A_35 : vector<16xf32>
      %swap3A_39 = arith.constant 16 : index
      %swap3A_40 = tpu.vector_load %arg9[%swap3A_39] {strides = array<i32>} : memref<320xf32, #tpu.memory_space<vmem>>, vector<16xf32>,
      tpu.vector_store %arg9[%swap3A_39], %mul3A_38 {strides = array<i32>} : memref<320xf32, #tpu.memory_space<vmem>>, vector<16xf32>,
      %broadcast_in_dim3A_41 = arith.constant 8 : i32
      %broadcast_in_dim3A_42 = vector.broadcast %broadcast_in_dim3A_41 : i32 to vector<16xi32>
      %add3A_43 = arith.addi %broadcast_in_dim3A_42, %shift_right_logical3A_4 : vector<16xi32>
      %gather3A_44 = tpu.vector_load_idx %arg7[%add3A_43] : memref<80xi32, #tpu.memory_space<vmem>>[vector<16xi32>], vector<16xi32>,
      %mul3A_45 = arith.constant 4 : i32
      %mul3A_46 = vector.broadcast %mul3A_45 : i32 to vector<16xi32>
      %mul3A_47 = arith.muli %gather3A_44, %mul3A_46 : vector<16xi32>
      %add3A_48 = arith.addi %mul3A_47, %and3A_2 : vector<16xi32>
      %gather3A_49 = tpu.vector_load_idx %arg6[%add3A_48] : memref<40960xf32, #tpu.memory_space<vmem>>[vector<16xi32>], vector<16xf32>,
      %get3A_50 = arith.constant 32 : index
      %get3A_51 = tpu.vector_load %arg8[%get3A_50] {strides = array<i32>} : memref<320xf32, #tpu.memory_space<vmem>>, vector<16xf32>,
      %mul3A_52 = arith.mulf %get3A_51, %gather3A_49 : vector<16xf32>
      %swap3A_53 = arith.constant 32 : index
      %swap3A_54 = tpu.vector_load %arg9[%swap3A_53] {strides = array<i32>} : memref<320xf32, #tpu.memory_space<vmem>>, vector<16xf32>,
      tpu.vector_store %arg9[%swap3A_53], %mul3A_52 {strides = array<i32>} : memref<320xf32, #tpu.memory_space<vmem>>, vector<16xf32>,
      %broadcast_in_dim3A_55 = arith.constant 12 : i32
      %broadcast_in_dim3A_56 = vector.broadcast %broadcast_in_dim3A_55 : i32 to vector<16xi32>
      %add3A_57 = arith.addi %broadcast_in_dim3A_56, %shift_right_logical3A_4 : vector<16xi32>
      %gather3A_58 = tpu.vector_load_idx %arg7[%add3A_57] : memref<80xi32, #tpu.memory_space<vmem>>[vector<16xi32>], vector<16xi32>,
      %mul3A_59 = arith.constant 4 : i32
      %mul3A_60 = vector.broadcast %mul3A_59 : i32 to vector<16xi32>
      %mul3A_61 = arith.muli %gather3A_58, %mul3A_60 : vector<16xi32>
      %add3A_62 = arith.addi %mul3A_61, %and3A_2 : vector<16xi32>
      %gather3A_63 = tpu.vector_load_idx %arg6[%add3A_62] : memref<40960xf32, #tpu.memory_space<vmem>>[vector<16xi32>], vector<16xf32>,
      %get3A_64 = arith.constant 48 : index
      %get3A_65 = tpu.vector_load %arg8[%get3A_64] {strides = array<i32>} : memref<320xf32, #tpu.memory_space<vmem>>, vector<16xf32>,
      %mul3A_66 = arith.mulf %get3A_65, %gather3A_63 : vector<16xf32>
      %swap3A_67 = arith.constant 48 : index
      %swap3A_68 = tpu.vector_load %arg9[%swap3A_67] {strides = array<i32>} : memref<320xf32, #tpu.memory_space<vmem>>, vector<16xf32>,
      tpu.vector_store %arg9[%swap3A_67], %mul3A_66 {strides = array<i32>} : memref<320xf32, #tpu.memory_space<vmem>>, vector<16xf32>,
      %broadcast_in_dim3A_69 = arith.constant 16 : i32
      %broadcast_in_dim3A_70 = vector.broadcast %broadcast_in_dim3A_69 : i32 to vector<16xi32>
      %add3A_71 = arith.addi %broadcast_in_dim3A_70, %shift_right_logical3A_4 : vector<16xi32>
      %gather3A_72 = tpu.vector_load_idx %arg7[%add3A_71] : memref<80xi32, #tpu.memory_space<vmem>>[vector<16xi32>], vector<16xi32>,
      %mul3A_73 = arith.constant 4 : i32
      %mul3A_74 = vector.broadcast %mul3A_73 : i32 to vector<16xi32>
      %mul3A_75 = arith.muli %gather3A_72, %mul3A_74 : vector<16xi32>
      %add3A_76 = arith.addi %mul3A_75, %and3A_2 : vector<16xi32>
      %gather3A_77 = tpu.vector_load_idx %arg6[%add3A_76] : memref<40960xf32, #tpu.memory_space<vmem>>[vector<16xi32>], vector<16xf32>,
      %get3A_78 = arith.constant 64 : index
      %get3A_79 = tpu.vector_load %arg8[%get3A_78] {strides = array<i32>} : memref<320xf32, #tpu.memory_space<vmem>>, vector<16xf32>,
      %mul3A_80 = arith.mulf %get3A_79, %gather3A_77 : vector<16xf32>
      %swap3A_81 = arith.constant 64 : index
      %swap3A_82 = tpu.vector_load %arg9[%swap3A_81] {strides = array<i32>} : memref<320xf32, #tpu.memory_space<vmem>>, vector<16xf32>,
      tpu.vector_store %arg9[%swap3A_81], %mul3A_80 {strides = array<i32>} : memref<320xf32, #tpu.memory_space<vmem>>, vector<16xf32>,
      %broadcast_in_dim3A_83 = arith.constant 20 : i32
      %broadcast_in_dim3A_84 = vector.broadcast %broadcast_in_dim3A_83 : i32 to vector<16xi32>
      %add3A_85 = arith.addi %broadcast_in_dim3A_84, %shift_right_logical3A_4 : vector<16xi32>
      %gather3A_86 = tpu.vector_load_idx %arg7[%add3A_85] : memref<80xi32, #tpu.memory_space<vmem>>[vector<16xi32>], vector<16xi32>,
      %mul3A_87 = arith.constant 4 : i32
      %mul3A_88 = vector.broadcast %mul3A_87 : i32 to vector<16xi32>
      %mul3A_89 = arith.muli %gather3A_86, %mul3A_88 : vector<16xi32>
      %add3A_90 = arith.addi %mul3A_89, %and3A_2 : vector<16xi32>
      %gather3A_91 = tpu.vector_load_idx %arg6[%add3A_90] : memref<40960xf32, #tpu.memory_space<vmem>>[vector<16xi32>], vector<16xf32>,
      %get3A_92 = arith.constant 80 : index
      %get3A_93 = tpu.vector_load %arg8[%get3A_92] {strides = array<i32>} : memref<320xf32, #tpu.memory_space<vmem>>, vector<16xf32>,
      %mul3A_94 = arith.mulf %get3A_93, %gather3A_91 : vector<16xf32>
      %swap3A_95 = arith.constant 80 : index
      %swap3A_96 = tpu.vector_load %arg9[%swap3A_95] {strides = array<i32>} : memref<320xf32, #tpu.memory_space<vmem>>, vector<16xf32>,
      tpu.vector_store %arg9[%swap3A_95], %mul3A_94 {strides = array<i32>} : memref<320xf32, #tpu.memory_space<vmem>>, vector<16xf32>,
      %broadcast_in_dim3A_97 = arith.constant 24 : i32
      %broadcast_in_dim3A_98 = vector.broadcast %broadcast_in_dim3A_97 : i32 to vector<16xi32>
      %add3A_99 = arith.addi %broadcast_in_dim3A_98, %shift_right_logical3A_4 : vector<16xi32>
      %gather3A_100 = tpu.vector_load_idx %arg7[%add3A_99] : memref<80xi32, #tpu.memory_space<vmem>>[vector<16xi32>], vector<16xi32>,
      %mul3A_101 = arith.constant 4 : i32
      %mul3A_102 = vector.broadcast %mul3A_101 : i32 to vector<16xi32>
      %mul3A_103 = arith.muli %gather3A_100, %mul3A_102 : vector<16xi32>
      %add3A_104 = arith.addi %mul3A_103, %and3A_2 : vector<16xi32>
      %gather3A_105 = tpu.vector_load_idx %arg6[%add3A_104] : memref<40960xf32, #tpu.memory_space<vmem>>[vector<16xi32>], vector<16xf32>,
      %get3A_106 = arith.constant 96 : index
      %get3A_107 = tpu.vector_load %arg8[%get3A_106] {strides = array<i32>} : memref<320xf32, #tpu.memory_space<vmem>>, vector<16xf32>,
      %mul3A_108 = arith.mulf %get3A_107, %gather3A_105 : vector<16xf32>
      %swap3A_109 = arith.constant 96 : index
      %swap3A_110 = tpu.vector_load %arg9[%swap3A_109] {strides = array<i32>} : memref<320xf32, #tpu.memory_space<vmem>>, vector<16xf32>,
      tpu.vector_store %arg9[%swap3A_109], %mul3A_108 {strides = array<i32>} : memref<320xf32, #tpu.memory_space<vmem>>, vector<16xf32>,
      %broadcast_in_dim3A_111 = arith.constant 28 : i32
      %broadcast_in_dim3A_112 = vector.broadcast %broadcast_in_dim3A_111 : i32 to vector<16xi32>
      %add3A_113 = arith.addi %broadcast_in_dim3A_112, %shift_right_logical3A_4 : vector<16xi32>
      %gather3A_114 = tpu.vector_load_idx %arg7[%add3A_113] : memref<80xi32, #tpu.memory_space<vmem>>[vector<16xi32>], vector<16xi32>,
      %mul3A_115 = arith.constant 4 : i32
      %mul3A_116 = vector.broadcast %mul3A_115 : i32 to vector<16xi32>
      %mul3A_117 = arith.muli %gather3A_114, %mul3A_116 : vector<16xi32>
      %add3A_118 = arith.addi %mul3A_117, %and3A_2 : vector<16xi32>
      %gather3A_119 = tpu.vector_load_idx %arg6[%add3A_118] : memref<40960xf32, #tpu.memory_space<vmem>>[vector<16xi32>], vector<16xf32>,
      %get3A_120 = arith.constant 112 : index
      %get3A_121 = tpu.vector_load %arg8[%get3A_120] {strides = array<i32>} : memref<320xf32, #tpu.memory_space<vmem>>, vector<16xf32>,
      %mul3A_122 = arith.mulf %get3A_121, %gather3A_119 : vector<16xf32>
      %swap3A_123 = arith.constant 112 : index
      %swap3A_124 = tpu.vector_load %arg9[%swap3A_123] {strides = array<i32>} : memref<320xf32, #tpu.memory_space<vmem>>, vector<16xf32>,
      tpu.vector_store %arg9[%swap3A_123], %mul3A_122 {strides = array<i32>} : memref<320xf32, #tpu.memory_space<vmem>>, vector<16xf32>,
      %broadcast_in_dim3A_125 = arith.constant 32 : i32
      %broadcast_in_dim3A_126 = vector.broadcast %broadcast_in_dim3A_125 : i32 to vector<16xi32>
      %add3A_127 = arith.addi %broadcast_in_dim3A_126, %shift_right_logical3A_4 : vector<16xi32>
      %gather3A_128 = tpu.vector_load_idx %arg7[%add3A_127] : memref<80xi32, #tpu.memory_space<vmem>>[vector<16xi32>], vector<16xi32>,
      %mul3A_129 = arith.constant 4 : i32
      %mul3A_130 = vector.broadcast %mul3A_129 : i32 to vector<16xi32>
      %mul3A_131 = arith.muli %gather3A_128, %mul3A_130 : vector<16xi32>
      %add3A_132 = arith.addi %mul3A_131, %and3A_2 : vector<16xi32>
      %gather3A_133 = tpu.vector_load_idx %arg6[%add3A_132] : memref<40960xf32, #tpu.memory_space<vmem>>[vector<16xi32>], vector<16xf32>,
      %get3A_134 = arith.constant 128 : index
      %get3A_135 = tpu.vector_load %arg8[%get3A_134] {strides = array<i32>} : memref<320xf32, #tpu.memory_space<vmem>>, vector<16xf32>,
      %mul3A_136 = arith.mulf %get3A_135, %gather3A_133 : vector<16xf32>
      %swap3A_137 = arith.constant 128 : index
      %swap3A_138 = tpu.vector_load %arg9[%swap3A_137] {strides = array<i32>} : memref<320xf32, #tpu.memory_space<vmem>>, vector<16xf32>,
      tpu.vector_store %arg9[%swap3A_137], %mul3A_136 {strides = array<i32>} : memref<320xf32, #tpu.memory_space<vmem>>, vector<16xf32>,
      %broadcast_in_dim3A_139 = arith.constant 36 : i32
      %broadcast_in_dim3A_140 = vector.broadcast %broadcast_in_dim3A_139 : i32 to vector<16xi32>
      %add3A_141 = arith.addi %broadcast_in_dim3A_140, %shift_right_logical3A_4 : vector<16xi32>
      %gather3A_142 = tpu.vector_load_idx %arg7[%add3A_141] : memref<80xi32, #tpu.memory_space<vmem>>[vector<16xi32>], vector<16xi32>,
      %mul3A_143 = arith.constant 4 : i32
      %mul3A_144 = vector.broadcast %mul3A_143 : i32 to vector<16xi32>
      %mul3A_145 = arith.muli %gather3A_142, %mul3A_144 : vector<16xi32>
      %add3A_146 = arith.addi %mul3A_145, %and3A_2 : vector<16xi32>
      %gather3A_147 = tpu.vector_load_idx %arg6[%add3A_146] : memref<40960xf32, #tpu.memory_space<vmem>>[vector<16xi32>], vector<16xf32>,
      %get3A_148 = arith.constant 144 : index
      %get3A_149 = tpu.vector_load %arg8[%get3A_148] {strides = array<i32>} : memref<320xf32, #tpu.memory_space<vmem>>, vector<16xf32>,
      %mul3A_150 = arith.mulf %get3A_149, %gather3A_147 : vector<16xf32>
      %swap3A_151 = arith.constant 144 : index
      %swap3A_152 = tpu.vector_load %arg9[%swap3A_151] {strides = array<i32>} : memref<320xf32, #tpu.memory_space<vmem>>, vector<16xf32>,
      tpu.vector_store %arg9[%swap3A_151], %mul3A_150 {strides = array<i32>} : memref<320xf32, #tpu.memory_space<vmem>>, vector<16xf32>,
      %broadcast_in_dim3A_153 = arith.constant 40 : i32
      %broadcast_in_dim3A_154 = vector.broadcast %broadcast_in_dim3A_153 : i32 to vector<16xi32>
      %add3A_155 = arith.addi %broadcast_in_dim3A_154, %shift_right_logical3A_4 : vector<16xi32>
      %gather3A_156 = tpu.vector_load_idx %arg7[%add3A_155] : memref<80xi32, #tpu.memory_space<vmem>>[vector<16xi32>], vector<16xi32>,
      %mul3A_157 = arith.constant 4 : i32
      %mul3A_158 = vector.broadcast %mul3A_157 : i32 to vector<16xi32>
      %mul3A_159 = arith.muli %gather3A_156, %mul3A_158 : vector<16xi32>
      %add3A_160 = arith.addi %mul3A_159, %and3A_2 : vector<16xi32>
      %gather3A_161 = tpu.vector_load_idx %arg6[%add3A_160] : memref<40960xf32, #tpu.memory_space<vmem>>[vector<16xi32>], vector<16xf32>,
      %get3A_162 = arith.constant 160 : index
      %get3A_163 = tpu.vector_load %arg8[%get3A_162] {strides = array<i32>} : memref<320xf32, #tpu.memory_space<vmem>>, vector<16xf32>,
      %mul3A_164 = arith.mulf %get3A_163, %gather3A_161 : vector<16xf32>
      %swap3A_165 = arith.constant 160 : index
      %swap3A_166 = tpu.vector_load %arg9[%swap3A_165] {strides = array<i32>} : memref<320xf32, #tpu.memory_space<vmem>>, vector<16xf32>,
      tpu.vector_store %arg9[%swap3A_165], %mul3A_164 {strides = array<i32>} : memref<320xf32, #tpu.memory_space<vmem>>, vector<16xf32>,
      %broadcast_in_dim3A_167 = arith.constant 44 : i32
      %broadcast_in_dim3A_168 = vector.broadcast %broadcast_in_dim3A_167 : i32 to vector<16xi32>
      %add3A_169 = arith.addi %broadcast_in_dim3A_168, %shift_right_logical3A_4 : vector<16xi32>
      %gather3A_170 = tpu.vector_load_idx %arg7[%add3A_169] : memref<80xi32, #tpu.memory_space<vmem>>[vector<16xi32>], vector<16xi32>,
      %mul3A_171 = arith.constant 4 : i32
      %mul3A_172 = vector.broadcast %mul3A_171 : i32 to vector<16xi32>
      %mul3A_173 = arith.muli %gather3A_170, %mul3A_172 : vector<16xi32>
      %add3A_174 = arith.addi %mul3A_173, %and3A_2 : vector<16xi32>
      %gather3A_175 = tpu.vector_load_idx %arg6[%add3A_174] : memref<40960xf32, #tpu.memory_space<vmem>>[vector<16xi32>], vector<16xf32>,
      %get3A_176 = arith.constant 176 : index
      %get3A_177 = tpu.vector_load %arg8[%get3A_176] {strides = array<i32>} : memref<320xf32, #tpu.memory_space<vmem>>, vector<16xf32>,
      %mul3A_178 = arith.mulf %get3A_177, %gather3A_175 : vector<16xf32>
      %swap3A_179 = arith.constant 176 : index
      %swap3A_180 = tpu.vector_load %arg9[%swap3A_179] {strides = array<i32>} : memref<320xf32, #tpu.memory_space<vmem>>, vector<16xf32>,
      tpu.vector_store %arg9[%swap3A_179], %mul3A_178 {strides = array<i32>} : memref<320xf32, #tpu.memory_space<vmem>>, vector<16xf32>,
      %broadcast_in_dim3A_181 = arith.constant 48 : i32
      %broadcast_in_dim3A_182 = vector.broadcast %broadcast_in_dim3A_181 : i32 to vector<16xi32>
      %add3A_183 = arith.addi %broadcast_in_dim3A_182, %shift_right_logical3A_4 : vector<16xi32>
      %gather3A_184 = tpu.vector_load_idx %arg7[%add3A_183] : memref<80xi32, #tpu.memory_space<vmem>>[vector<16xi32>], vector<16xi32>,
      %mul3A_185 = arith.constant 4 : i32
      %mul3A_186 = vector.broadcast %mul3A_185 : i32 to vector<16xi32>
      %mul3A_187 = arith.muli %gather3A_184, %mul3A_186 : vector<16xi32>
      %add3A_188 = arith.addi %mul3A_187, %and3A_2 : vector<16xi32>
      %gather3A_189 = tpu.vector_load_idx %arg6[%add3A_188] : memref<40960xf32, #tpu.memory_space<vmem>>[vector<16xi32>], vector<16xf32>,
      %get3A_190 = arith.constant 192 : index
      %get3A_191 = tpu.vector_load %arg8[%get3A_190] {strides = array<i32>} : memref<320xf32, #tpu.memory_space<vmem>>, vector<16xf32>,
      %mul3A_192 = arith.mulf %get3A_191, %gather3A_189 : vector<16xf32>
      %swap3A_193 = arith.constant 192 : index
      %swap3A_194 = tpu.vector_load %arg9[%swap3A_193] {strides = array<i32>} : memref<320xf32, #tpu.memory_space<vmem>>, vector<16xf32>,
      tpu.vector_store %arg9[%swap3A_193], %mul3A_192 {strides = array<i32>} : memref<320xf32, #tpu.memory_space<vmem>>, vector<16xf32>,
      %broadcast_in_dim3A_195 = arith.constant 52 : i32
      %broadcast_in_dim3A_196 = vector.broadcast %broadcast_in_dim3A_195 : i32 to vector<16xi32>
      %add3A_197 = arith.addi %broadcast_in_dim3A_196, %shift_right_logical3A_4 : vector<16xi32>
      %gather3A_198 = tpu.vector_load_idx %arg7[%add3A_197] : memref<80xi32, #tpu.memory_space<vmem>>[vector<16xi32>], vector<16xi32>,
      %mul3A_199 = arith.constant 4 : i32
      %mul3A_200 = vector.broadcast %mul3A_199 : i32 to vector<16xi32>
      %mul3A_201 = arith.muli %gather3A_198, %mul3A_200 : vector<16xi32>
      %add3A_202 = arith.addi %mul3A_201, %and3A_2 : vector<16xi32>
      %gather3A_203 = tpu.vector_load_idx %arg6[%add3A_202] : memref<40960xf32, #tpu.memory_space<vmem>>[vector<16xi32>], vector<16xf32>,
      %get3A_204 = arith.constant 208 : index
      %get3A_205 = tpu.vector_load %arg8[%get3A_204] {strides = array<i32>} : memref<320xf32, #tpu.memory_space<vmem>>, vector<16xf32>,
      %mul3A_206 = arith.mulf %get3A_205, %gather3A_203 : vector<16xf32>
      %swap3A_207 = arith.constant 208 : index
      %swap3A_208 = tpu.vector_load %arg9[%swap3A_207] {strides = array<i32>} : memref<320xf32, #tpu.memory_space<vmem>>, vector<16xf32>,
      tpu.vector_store %arg9[%swap3A_207], %mul3A_206 {strides = array<i32>} : memref<320xf32, #tpu.memory_space<vmem>>, vector<16xf32>,
      %broadcast_in_dim3A_209 = arith.constant 56 : i32
      %broadcast_in_dim3A_210 = vector.broadcast %broadcast_in_dim3A_209 : i32 to vector<16xi32>
      %add3A_211 = arith.addi %broadcast_in_dim3A_210, %shift_right_logical3A_4 : vector<16xi32>
      %gather3A_212 = tpu.vector_load_idx %arg7[%add3A_211] : memref<80xi32, #tpu.memory_space<vmem>>[vector<16xi32>], vector<16xi32>,
      %mul3A_213 = arith.constant 4 : i32
      %mul3A_214 = vector.broadcast %mul3A_213 : i32 to vector<16xi32>
      %mul3A_215 = arith.muli %gather3A_212, %mul3A_214 : vector<16xi32>
      %add3A_216 = arith.addi %mul3A_215, %and3A_2 : vector<16xi32>
      %gather3A_217 = tpu.vector_load_idx %arg6[%add3A_216] : memref<40960xf32, #tpu.memory_space<vmem>>[vector<16xi32>], vector<16xf32>,
      %get3A_218 = arith.constant 224 : index
      %get3A_219 = tpu.vector_load %arg8[%get3A_218] {strides = array<i32>} : memref<320xf32, #tpu.memory_space<vmem>>, vector<16xf32>,
      %mul3A_220 = arith.mulf %get3A_219, %gather3A_217 : vector<16xf32>
      %swap3A_221 = arith.constant 224 : index
      %swap3A_222 = tpu.vector_load %arg9[%swap3A_221] {strides = array<i32>} : memref<320xf32, #tpu.memory_space<vmem>>, vector<16xf32>,
      tpu.vector_store %arg9[%swap3A_221], %mul3A_220 {strides = array<i32>} : memref<320xf32, #tpu.memory_space<vmem>>, vector<16xf32>,
      %broadcast_in_dim3A_223 = arith.constant 60 : i32
      %broadcast_in_dim3A_224 = vector.broadcast %broadcast_in_dim3A_223 : i32 to vector<16xi32>
      %add3A_225 = arith.addi %broadcast_in_dim3A_224, %shift_right_logical3A_4 : vector<16xi32>
      %gather3A_226 = tpu.vector_load_idx %arg7[%add3A_225] : memref<80xi32, #tpu.memory_space<vmem>>[vector<16xi32>], vector<16xi32>,
      %mul3A_227 = arith.constant 4 : i32
      %mul3A_228 = vector.broadcast %mul3A_227 : i32 to vector<16xi32>
      %mul3A_229 = arith.muli %gather3A_226, %mul3A_228 : vector<16xi32>
      %add3A_230 = arith.addi %mul3A_229, %and3A_2 : vector<16xi32>
      %gather3A_231 = tpu.vector_load_idx %arg6[%add3A_230] : memref<40960xf32, #tpu.memory_space<vmem>>[vector<16xi32>], vector<16xf32>,
      %get3A_232 = arith.constant 240 : index
      %get3A_233 = tpu.vector_load %arg8[%get3A_232] {strides = array<i32>} : memref<320xf32, #tpu.memory_space<vmem>>, vector<16xf32>,
      %mul3A_234 = arith.mulf %get3A_233, %gather3A_231 : vector<16xf32>
      %swap3A_235 = arith.constant 240 : index
      %swap3A_236 = tpu.vector_load %arg9[%swap3A_235] {strides = array<i32>} : memref<320xf32, #tpu.memory_space<vmem>>, vector<16xf32>,
      tpu.vector_store %arg9[%swap3A_235], %mul3A_234 {strides = array<i32>} : memref<320xf32, #tpu.memory_space<vmem>>, vector<16xf32>,
      %broadcast_in_dim3A_237 = arith.constant 64 : i32
      %broadcast_in_dim3A_238 = vector.broadcast %broadcast_in_dim3A_237 : i32 to vector<16xi32>
      %add3A_239 = arith.addi %broadcast_in_dim3A_238, %shift_right_logical3A_4 : vector<16xi32>
      %gather3A_240 = tpu.vector_load_idx %arg7[%add3A_239] : memref<80xi32, #tpu.memory_space<vmem>>[vector<16xi32>], vector<16xi32>,
      %mul3A_241 = arith.constant 4 : i32
      %mul3A_242 = vector.broadcast %mul3A_241 : i32 to vector<16xi32>
      %mul3A_243 = arith.muli %gather3A_240, %mul3A_242 : vector<16xi32>
      %add3A_244 = arith.addi %mul3A_243, %and3A_2 : vector<16xi32>
      %gather3A_245 = tpu.vector_load_idx %arg6[%add3A_244] : memref<40960xf32, #tpu.memory_space<vmem>>[vector<16xi32>], vector<16xf32>,
      %get3A_246 = arith.constant 256 : index
      %get3A_247 = tpu.vector_load %arg8[%get3A_246] {strides = array<i32>} : memref<320xf32, #tpu.memory_space<vmem>>, vector<16xf32>,
      %mul3A_248 = arith.mulf %get3A_247, %gather3A_245 : vector<16xf32>
      %swap3A_249 = arith.constant 256 : index
      %swap3A_250 = tpu.vector_load %arg9[%swap3A_249] {strides = array<i32>} : memref<320xf32, #tpu.memory_space<vmem>>, vector<16xf32>,
      tpu.vector_store %arg9[%swap3A_249], %mul3A_248 {strides = array<i32>} : memref<320xf32, #tpu.memory_space<vmem>>, vector<16xf32>,
      %broadcast_in_dim3A_251 = arith.constant 68 : i32
      %broadcast_in_dim3A_252 = vector.broadcast %broadcast_in_dim3A_251 : i32 to vector<16xi32>
      %add3A_253 = arith.addi %broadcast_in_dim3A_252, %shift_right_logical3A_4 : vector<16xi32>
      %gather3A_254 = tpu.vector_load_idx %arg7[%add3A_253] : memref<80xi32, #tpu.memory_space<vmem>>[vector<16xi32>], vector<16xi32>,
      %mul3A_255 = arith.constant 4 : i32
      %mul3A_256 = vector.broadcast %mul3A_255 : i32 to vector<16xi32>
      %mul3A_257 = arith.muli %gather3A_254, %mul3A_256 : vector<16xi32>
      %add3A_258 = arith.addi %mul3A_257, %and3A_2 : vector<16xi32>
      %gather3A_259 = tpu.vector_load_idx %arg6[%add3A_258] : memref<40960xf32, #tpu.memory_space<vmem>>[vector<16xi32>], vector<16xf32>,
      %get3A_260 = arith.constant 272 : index
      %get3A_261 = tpu.vector_load %arg8[%get3A_260] {strides = array<i32>} : memref<320xf32, #tpu.memory_space<vmem>>, vector<16xf32>,
      %mul3A_262 = arith.mulf %get3A_261, %gather3A_259 : vector<16xf32>
      %swap3A_263 = arith.constant 272 : index
      %swap3A_264 = tpu.vector_load %arg9[%swap3A_263] {strides = array<i32>} : memref<320xf32, #tpu.memory_space<vmem>>, vector<16xf32>,
      tpu.vector_store %arg9[%swap3A_263], %mul3A_262 {strides = array<i32>} : memref<320xf32, #tpu.memory_space<vmem>>, vector<16xf32>,
      %broadcast_in_dim3A_265 = arith.constant 72 : i32
      %broadcast_in_dim3A_266 = vector.broadcast %broadcast_in_dim3A_265 : i32 to vector<16xi32>
      %add3A_267 = arith.addi %broadcast_in_dim3A_266, %shift_right_logical3A_4 : vector<16xi32>
      %gather3A_268 = tpu.vector_load_idx %arg7[%add3A_267] : memref<80xi32, #tpu.memory_space<vmem>>[vector<16xi32>], vector<16xi32>,
      %mul3A_269 = arith.constant 4 : i32
      %mul3A_270 = vector.broadcast %mul3A_269 : i32 to vector<16xi32>
      %mul3A_271 = arith.muli %gather3A_268, %mul3A_270 : vector<16xi32>
      %add3A_272 = arith.addi %mul3A_271, %and3A_2 : vector<16xi32>
      %gather3A_273 = tpu.vector_load_idx %arg6[%add3A_272] : memref<40960xf32, #tpu.memory_space<vmem>>[vector<16xi32>], vector<16xf32>,
      %get3A_274 = arith.constant 288 : index
      %get3A_275 = tpu.vector_load %arg8[%get3A_274] {strides = array<i32>} : memref<320xf32, #tpu.memory_space<vmem>>, vector<16xf32>,
      %mul3A_276 = arith.mulf %get3A_275, %gather3A_273 : vector<16xf32>
      %swap3A_277 = arith.constant 288 : index
      %swap3A_278 = tpu.vector_load %arg9[%swap3A_277] {strides = array<i32>} : memref<320xf32, #tpu.memory_space<vmem>>, vector<16xf32>,
      tpu.vector_store %arg9[%swap3A_277], %mul3A_276 {strides = array<i32>} : memref<320xf32, #tpu.memory_space<vmem>>, vector<16xf32>,
      %broadcast_in_dim3A_279 = arith.constant 76 : i32
      %broadcast_in_dim3A_280 = vector.broadcast %broadcast_in_dim3A_279 : i32 to vector<16xi32>
      %add3A_281 = arith.addi %broadcast_in_dim3A_280, %shift_right_logical3A_4 : vector<16xi32>
      %gather3A_282 = tpu.vector_load_idx %arg7[%add3A_281] : memref<80xi32, #tpu.memory_space<vmem>>[vector<16xi32>], vector<16xi32>,
      %mul3A_283 = arith.constant 4 : i32
      %mul3A_284 = vector.broadcast %mul3A_283 : i32 to vector<16xi32>
      %mul3A_285 = arith.muli %gather3A_282, %mul3A_284 : vector<16xi32>
      %add3A_286 = arith.addi %mul3A_285, %and3A_2 : vector<16xi32>
      %gather3A_287 = tpu.vector_load_idx %arg6[%add3A_286] : memref<40960xf32, #tpu.memory_space<vmem>>[vector<16xi32>], vector<16xf32>,
      %get3A_288 = arith.constant 304 : index
      %get3A_289 = tpu.vector_load %arg8[%get3A_288] {strides = array<i32>} : memref<320xf32, #tpu.memory_space<vmem>>, vector<16xf32>,
      %mul3A_290 = arith.mulf %get3A_289, %gather3A_287 : vector<16xf32>
      %swap3A_291 = arith.constant 304 : index
      %swap3A_292 = tpu.vector_load %arg9[%swap3A_291] {strides = array<i32>} : memref<320xf32, #tpu.memory_space<vmem>>, vector<16xf32>,
      tpu.vector_store %arg9[%swap3A_291], %mul3A_290 {strides = array<i32>} : memref<320xf32, #tpu.memory_space<vmem>>, vector<16xf32>,
      %mul3A_293 = arith.constant 4 : i32
      %mul3A_294 = arith.muli %add3A_14, %mul3A_293 : i32
      "tpu.region"() ({
        %run_scoped3A = tpu.sem_alloc : memref<!tpu.dma_semaphore, #tpu.memory_space<semaphore_mem>>
        %dma_start3A = tpu.memref_slice %arg5[%mul3A_294] : memref<1280000xf32, #tpu.memory_space<hbm>> -> memref<320xf32, #tpu.memory_space<hbm>>
        %dma_start3A_295 = tpu.memref_slice %arg5[%mul3A_294] : memref<1280000xf32, #tpu.memory_space<hbm>> -> memref<320xf32, #tpu.memory_space<hbm>>
        tpu.enqueue_dma source(%arg9 : memref<320xf32, #tpu.memory_space<vmem>>) target(%dma_start3A_295 : memref<320xf32, #tpu.memory_space<hbm>>) target_semaphore(%run_scoped3A : memref<!tpu.dma_semaphore, #tpu.memory_space<semaphore_mem>>)
        %dma_wait3A = tpu.memref_slice %arg5[%mul3A_294] : memref<1280000xf32, #tpu.memory_space<hbm>> -> memref<320xf32, #tpu.memory_space<hbm>>
        %dma_wait3A_296 = tpu.memref_slice %arg5[%mul3A_294] : memref<1280000xf32, #tpu.memory_space<hbm>> -> memref<320xf32, #tpu.memory_space<hbm>>
        tpu.wait_dma2 semaphore(%run_scoped3A : memref<!tpu.dma_semaphore, #tpu.memory_space<semaphore_mem>>) src(%arg9 : memref<320xf32, #tpu.memory_space<vmem>>) dst(%dma_wait3A_296 : memref<320xf32, #tpu.memory_space<hbm>>)
        tpu.yield
      }) : () -> ()
    }
    %scan3A_8 = arith.constant 125 : i32
    return
  }
}

module attributes {stable_mosaic.version = 14 : i64} {
  func.func @_k1_body(%arg0: i32, %arg1: memref<2048x128xf32, #tpu.memory_space<vmem>>, %arg2: memref<128x128xf32, #tpu.memory_space<vmem>>, %arg3: memref<128x4xf32, #tpu.memory_space<vmem>>, %arg4: memref<128x4xf32, #tpu.memory_space<vmem>>, %arg5: memref<2048x128xf32, #tpu.memory_space<vmem>>, %arg6: memref<2048x4xf32, #tpu.memory_space<vmem>>, %arg7: memref<2048x4xf32, #tpu.memory_space<vmem>>, %arg8: memref<8x128xf32, #tpu.memory_space<vmem>>) attributes {dimension_semantics = [#tpu.dimension_semantics<arbitrary>], iteration_bounds = array<i64: 5>, scalar_prefetch = 0 : i64, scratch_operands = 0 : i64, tpu.core_type = #tpu.core_type<tc>, window_params = [{transform_indices = @transform_0, window_bounds = array<i64: 2048, 128>}, {pipeline_mode = #tpu.pipeline_mode<synchronous>, transform_indices = @transform_1, window_bounds = array<i64: 128, 128>}, {pipeline_mode = #tpu.pipeline_mode<synchronous>, transform_indices = @transform_2, window_bounds = array<i64: 128, 4>}, {pipeline_mode = #tpu.pipeline_mode<synchronous>, transform_indices = @transform_3, window_bounds = array<i64: 128, 4>}, {transform_indices = @transform_4, window_bounds = array<i64: 2048, 128>}, {transform_indices = @transform_5, window_bounds = array<i64: 2048, 4>}, {transform_indices = @transform_6, window_bounds = array<i64: 2048, 4>}, {pipeline_mode = #tpu.pipeline_mode<synchronous>, transform_indices = @transform_7, window_bounds = array<i64: 8, 128>}]} {
    %get3A = arith.constant 0 : index
    %get3A_0 = arith.constant 0 : index
    %get3A_1 = vector.load %arg1[%get3A, %get3A_0] : memref<2048x128xf32, #tpu.memory_space<vmem>>, vector<2048x128xf32>
    %get3A_2 = arith.constant 0 : index
    %get3A_3 = arith.constant 0 : index
    %get3A_4 = vector.load %arg2[%get3A_2, %get3A_3] : memref<128x128xf32, #tpu.memory_space<vmem>>, vector<128x128xf32>
    %dot_general3A = arith.constant dense<0.000000e+00> : vector<2048x128xf32>
    %dot_general3A_5 = tpu.matmul %get3A_1, %get3A_4, %dot_general3A {dimension_numbers = #tpu.dot_dimension_numbers<[1], [0], [0], [1], [0, 0, 1, 1], [], []>, transpose_lhs_hint = false} : vector<2048x128xf32>, vector<128x128xf32>, vector<2048x128xf32> -> vector<2048x128xf32>
    %swap3A = arith.constant 0 : index
    %swap3A_6 = arith.constant 0 : index
    %swap3A_7 = vector.load %arg5[%swap3A, %swap3A_6] : memref<2048x128xf32, #tpu.memory_space<vmem>>, vector<2048x128xf32>
    tpu.vector_store %arg5[%swap3A, %swap3A_6], %dot_general3A_5 {strides = array<i32>} : memref<2048x128xf32, #tpu.memory_space<vmem>>, vector<2048x128xf32>,
    %get3A_8 = arith.constant 0 : index
    %get3A_9 = arith.constant 0 : index
    %get3A_10 = vector.load %arg3[%get3A_8, %get3A_9] : memref<128x4xf32, #tpu.memory_space<vmem>>, vector<128x4xf32>
    %dot_general3A_11 = arith.constant dense<0.000000e+00> : vector<2048x4xf32>
    %dot_general3A_12 = tpu.matmul %dot_general3A_5, %get3A_10, %dot_general3A_11 {dimension_numbers = #tpu.dot_dimension_numbers<[1], [0], [0], [1], [0, 0, 1, 1], [], []>, transpose_lhs_hint = false} : vector<2048x128xf32>, vector<128x4xf32>, vector<2048x4xf32> -> vector<2048x4xf32>
    %get3A_13 = arith.constant 0 : index
    %get3A_14 = arith.constant 0 : index
    %get3A_15 = vector.load %arg4[%get3A_13, %get3A_14] : memref<128x4xf32, #tpu.memory_space<vmem>>, vector<128x4xf32>
    %dot_general3A_16 = arith.constant dense<0.000000e+00> : vector<2048x4xf32>
    %dot_general3A_17 = tpu.matmul %dot_general3A_5, %get3A_15, %dot_general3A_16 {dimension_numbers = #tpu.dot_dimension_numbers<[1], [0], [0], [1], [0, 0, 1, 1], [], []>, transpose_lhs_hint = false} : vector<2048x128xf32>, vector<128x4xf32>, vector<2048x4xf32> -> vector<2048x4xf32>
    %swap3A_18 = arith.constant 0 : index
    %swap3A_19 = arith.constant 0 : index
    %swap3A_20 = vector.load %arg6[%swap3A_18, %swap3A_19] : memref<2048x4xf32, #tpu.memory_space<vmem>>, vector<2048x4xf32>
    tpu.vector_store %arg6[%swap3A_18, %swap3A_19], %dot_general3A_12 {strides = array<i32>} : memref<2048x4xf32, #tpu.memory_space<vmem>>, vector<2048x4xf32>,
    %swap3A_21 = arith.constant 0 : index
    %swap3A_22 = arith.constant 0 : index
    %swap3A_23 = vector.load %arg7[%swap3A_21, %swap3A_22] : memref<2048x4xf32, #tpu.memory_space<vmem>>, vector<2048x4xf32>
    tpu.vector_store %arg7[%swap3A_21, %swap3A_22], %dot_general3A_17 {strides = array<i32>} : memref<2048x4xf32, #tpu.memory_space<vmem>>, vector<2048x4xf32>,
    %eq3A = arith.constant 0 : i32
    %eq3A_24 = arith.cmpi eq, %arg0, %eq3A : i32
    %convert_element_type3A = arith.extui %eq3A_24 : i1 to i32
    %cond3A = arith.constant 0 : i32
    %cond3A_25 = arith.cmpi ne, %convert_element_type3A, %cond3A : i32
    scf.if %cond3A_25 {
      %broadcast_in_dim3A_41 = arith.constant 0xFF800000 : f32
      %broadcast_in_dim3A_42 = vector.broadcast %broadcast_in_dim3A_41 : f32 to vector<8x128xf32>
      %swap3A_43 = arith.constant 0 : index
      %swap3A_44 = arith.constant 0 : index
      %swap3A_45 = vector.load %arg8[%swap3A_43, %swap3A_44] : memref<8x128xf32, #tpu.memory_space<vmem>>, vector<8x128xf32>
      tpu.vector_store %arg8[%swap3A_43, %swap3A_44], %broadcast_in_dim3A_42 {strides = array<i32>} : memref<8x128xf32, #tpu.memory_space<vmem>>, vector<8x128xf32>,
    } else {
    }
    %get3A_26 = arith.constant 0 : index
    %get3A_27 = arith.constant 0 : index
    %get3A_28 = vector.load %arg8[%get3A_26, %get3A_27] : memref<8x128xf32, #tpu.memory_space<vmem>>, vector<8x128xf32>
    %reduce_max3A = arith.constant dense<0xFF800000> : vector<4xf32>
    %reduce_max3A_29 = vector.multi_reduction <maximumf>, %dot_general3A_12, %reduce_max3A [0] : vector<2048x4xf32> to vector<4xf32>
    %broadcast_in_dim3A = arith.constant 0xFF800000 : f32
    %broadcast_in_dim3A_30 = vector.broadcast %broadcast_in_dim3A : f32 to vector<124xf32>
    %concatenate3A = tpu.concatenate %reduce_max3A_29, %broadcast_in_dim3A_30 in 0 : vector<4xf32>, vector<124xf32> -> vector<128xf32>
    %iota3A = tpu.iota {dimensions = array<i32: 0>} : vector<8x128xi32>
    %eq3A_31 = arith.constant 0 : i32
    %eq3A_32 = vector.broadcast %eq3A_31 : i32 to vector<8x128xi32>
    %eq3A_33 = arith.cmpi eq, %iota3A, %eq3A_32 : vector<8x128xi32>
    %broadcast_in_dim3A_34 = vector.shape_cast %concatenate3A : vector<128xf32> to vector<1x128xf32>
    %jit3A = arith.constant 0xFF800000 : f32
    %broadcast_in_dim3A_35 = vector.shape_cast %broadcast_in_dim3A_34 : vector<1x128xf32> to vector<1x128xf32>
    %broadcast_in_dim3A_36 = vector.broadcast %broadcast_in_dim3A_35 : vector<1x128xf32> to vector<8x128xf32>
    %broadcast_in_dim3A_37 = vector.broadcast %jit3A : f32 to vector<8x128xf32>
    %select_n3A = arith.select %eq3A_33, %broadcast_in_dim3A_36, %broadcast_in_dim3A_37 : vector<8x128xi1>, vector<8x128xf32>
    %max3A = arith.maximumf %get3A_28, %select_n3A : vector<8x128xf32>
    %swap3A_38 = arith.constant 0 : index
    %swap3A_39 = arith.constant 0 : index
    %swap3A_40 = vector.load %arg8[%swap3A_38, %swap3A_39] : memref<8x128xf32, #tpu.memory_space<vmem>>, vector<8x128xf32>
    tpu.vector_store %arg8[%swap3A_38, %swap3A_39], %max3A {strides = array<i32>} : memref<8x128xf32, #tpu.memory_space<vmem>>, vector<8x128xf32>,
    return
  }
  func.func @transform_0(%arg0: i32) -> (i32, i32) {
    %c0_i32 = arith.constant 0 : i32
    %c0_i32_0 = arith.constant 0 : i32
    return %arg0, %c0_i32 : i32, i32
  }
  func.func @transform_1(%arg0: i32) -> (i32, i32) {
    %c0_i32 = arith.constant 0 : i32
    %c0_i32_0 = arith.constant 0 : i32
    %c0_i32_1 = arith.constant 0 : i32
    return %c0_i32, %c0_i32_0 : i32, i32
  }
  func.func @transform_2(%arg0: i32) -> (i32, i32) {
    %c0_i32 = arith.constant 0 : i32
    %c0_i32_0 = arith.constant 0 : i32
    %c0_i32_1 = arith.constant 0 : i32
    return %c0_i32, %c0_i32_0 : i32, i32
  }
  func.func @transform_3(%arg0: i32) -> (i32, i32) {
    %c0_i32 = arith.constant 0 : i32
    %c0_i32_0 = arith.constant 0 : i32
    %c0_i32_1 = arith.constant 0 : i32
    return %c0_i32, %c0_i32_0 : i32, i32
  }
  func.func @transform_4(%arg0: i32) -> (i32, i32) {
    %c0_i32 = arith.constant 0 : i32
    %c0_i32_0 = arith.constant 0 : i32
    return %arg0, %c0_i32 : i32, i32
  }
  func.func @transform_5(%arg0: i32) -> (i32, i32) {
    %c0_i32 = arith.constant 0 : i32
    %c0_i32_0 = arith.constant 0 : i32
    return %arg0, %c0_i32 : i32, i32
  }
  func.func @transform_6(%arg0: i32) -> (i32, i32) {
    %c0_i32 = arith.constant 0 : i32
    %c0_i32_0 = arith.constant 0 : i32
    return %arg0, %c0_i32 : i32, i32
  }
  func.func @transform_7(%arg0: i32) -> (i32, i32) {
    %c0_i32 = arith.constant 0 : i32
    %c0_i32_0 = arith.constant 0 : i32
    %c0_i32_1 = arith.constant 0 : i32
    return %c0_i32, %c0_i32_0 : i32, i32
  }
}

module attributes {stable_mosaic.version = 14 : i64} {
  func.func @_k2_body(%arg0: i32, %arg1: memref<2000x128xf32, #tpu.memory_space<vmem>>, %arg2: memref<128x128xf32, #tpu.memory_space<vmem>>, %arg3: memref<128x4xf32, #tpu.memory_space<vmem>>, %arg4: memref<2000x128xf32, #tpu.memory_space<vmem>>, %arg5: memref<2000x4xf32, #tpu.memory_space<vmem>>, %arg6: memref<8x128xf32, #tpu.memory_space<vmem>>) attributes {dimension_semantics = [#tpu.dimension_semantics<arbitrary>], iteration_bounds = array<i64: 160>, scalar_prefetch = 0 : i64, scratch_operands = 0 : i64, tpu.core_type = #tpu.core_type<tc>, window_params = [{transform_indices = @transform_0, window_bounds = array<i64: 2000, 128>}, {pipeline_mode = #tpu.pipeline_mode<synchronous>, transform_indices = @transform_1, window_bounds = array<i64: 128, 128>}, {pipeline_mode = #tpu.pipeline_mode<synchronous>, transform_indices = @transform_2, window_bounds = array<i64: 128, 4>}, {transform_indices = @transform_3, window_bounds = array<i64: 2000, 128>}, {transform_indices = @transform_4, window_bounds = array<i64: 2000, 4>}, {pipeline_mode = #tpu.pipeline_mode<synchronous>, transform_indices = @transform_5, window_bounds = array<i64: 8, 128>}]} {
    %get3A = arith.constant 0 : index
    %get3A_0 = arith.constant 0 : index
    %get3A_1 = vector.load %arg1[%get3A, %get3A_0] : memref<2000x128xf32, #tpu.memory_space<vmem>>, vector<2000x128xf32>
    %get3A_2 = arith.constant 0 : index
    %get3A_3 = arith.constant 0 : index
    %get3A_4 = vector.load %arg2[%get3A_2, %get3A_3] : memref<128x128xf32, #tpu.memory_space<vmem>>, vector<128x128xf32>
    %dot_general3A = arith.constant dense<0.000000e+00> : vector<2000x128xf32>
    %dot_general3A_5 = tpu.matmul %get3A_1, %get3A_4, %dot_general3A {dimension_numbers = #tpu.dot_dimension_numbers<[1], [0], [0], [1], [0, 0, 1, 1], [], []>, transpose_lhs_hint = false} : vector<2000x128xf32>, vector<128x128xf32>, vector<2000x128xf32> -> vector<2000x128xf32>
    %swap3A = arith.constant 0 : index
    %swap3A_6 = arith.constant 0 : index
    %swap3A_7 = vector.load %arg4[%swap3A, %swap3A_6] : memref<2000x128xf32, #tpu.memory_space<vmem>>, vector<2000x128xf32>
    tpu.vector_store %arg4[%swap3A, %swap3A_6], %dot_general3A_5 {strides = array<i32>} : memref<2000x128xf32, #tpu.memory_space<vmem>>, vector<2000x128xf32>,
    %get3A_8 = arith.constant 0 : index
    %get3A_9 = arith.constant 0 : index
    %get3A_10 = vector.load %arg3[%get3A_8, %get3A_9] : memref<128x4xf32, #tpu.memory_space<vmem>>, vector<128x4xf32>
    %dot_general3A_11 = arith.constant dense<0.000000e+00> : vector<2000x4xf32>
    %dot_general3A_12 = tpu.matmul %dot_general3A_5, %get3A_10, %dot_general3A_11 {dimension_numbers = #tpu.dot_dimension_numbers<[1], [0], [0], [1], [0, 0, 1, 1], [], []>, transpose_lhs_hint = false} : vector<2000x128xf32>, vector<128x4xf32>, vector<2000x4xf32> -> vector<2000x4xf32>
    %swap3A_13 = arith.constant 0 : index
    %swap3A_14 = arith.constant 0 : index
    %swap3A_15 = vector.load %arg5[%swap3A_13, %swap3A_14] : memref<2000x4xf32, #tpu.memory_space<vmem>>, vector<2000x4xf32>
    tpu.vector_store %arg5[%swap3A_13, %swap3A_14], %dot_general3A_12 {strides = array<i32>} : memref<2000x4xf32, #tpu.memory_space<vmem>>, vector<2000x4xf32>,
    %eq3A = arith.constant 0 : i32
    %eq3A_16 = arith.cmpi eq, %arg0, %eq3A : i32
    %convert_element_type3A = arith.extui %eq3A_16 : i1 to i32
    %cond3A = arith.constant 0 : i32
    %cond3A_17 = arith.cmpi ne, %convert_element_type3A, %cond3A : i32
    scf.if %cond3A_17 {
      %broadcast_in_dim3A_33 = arith.constant 0xFF800000 : f32
      %broadcast_in_dim3A_34 = vector.broadcast %broadcast_in_dim3A_33 : f32 to vector<8x128xf32>
      %swap3A_35 = arith.constant 0 : index
      %swap3A_36 = arith.constant 0 : index
      %swap3A_37 = vector.load %arg6[%swap3A_35, %swap3A_36] : memref<8x128xf32, #tpu.memory_space<vmem>>, vector<8x128xf32>
      tpu.vector_store %arg6[%swap3A_35, %swap3A_36], %broadcast_in_dim3A_34 {strides = array<i32>} : memref<8x128xf32, #tpu.memory_space<vmem>>, vector<8x128xf32>,
    } else {
    }
    %get3A_18 = arith.constant 0 : index
    %get3A_19 = arith.constant 0 : index
    %get3A_20 = vector.load %arg6[%get3A_18, %get3A_19] : memref<8x128xf32, #tpu.memory_space<vmem>>, vector<8x128xf32>
    %reduce_max3A = arith.constant dense<0xFF800000> : vector<4xf32>
    %reduce_max3A_21 = vector.multi_reduction <maximumf>, %dot_general3A_12, %reduce_max3A [0] : vector<2000x4xf32> to vector<4xf32>
    %broadcast_in_dim3A = arith.constant 0xFF800000 : f32
    %broadcast_in_dim3A_22 = vector.broadcast %broadcast_in_dim3A : f32 to vector<124xf32>
    %concatenate3A = tpu.concatenate %reduce_max3A_21, %broadcast_in_dim3A_22 in 0 : vector<4xf32>, vector<124xf32> -> vector<128xf32>
    %iota3A = tpu.iota {dimensions = array<i32: 0>} : vector<8x128xi32>
    %eq3A_23 = arith.constant 0 : i32
    %eq3A_24 = vector.broadcast %eq3A_23 : i32 to vector<8x128xi32>
    %eq3A_25 = arith.cmpi eq, %iota3A, %eq3A_24 : vector<8x128xi32>
    %broadcast_in_dim3A_26 = vector.shape_cast %concatenate3A : vector<128xf32> to vector<1x128xf32>
    %jit3A = arith.constant 0xFF800000 : f32
    %broadcast_in_dim3A_27 = vector.shape_cast %broadcast_in_dim3A_26 : vector<1x128xf32> to vector<1x128xf32>
    %broadcast_in_dim3A_28 = vector.broadcast %broadcast_in_dim3A_27 : vector<1x128xf32> to vector<8x128xf32>
    %broadcast_in_dim3A_29 = vector.broadcast %jit3A : f32 to vector<8x128xf32>
    %select_n3A = arith.select %eq3A_25, %broadcast_in_dim3A_28, %broadcast_in_dim3A_29 : vector<8x128xi1>, vector<8x128xf32>
    %max3A = arith.maximumf %get3A_20, %select_n3A : vector<8x128xf32>
    %swap3A_30 = arith.constant 0 : index
    %swap3A_31 = arith.constant 0 : index
    %swap3A_32 = vector.load %arg6[%swap3A_30, %swap3A_31] : memref<8x128xf32, #tpu.memory_space<vmem>>, vector<8x128xf32>
    tpu.vector_store %arg6[%swap3A_30, %swap3A_31], %max3A {strides = array<i32>} : memref<8x128xf32, #tpu.memory_space<vmem>>, vector<8x128xf32>,
    return
  }
  func.func @transform_0(%arg0: i32) -> (i32, i32) {
    %c0_i32 = arith.constant 0 : i32
    %c0_i32_0 = arith.constant 0 : i32
    return %arg0, %c0_i32 : i32, i32
  }
  func.func @transform_1(%arg0: i32) -> (i32, i32) {
    %c0_i32 = arith.constant 0 : i32
    %c0_i32_0 = arith.constant 0 : i32
    %c0_i32_1 = arith.constant 0 : i32
    return %c0_i32, %c0_i32_0 : i32, i32
  }
  func.func @transform_2(%arg0: i32) -> (i32, i32) {
    %c0_i32 = arith.constant 0 : i32
    %c0_i32_0 = arith.constant 0 : i32
    %c0_i32_1 = arith.constant 0 : i32
    return %c0_i32, %c0_i32_0 : i32, i32
  }
  func.func @transform_3(%arg0: i32) -> (i32, i32) {
    %c0_i32 = arith.constant 0 : i32
    %c0_i32_0 = arith.constant 0 : i32
    return %arg0, %c0_i32 : i32, i32
  }
  func.func @transform_4(%arg0: i32) -> (i32, i32) {
    %c0_i32 = arith.constant 0 : i32
    %c0_i32_0 = arith.constant 0 : i32
    return %arg0, %c0_i32 : i32, i32
  }
  func.func @transform_5(%arg0: i32) -> (i32, i32) {
    %c0_i32 = arith.constant 0 : i32
    %c0_i32_0 = arith.constant 0 : i32
    %c0_i32_1 = arith.constant 0 : i32
    return %c0_i32, %c0_i32_0 : i32, i32
  }
}

module attributes {stable_mosaic.version = 14 : i64} {
  func.func @_k4_body(%arg0: i32, %arg1: memref<32x40960xf32, #tpu.memory_space<vmem>>, %arg2: memref<1x40960xf32, #tpu.memory_space<vmem>>) attributes {dimension_semantics = [#tpu.dimension_semantics<arbitrary>], iteration_bounds = array<i64: 1>, scalar_prefetch = 0 : i64, scratch_operands = 0 : i64, tpu.core_type = #tpu.core_type<tc>, window_params = [{pipeline_mode = #tpu.pipeline_mode<synchronous>, transform_indices = @transform_0, window_bounds = array<i64: 32, 40960>}, {pipeline_mode = #tpu.pipeline_mode<synchronous>, transform_indices = @transform_1, window_bounds = array<i64: 1, 40960>}]} {
    %get3A = arith.constant 0 : index
    %get3A_0 = arith.constant 0 : index
    %get3A_1 = vector.load %arg1[%get3A, %get3A_0] : memref<32x40960xf32, #tpu.memory_space<vmem>>, vector<32x40960xf32>
    %reduce_sum3A = arith.constant dense<0.000000e+00> : vector<40960xf32>
    %reduce_sum3A_2 = vector.multi_reduction <add>, %get3A_1, %reduce_sum3A [0] : vector<32x40960xf32> to vector<40960xf32>
    %broadcast_in_dim3A = vector.shape_cast %reduce_sum3A_2 : vector<40960xf32> to vector<1x40960xf32>
    %div3A = arith.constant 1.000000e+00 : f32
    %div3A_3 = vector.broadcast %div3A : f32 to vector<1x40960xf32>
    %div3A_4 = arith.divf %div3A_3, %broadcast_in_dim3A : vector<1x40960xf32>
    %swap3A = arith.constant 0 : index
    %swap3A_5 = arith.constant 0 : index
    %swap3A_6 = vector.load %arg2[%swap3A, %swap3A_5] : memref<1x40960xf32, #tpu.memory_space<vmem>>, vector<1x40960xf32>
    tpu.vector_store %arg2[%swap3A, %swap3A_5], %div3A_4 {strides = array<i32>} : memref<1x40960xf32, #tpu.memory_space<vmem>>, vector<1x40960xf32>,
    return
  }
  func.func @transform_0(%arg0: i32) -> (i32, i32) {
    %c0_i32 = arith.constant 0 : i32
    %c0_i32_0 = arith.constant 0 : i32
    %c0_i32_1 = arith.constant 0 : i32
    return %c0_i32, %c0_i32_0 : i32, i32
  }
  func.func @transform_1(%arg0: i32) -> (i32, i32) {
    %c0_i32 = arith.constant 0 : i32
    %c0_i32_0 = arith.constant 0 : i32
    %c0_i32_1 = arith.constant 0 : i32
    return %c0_i32, %c0_i32_0 : i32, i32
  }
}

module attributes {stable_mosaic.version = 14 : i64} {
  func.func @_k6_body(%arg0: i32, %arg1: memref<2x2048x64xf32, #tpu.memory_space<vmem>>, %arg2: memref<2x2048x64xf32, #tpu.memory_space<vmem>>, %arg3: memref<2048x128xf32, #tpu.memory_space<vmem>>) attributes {dimension_semantics = [#tpu.dimension_semantics<arbitrary>], iteration_bounds = array<i64: 5>, scalar_prefetch = 0 : i64, scratch_operands = 0 : i64, tpu.core_type = #tpu.core_type<tc>, window_params = [{transform_indices = @transform_0, window_bounds = array<i64: 2, 2048, 64>}, {transform_indices = @transform_1, window_bounds = array<i64: 2, 2048, 64>}, {transform_indices = @transform_2, window_bounds = array<i64: 2048, 128>}]} {
    %get3A = arith.constant 0 : index
    %get3A_0 = arith.constant 0 : index
    %get3A_1 = arith.constant 0 : index
    %get3A_2 = vector.load %arg1[%get3A, %get3A_0, %get3A_1] : memref<2x2048x64xf32, #tpu.memory_space<vmem>>, vector<1x2048x64xf32>
    %get3A_3 = vector.shape_cast %get3A_2 : vector<1x2048x64xf32> to vector<2048x64xf32>
    %get3A_4 = arith.constant 1 : index
    %get3A_5 = arith.constant 0 : index
    %get3A_6 = arith.constant 0 : index
    %get3A_7 = vector.load %arg1[%get3A_4, %get3A_5, %get3A_6] : memref<2x2048x64xf32, #tpu.memory_space<vmem>>, vector<1x2048x64xf32>
    %get3A_8 = vector.shape_cast %get3A_7 : vector<1x2048x64xf32> to vector<2048x64xf32>
    %add3A = arith.addf %get3A_3, %get3A_8 : vector<2048x64xf32>
    %get3A_9 = arith.constant 0 : index
    %get3A_10 = arith.constant 0 : index
    %get3A_11 = arith.constant 0 : index
    %get3A_12 = vector.load %arg2[%get3A_9, %get3A_10, %get3A_11] : memref<2x2048x64xf32, #tpu.memory_space<vmem>>, vector<1x2048x64xf32>
    %get3A_13 = vector.shape_cast %get3A_12 : vector<1x2048x64xf32> to vector<2048x64xf32>
    %get3A_14 = arith.constant 1 : index
    %get3A_15 = arith.constant 0 : index
    %get3A_16 = arith.constant 0 : index
    %get3A_17 = vector.load %arg2[%get3A_14, %get3A_15, %get3A_16] : memref<2x2048x64xf32, #tpu.memory_space<vmem>>, vector<1x2048x64xf32>
    %get3A_18 = vector.shape_cast %get3A_17 : vector<1x2048x64xf32> to vector<2048x64xf32>
    %add3A_19 = arith.addf %get3A_13, %get3A_18 : vector<2048x64xf32>
    %concatenate3A = tpu.concatenate %add3A, %add3A_19 in 1 : vector<2048x64xf32>, vector<2048x64xf32> -> vector<2048x128xf32>
    %gt3A = arith.constant 0.000000e+00 : f32
    %gt3A_20 = vector.broadcast %gt3A : f32 to vector<2048x128xf32>
    %gt3A_21 = arith.cmpf ogt, %concatenate3A, %gt3A_20 : vector<2048x128xf32>
    %exp3A = math.exp %concatenate3A : vector<2048x128xf32>
    %sub3A = arith.constant 1.000000e+00 : f32
    %sub3A_22 = vector.broadcast %sub3A : f32 to vector<2048x128xf32>
    %sub3A_23 = arith.subf %exp3A, %sub3A_22 : vector<2048x128xf32>
    %select_n3A = arith.select %gt3A_21, %concatenate3A, %sub3A_23 : vector<2048x128xi1>, vector<2048x128xf32>
    %swap3A = arith.constant 0 : index
    %swap3A_24 = arith.constant 0 : index
    %swap3A_25 = vector.load %arg3[%swap3A, %swap3A_24] : memref<2048x128xf32, #tpu.memory_space<vmem>>, vector<2048x128xf32>
    tpu.vector_store %arg3[%swap3A, %swap3A_24], %select_n3A {strides = array<i32>} : memref<2048x128xf32, #tpu.memory_space<vmem>>, vector<2048x128xf32>,
    return
  }
  func.func @transform_0(%arg0: i32) -> (i32, i32, i32) {
    %c0_i32 = arith.constant 0 : i32
    %c0_i32_0 = arith.constant 0 : i32
    %c0_i32_1 = arith.constant 0 : i32
    return %c0_i32, %arg0, %c0_i32_0 : i32, i32, i32
  }
  func.func @transform_1(%arg0: i32) -> (i32, i32, i32) {
    %c0_i32 = arith.constant 0 : i32
    %c0_i32_0 = arith.constant 0 : i32
    %c0_i32_1 = arith.constant 0 : i32
    return %c0_i32, %arg0, %c0_i32_0 : i32, i32, i32
  }
  func.func @transform_2(%arg0: i32) -> (i32, i32) {
    %c0_i32 = arith.constant 0 : i32
    %c0_i32_0 = arith.constant 0 : i32
    return %arg0, %c0_i32 : i32, i32
  }
}

</mosaic_0001>

<sc_bundles>
// kernel: kernel.12.cloned.1.call-start
scs
__scs_entry_jumppad:
0x0: {  	(pc) =	sbr.rel $0x88, $3  }
0x1: {  	(tag) =	ssettag $0x0;
	lr =	simm.s32 $0x1  }
0x2: {  	[smem:$0x3F9A] =	sst lr;
	_ =	strace $0xD0000000  }
0x3: {  	_ = 	snop  }
0x4: {  	_ = 	snop  }
0x5: {  	_ = 	snop  }
0x6: {  	_ = 	snop  }
0x7: {  	_ = 	snop  }
__scs_overlays_trampoline_lowered:
0x8: {  	[smem:$0x3FA9] =	sst s0  }
0x9: {  	[smem:$0x3FAA] =	sst s1  }
0xa: {  	[smem:$0x3FAB] =	sst s2  }
0xb: {  	[smem:$0x3FAC] =	sst s3  }
0xc: {  	[smem:$0x3FAD] =	sst s4  }
0xd: {  	[smem:$0x3FAE] =	sst s5  }
0xe: {  	[smem:$0x3FAF] =	sst s6  }
0xf: {  	[smem:$0x3FB0] =	sst s7  }
0x10: {  	[smem:$0x3FB1] =	sst s8  }
0x11: {  	[smem:$0x3FB2] =	sst s9;
	s0 =	simm.s32 @!p0 $0x0  }
0x12: {  	s1 =	sld [smem:$0x3F98];
	s0 =	simm.s32 @p0 $0x1  }
0x13: {  	[smem:$0x3FB3] =	sst s0;
	s0 =	simm.s32 @!p1 $0x0  }
0x14: {  	s2 =	sld [smem:$0x3F97];
	s0 =	simm.s32 @p1 $0x1  }
0x15: {  	[smem:$0x3FB4] =	sst s0;
	s0 =	simm.s32 @!p2 $0x0  }
0x16: {  	s3 =	sld [smem:$0x3FDB];
	s0 =	simm.s32 @p2 $0x1  }
0x17: {  	s4 =	simm.s32 $0x1BF5;
	[smem:$0x3FB6] =	sst s0  }
0x18: {  	s0 =	sld [smem:$0x3F99];
	_ =	swait.ge [sflag:s4], $0x0  }
0x19: {  	s7 =	sld [smem:$0x3F9A]  }
0x1a: {  	s8 =	sadd.s32 $0xFFFFE003, lr  }
0x1b: {  	s9 =	sadd.s32 $0xFFFFFEF7, lr;
	s5 =	simm.s32 $0xFFFFFFFF;
	p2 =	slt.u32 s8, $0xFFFFF086  }
0x1c: {  	p1 =	slt.u32 s9, $0xF7A;
	s5 =	simm.s32 @!p2 $0x0  }
0x1d: {  	s5 =	simm.s32 @p1 $0x1;
	p0 =	seq.s32 s7, s2  }
0x1e: {  	s7 =	smul.u32 @!p0 $0xF7A, s2;
	p2 =	seq.s32 @!p0 s5, $0x0  }
0x1f: {  	s9 =	smul.u32 $0xF7A, s1;
	s8 =	simm.s32 @!p0 $0x1BF5;
	p2 =	por !p2, p0  }
0x20: {  	[sflag:s8] =	ssyncset.s32 @!p0 $0xFFFFF086;
	s6 =	sadd.s32 @!p0 s3, s7;
	s7 =	simm.s32 @!p0 $0x108  }
0x21: {  	s3 =	sadd.s32 s3, s9;
	s6 =	sadd.s32 @!p0 $0x88, s6;
	s7 =	simm.s32 @p2 $0x1082  }
0x22: {  	[simem:s7], [sflag:s8] =	dma.local @!p0 [hbm:s6], $0xF7A  }
0x23: {  	s9 =	sor.u32 $0xD0000000, s2;
	s6 =	simm.s32 $0x108;
	_ =	swait.ge @!p0 [sflag:s8], $0x0  }
0x24: {  	s3 =	sadd.s32 $0x88, s3;
	s6 =	simm.s32 @!p1 $0x1082;
	[sflag:s4] =	ssyncset.s32 $0xFFFFF086  }
0x25: {  	[simem:s6], [sflag:s4] =	dma.local [hbm:s3], $0xF7A  }
0x26: {  	[smem:$0x3F9A] =	sst s1;
	(tag) =	ssettag s2;
	_ =	strace s9  }
0x27: {  	s1 =	sld [smem:$0x3FAA]  }
0x28: {  	s2 =	sld [smem:$0x3FAB]  }
0x29: {  	s4 =	sld [smem:$0x3FAD]  }
0x2a: {  	p0 =	seq.s32 s5, $0x0;
	s5 =	sld [smem:$0x3FAE]  }
0x2b: {  	s6 =	sld [smem:$0x3FAF]  }
0x2c: {  	s7 =	sld [smem:$0x3FB0]  }
0x2d: {  	s3 =	simm.s32 $0x108;
	s8 =	sld [smem:$0x3FB1]  }
0x2e: {  	s3 =	simm.s32 @!p0 $0x1082;
	s9 =	sld [smem:$0x3FB2]  }
0x2f: {  	lr =	sadd.s32 s0, s3;
	s0 =	sld [smem:$0x3FA9]  }
0x30: {  	s3 =	sld [smem:$0x3FAC]  }
0x31: {  	[smem:$0x3FB5] =	sst s10  }
0x32: {  	s10 =	sld [smem:$0x3FB3];
	_ =	sdelay $0x3  }
0x33: {  	p0 =	seq.s32 s10, $0x1;
	s10 =	sld [smem:$0x3FB5];
	_ =	sdelay $0x3  }
0x34: {  	[smem:$0x3FB5] =	sst s10  }
0x35: {  	s10 =	sld [smem:$0x3FB4];
	_ =	sdelay $0x3  }
0x36: {  	p1 =	seq.s32 s10, $0x1;
	s10 =	sld [smem:$0x3FB5];
	_ =	sdelay $0x3  }
0x37: {  	[smem:$0x3FB5] =	sst s10  }
0x38: {  	s10 =	sld [smem:$0x3FB6]  }
0x39: {  	_ = 	snop;
	(pc) =	sbr.ind lr, $3  }
0x3a: {  	_ = 	snop  }
0x3b: {  	_ = 	snop  }
0x3c: {  	p2 =	seq.s32 s10, $0x1;
	s10 =	sld [smem:$0x3FB5]  }
0x3d: {  	_ =	shalt  }
0x3e: {  	_ =	shalt  }
0x3f: {  	_ =	shalt  }
0x40: {  	_ =	shalt  }
0x41: {  	_ =	shalt  }
0x42: {  	_ =	shalt  }
0x43: {  	_ =	shalt  }
0x44: {  	_ =	shalt  }
0x45: {  	_ =	shalt  }
0x46: {  	_ =	shalt  }
0x47: {  	_ =	shalt  }
0x48: {  	_ =	shalt  }
0x49: {  	_ =	shalt  }
0x4a: {  	_ =	shalt  }
0x4b: {  	_ =	shalt  }
0x4c: {  	_ =	shalt  }
0x4d: {  	_ =	shalt  }
0x4e: {  	_ =	shalt  }
0x4f: {  	_ =	shalt  }
0x50: {  	_ =	shalt  }
0x51: {  	_ =	shalt  }
0x52: {  	_ =	shalt  }
0x53: {  	_ =	shalt  }
0x54: {  	_ =	shalt  }
0x55: {  	_ =	shalt  }
0x56: {  	_ =	shalt  }
0x57: {  	_ =	shalt  }
0x58: {  	_ =	shalt  }
0x59: {  	_ =	shalt  }
0x5a: {  	_ =	shalt  }
0x5b: {  	_ =	shalt  }
0x5c: {  	_ =	shalt  }
0x5d: {  	_ =	shalt  }
0x5e: {  	_ =	shalt  }
0x5f: {  	_ =	shalt  }
0x60: {  	_ =	shalt  }
0x61: {  	_ =	shalt  }
0x62: {  	_ =	shalt  }
0x63: {  	_ =	shalt  }
0x64: {  	_ =	shalt  }
0x65: {  	_ =	shalt  }
0x66: {  	_ =	shalt  }
0x67: {  	_ =	shalt  }
0x68: {  	_ =	shalt  }
0x69: {  	_ =	shalt  }
0x6a: {  	_ =	shalt  }
0x6b: {  	_ =	shalt  }
0x6c: {  	_ =	shalt  }
0x6d: {  	_ =	shalt  }
0x6e: {  	_ =	shalt  }
0x6f: {  	_ =	shalt  }
0x70: {  	_ =	shalt  }
0x71: {  	_ =	shalt  }
0x72: {  	_ =	shalt  }
0x73: {  	_ =	shalt  }
0x74: {  	_ =	shalt  }
0x75: {  	_ =	shalt  }
0x76: {  	_ =	shalt  }
0x77: {  	_ =	shalt  }
0x78: {  	_ =	shalt  }
0x79: {  	_ =	shalt  }
0x7a: {  	_ =	shalt  }
0x7b: {  	_ =	shalt  }
0x7c: {  	_ =	shalt  }
0x7d: {  	_ =	shalt  }
0x7e: {  	_ =	shalt  }
0x7f: {  	_ =	shalt  }
0x80: {  	_ =	shalt  }
0x81: {  	_ =	shalt  }
0x82: {  	_ =	shalt  }
0x83: {  	_ =	shalt  }
0x84: {  	_ =	shalt  }
0x85: {  	_ =	shalt  }
0x86: {  	_ =	shalt  }
0x87: {  	_ =	shalt  }
.Lfunc_end0:
.L_simem_size_0:
called_computation.1_lowered:
.L_overlay_start_0:
0x88: {  	s2 =	sld [smem:$0x3FD9]  }
0x89: {  	s3 =	sld [smem:$0x3FFE];
	_ =	sdelay $0x1  }
0x8a: {  	s1 =	srdreg.scid  }
0x8b: {  	s0 =	sand.u32 $0x1, s1  }
0x8c: {  	s14 =	sshll.u32 s0, $0xA;
	s2 =	sadd.s32 s3, s2  }
0x8d: {  	s2 =	sadd.s32 s2, s14  }
0x8e: {  	[smem:$0x3FC1] =	sst s2  }
0x8f: {  	_ = 	snop  }
0x90: {  	s2 =	sld [smem:$0x3FD0];
	_ =	sdelay $0x2  }
0x91: {  	s15 =	simm.s32 $0xA;
	s4 =	simm.s32 $0x10  }
0x92: {  	[smem:s4], [sflag:s15] =	dma.local [hbm:s2], $0x1  }
0x93: {  	_ =	swait.eq [sflag:s15], $0x1  }
0x94: {  	[sflag:s15] =	ssyncset.done $0x0  }
0x95: {  	s16 =	sld [smem:$0x10];
	[sflag:s15] =	ssyncadd.s32 $0xFFFFFFFF  }
0x96: {  	s17 =	sld [smem:$0x11];
	(tm) =	ssettm $0x1  }
0x97: {  	s18 =	sld [smem:$0x3FFB];
	_ =	sdelay $0x3  }
0x98: {  	_ =	strace s18  }
0x99: {  	s4 =	sld [smem:$0x3FFC];
	_ =	sdelay $0x3  }
0x9a: {  	_ =	strace s4  }
0x9b: {  	s4 =	sld [smem:$0x3FFD];
	_ =	sdelay $0x3  }
0x9c: {  	_ =	strace s4  }
0x9d: {  	_ =	strace $0x8FFFFFFF  }
0x9e: {  	s19 =	sld [smem:$0x3FDB];
	_ =	sdelay $0x1  }
0x9f: {  	s5 =	simm.s32 $_scs_section_size  }
0xa0: {  	s6 =	simm.s32 $_size__tile_overlayer_lowered;
	s7 =	simm.s32 $_tile_overlayer_lowered  }
0xa1: {  	s22 =	simm.s32 $0x1BFF;
	s21 =	sshll.u32 s7, $0x1;
	s4 =	sadd.s32 s5, s19  }
0xa2: {  	s8 =	simm.s32 $0x0;
	s20 =	sshll.u32 s6, $0x1;
	s6 =	sadd.s32 s21, s4  }
0xa3: {  	[timem:s8], [sflag:s22] =	dma.local [hbm:s6], s20  }
0xa4: {  	_ =	swait.ge [sflag:s22], s20  }
0xa5: {  	s5 =	ssub.s32 $0x0, s20;
	[sflag:s22] =	ssyncset.done $0x0  }
0xa6: {  	[sflag:s22] =	ssyncadd.s32 s5;
	_ =	sdelay $0x1  }
0xa7: {  	s23 =	simm.s32 $0x1B8B  }
0xa8: {  	_ =	swait.ge [sflag:s23], $0x1  }
0xa9: {  	[sflag:s23] =	ssyncset.done $0x0  }
0xaa: {  	s25 =	simm.s32 $0x1B8E;
	s24 =	sld [smem:$0x3FFE];
	[sflag:s23] =	ssyncadd.s32 $0xFFFFFFFF  }
0xab: {  	s26 =	simm.s32 $execute0_lowered;
	[smem:$0x3FD2] =	sst s25  }
0xac: {  	s6 =	sshll.u32 s26, $0x1;
	_ =	strace $0x80000049;
	[dreg:$0x1] =	wrdreg $0xFFFFFFFF  }
0xad: {  	s28 =	simm.s32 $_size_execute0_lowered;
	s4 =	sadd.s32 s4, s6;
	[dreg:$0x0] =	wrdreg $0x0  }
0xae: {  	s6 =	sshll.u32 s28, $0x1;
	[dreg:$0x2] =	wrdreg s4  }
0xaf: {  	[dreg:$0x3] =	wrdreg s6  }
0xb0: {  	[dreg:$0x4] =	wrdreg $0xC0  }
0xb1: {  	_ =	task [dreg:s8], $0x5FFFF  }
0xb2: {  	[dreg:$0x1] =	wrdreg $0xFFFFFFFF  }
0xb3: {  	[dreg:$0x0] =	wrdreg $0x60  }
0xb4: {  	[dreg:$0x2] =	wrdreg s24  }
0xb5: {  	[dreg:$0x3] =	wrdreg s17  }
0xb6: {  	[dreg:$0x4] =	wrdreg s16  }
0xb7: {  	[dreg:$0x5] =	wrdreg $0x9  }
0xb8: {  	_ =	task.clear_ibuf [dreg:s8], $0x6FFFF;
	_ =	strace $0x90000049  }
0xb9: {  	s29 =	simm.s32 $0x9;
	_ =	strace $0x8000004B  }
0xba: {  	_ =	swait.ge [sflag:s29], $0x1  }
0xbb: {  	[sflag:s29] =	ssyncadd.s32 $0xFFFFFFFF  }
0xbc: {  	_ =	strace $0x9000004B  }
0xbd: {  	_ =	sfence  }
0xbe: {  	s30 =	sld [smem:$0x0];
	_ =	sdelay $0x2  }
0xbf: {  	s31 =	sshll.u32 s1, $0xD;
	s1 =	sshrl.u32 s1, $0x2  }
0xc0: {  	s3 =	sand.u32 $0x4000, s31;
	s1 =	sadd.s32 s1, s30  }
0xc1: {  	s0 =	sor.u32 s3, s0;
	s1 =	sshll.u32 s1, $0x11  }
0xc2: {  	s0 =	sor.u32 s1, s0  }
0xc3: {  	s0 =	sadd.s32 $0x8F2B, s0  }
0xc4: {  	[sflag:s0] =	ssyncadd.remote.s32 $0x1  }
0xc5: {  	_ =	sfence.sel $0xFFFF  }
0xc6: {  	[dreg:$0x0] =	wrdreg $0xFFFFFFFF;
	(pc) =	sbr.abs _section_cstart, $3  }
0xc7: {  	[dreg:$0x1] =	wrdreg $0xFFFFFFFF  }
0xc8: {  	_ =	task.clear_ibuf [dreg:s8], $0x2FFFF;
	_ =	strace $0x9FFFFFFF  }
0xc9: {  	(tm) =	ssettm $0x7FFFFFFF  }
tec
execute0_lowered:
.L_overlay_start_1:
0x0: {  	(tag) =	ssettag $0x1  }
0x1: {  	s4 =	rddreg [dreg:$0x0]  }
0x2: {  	s1 =	rddreg [dreg:$0x1];
	s2 =	srdreg.scid  }
0x3: {  	s0 =	stileid.u32;
	s5 =	rddreg [dreg:$0x2];
	v1 =	vlaneseq.u32  }
0x4: {  	s3 =	simm.s32 $0x0;
	s6 =	sand.u32 $0x1, s2;
	s7 =	smul.u32 $0x4E20, s0;
	v0 =	vshrl.u32 v1, $0x2  }
0x5: {  	s11 =	simm.s32 $0xA200;
	s2 =	rddreg [dreg:$0x3];
	v1 =	vand.u32 $0x3, v1;
	s8 =	smul.u32 $0x2710, s6;
	v2 =	vor.u32 $0x4, v0  }
0x6: {  	s12 =	simm.s32 $0x0;
	[smem:$0x7FF] =	sst s3;
	s6 =	ssub.s32 $0x2, s6;
	v4 =	vor.u32 $0xC, v0;
	v5 =	vor.u32 $0x10, v0;
	v6 =	vor.u32 $0x14, v0  }
0x7: {  	_ =	strace $0x8000004A;
	v7 =	vor.u32 $0x18, v0;
	v8 =	vor.u32 $0x1C, v0;
	v9 =	vor.u32 $0x20, v0;
	s9 =	sshrl.u32 s6, $0x1;
	s7 =	sadd.s32 s8, s7  }
0x8: {  	v10 =	vor.u32 $0x24, v0;
	v11 =	vor.u32 $0x28, v0;
	v12 =	vor.u32 $0x2C, v0;
	s31 =	ssub.s32 s6, s9;
	s8 =	sshrl.u32 s7, $0x1;
	s7 =	sshrl.u32 s7, $0x3  }
0x9: {  	v13 =	vor.u32 $0x30, v0;
	v14 =	vor.u32 $0x34, v0;
	v15 =	vor.u32 $0x38, v0;
	s9 =	simm.s32 $0xA000;
	s10 =	sadd.s32 s8, s4;
	s7 =	sadd.s32 s7, s4  }
0xa: {  	v16 =	vor.u32 $0x3C, v0;
	v17 =	vor.u32 $0x40, v0;
	v18 =	vor.u32 $0x44, v0;
	s4 =	smax.u32 s31, $0x1;
	s5 =	sadd.s32 s8, s5;
	s8 =	simm.s32 $0x1  }
0xb: {  	v3 =	vor.u32 $0x8, v0;
	v19 =	vor.u32 $0x48, v0;
	v20 =	vor.u32 $0x4C, v0;
	s6 =	sadd.s32 $0x522A00, s10;
	s7 =	sadd.s32 $0xE00, s7;
	s10 =	simm.s32 $0xA080  }
.LBB2_1:
0xc: {  	[tilespmem:s3], [sflag:$0x1] =	stream.linear.gather [hbm4b:s1+s3], $0xA000, $0x38;
	[tilespmem:$0xA380] =	vst v63  }
0xd: {  	_ =	swait.ge [sflag:s8], $0xA000  }
0xe: {  	[sflag:s8] =	ssyncset.done $0x0  }
0xf: {  	s13 =	smov.u32 s7;
	s14 =	simm.s32 $0x0;
	[sflag:s8] =	ssyncadd.s32 $0xFFFF6000  }
.LBB2_2:
0x10: {  	[tilespmem:s9], [sflag:$0x1] =	stream.linear.gather [hbm4b:s13+s3], $0x50, $0x38;
	[tilespmem:$0xA380] =	vst v63  }
0x11: {  	_ =	swait.ge [sflag:s8], $0x50  }
0x12: {  	[sflag:s8] =	ssyncset.done $0x0  }
0x13: {  	s15 =	sadd.s32 s14, s6;
	[sflag:s8] =	ssyncadd.s32 $0xFFFFFFB0  }
0x14: {  	[tilespmem:s10], [sflag:$0x1] =	stream.linear.gather [hbm4b:s15+s3], $0x140, $0x38;
	[tilespmem:$0xA380] =	vst v63  }
0x15: {  	_ =	swait.ge [sflag:s8], $0x140  }
0x16: {  	[sflag:s8] =	ssyncset.done $0x0  }
0x17: {  	[sflag:s8] =	ssyncadd.s32 $0xFFFFFEC0  }
0x18: {  	v21 =	vld.idx.msk [tilespmem:v0+s9+$0x0], $0xffff;
	_ =	sdelay $0x4  }
0x19: {  	v21 =	vshll.u32 v21, $0x2  }
0x1a: {  	v21 =	vor.u32 v1, v21;
	_ =	sdelay $0x3  }
0x1b: {  	v22 =	vld [tilespmem:$0xA080]  }
0x1c: {  	v21 =	vld.idx.msk [tilespmem:v21+s3+$0x0], $0xffff;
	_ =	sdelay $0x4  }
0x1d: {  	v21 =	vmul.f32 v22, v21;
	_ =	sdelay $0x1  }
0x1e: {  	[tilespmem:$0xA200] =	vst v21  }
0x1f: {  	v21 =	vld.idx.msk [tilespmem:v2+s9+$0x0], $0xffff;
	_ =	sdelay $0x4  }
0x20: {  	v21 =	vshll.u32 v21, $0x2  }
0x21: {  	v21 =	vor.u32 v1, v21;
	_ =	sdelay $0x3  }
0x22: {  	v22 =	vld [tilespmem:$0xA090]  }
0x23: {  	v21 =	vld.idx.msk [tilespmem:v21+s3+$0x0], $0xffff;
	_ =	sdelay $0x4  }
0x24: {  	v21 =	vmul.f32 v22, v21;
	_ =	sdelay $0x1  }
0x25: {  	[tilespmem:$0xA210] =	vst v21  }
0x26: {  	v21 =	vld.idx.msk [tilespmem:v3+s9+$0x0], $0xffff;
	_ =	sdelay $0x4  }
0x27: {  	v21 =	vshll.u32 v21, $0x2  }
0x28: {  	v21 =	vor.u32 v1, v21;
	_ =	sdelay $0x3  }
0x29: {  	v22 =	vld [tilespmem:$0xA0A0]  }
0x2a: {  	v21 =	vld.idx.msk [tilespmem:v21+s3+$0x0], $0xffff;
	_ =	sdelay $0x4  }
0x2b: {  	v21 =	vmul.f32 v22, v21;
	_ =	sdelay $0x1  }
0x2c: {  	[tilespmem:$0xA220] =	vst v21  }
0x2d: {  	v21 =	vld.idx.msk [tilespmem:v4+s9+$0x0], $0xffff;
	_ =	sdelay $0x4  }
0x2e: {  	v21 =	vshll.u32 v21, $0x2  }
0x2f: {  	v21 =	vor.u32 v1, v21;
	_ =	sdelay $0x3  }
0x30: {  	v22 =	vld [tilespmem:$0xA0B0]  }
0x31: {  	v21 =	vld.idx.msk [tilespmem:v21+s3+$0x0], $0xffff;
	_ =	sdelay $0x4  }
0x32: {  	v21 =	vmul.f32 v22, v21;
	_ =	sdelay $0x1  }
0x33: {  	[tilespmem:$0xA230] =	vst v21  }
0x34: {  	v21 =	vld.idx.msk [tilespmem:v5+s9+$0x0], $0xffff;
	_ =	sdelay $0x4  }
0x35: {  	v21 =	vshll.u32 v21, $0x2  }
0x36: {  	v21 =	vor.u32 v1, v21;
	_ =	sdelay $0x3  }
0x37: {  	v22 =	vld [tilespmem:$0xA0C0]  }
0x38: {  	v21 =	vld.idx.msk [tilespmem:v21+s3+$0x0], $0xffff;
	_ =	sdelay $0x4  }
0x39: {  	v21 =	vmul.f32 v22, v21;
	_ =	sdelay $0x1  }
0x3a: {  	[tilespmem:$0xA240] =	vst v21  }
0x3b: {  	v21 =	vld.idx.msk [tilespmem:v6+s9+$0x0], $0xffff;
	_ =	sdelay $0x4  }
0x3c: {  	v21 =	vshll.u32 v21, $0x2  }
0x3d: {  	v21 =	vor.u32 v1, v21;
	_ =	sdelay $0x3  }
0x3e: {  	v22 =	vld [tilespmem:$0xA0D0]  }
0x3f: {  	v21 =	vld.idx.msk [tilespmem:v21+s3+$0x0], $0xffff;
	_ =	sdelay $0x4  }
0x40: {  	v21 =	vmul.f32 v22, v21;
	_ =	sdelay $0x1  }
0x41: {  	[tilespmem:$0xA250] =	vst v21  }
0x42: {  	v21 =	vld.idx.msk [tilespmem:v7+s9+$0x0], $0xffff;
	_ =	sdelay $0x4  }
0x43: {  	v21 =	vshll.u32 v21, $0x2  }
0x44: {  	v21 =	vor.u32 v1, v21;
	_ =	sdelay $0x3  }
0x45: {  	v22 =	vld [tilespmem:$0xA0E0]  }
0x46: {  	v21 =	vld.idx.msk [tilespmem:v21+s3+$0x0], $0xffff;
	_ =	sdelay $0x4  }
0x47: {  	v21 =	vmul.f32 v22, v21;
	_ =	sdelay $0x1  }
0x48: {  	[tilespmem:$0xA260] =	vst v21  }
0x49: {  	v21 =	vld.idx.msk [tilespmem:v8+s9+$0x0], $0xffff;
	_ =	sdelay $0x4  }
0x4a: {  	v21 =	vshll.u32 v21, $0x2  }
0x4b: {  	v21 =	vor.u32 v1, v21;
	_ =	sdelay $0x3  }
0x4c: {  	v22 =	vld [tilespmem:$0xA0F0]  }
0x4d: {  	v21 =	vld.idx.msk [tilespmem:v21+s3+$0x0], $0xffff;
	_ =	sdelay $0x4  }
0x4e: {  	v21 =	vmul.f32 v22, v21;
	_ =	sdelay $0x1  }
0x4f: {  	[tilespmem:$0xA270] =	vst v21  }
0x50: {  	v21 =	vld.idx.msk [tilespmem:v9+s9+$0x0], $0xffff;
	_ =	sdelay $0x4  }
0x51: {  	v21 =	vshll.u32 v21, $0x2  }
0x52: {  	v21 =	vor.u32 v1, v21;
	_ =	sdelay $0x3  }
0x53: {  	v22 =	vld [tilespmem:$0xA100]  }
0x54: {  	v21 =	vld.idx.msk [tilespmem:v21+s3+$0x0], $0xffff;
	_ =	sdelay $0x4  }
0x55: {  	v21 =	vmul.f32 v22, v21;
	_ =	sdelay $0x1  }
0x56: {  	[tilespmem:$0xA280] =	vst v21  }
0x57: {  	v21 =	vld.idx.msk [tilespmem:v10+s9+$0x0], $0xffff;
	_ =	sdelay $0x4  }
0x58: {  	v21 =	vshll.u32 v21, $0x2  }
0x59: {  	v21 =	vor.u32 v1, v21;
	_ =	sdelay $0x3  }
0x5a: {  	v22 =	vld [tilespmem:$0xA110]  }
0x5b: {  	v21 =	vld.idx.msk [tilespmem:v21+s3+$0x0], $0xffff;
	_ =	sdelay $0x4  }
0x5c: {  	v21 =	vmul.f32 v22, v21;
	_ =	sdelay $0x1  }
0x5d: {  	[tilespmem:$0xA290] =	vst v21  }
0x5e: {  	v21 =	vld.idx.msk [tilespmem:v11+s9+$0x0], $0xffff;
	_ =	sdelay $0x4  }
0x5f: {  	v21 =	vshll.u32 v21, $0x2  }
0x60: {  	v21 =	vor.u32 v1, v21;
	_ =	sdelay $0x3  }
0x61: {  	v22 =	vld [tilespmem:$0xA120]  }
0x62: {  	v21 =	vld.idx.msk [tilespmem:v21+s3+$0x0], $0xffff;
	_ =	sdelay $0x4  }
0x63: {  	v21 =	vmul.f32 v22, v21;
	_ =	sdelay $0x1  }
0x64: {  	[tilespmem:$0xA2A0] =	vst v21  }
0x65: {  	v21 =	vld.idx.msk [tilespmem:v12+s9+$0x0], $0xffff;
	_ =	sdelay $0x4  }
0x66: {  	v21 =	vshll.u32 v21, $0x2  }
0x67: {  	v21 =	vor.u32 v1, v21;
	_ =	sdelay $0x3  }
0x68: {  	v22 =	vld [tilespmem:$0xA130]  }
0x69: {  	v21 =	vld.idx.msk [tilespmem:v21+s3+$0x0], $0xffff;
	_ =	sdelay $0x4  }
0x6a: {  	v21 =	vmul.f32 v22, v21;
	_ =	sdelay $0x1  }
0x6b: {  	[tilespmem:$0xA2B0] =	vst v21  }
0x6c: {  	v21 =	vld.idx.msk [tilespmem:v13+s9+$0x0], $0xffff;
	_ =	sdelay $0x4  }
0x6d: {  	v21 =	vshll.u32 v21, $0x2  }
0x6e: {  	v21 =	vor.u32 v1, v21;
	_ =	sdelay $0x3  }
0x6f: {  	v22 =	vld [tilespmem:$0xA140]  }
0x70: {  	v21 =	vld.idx.msk [tilespmem:v21+s3+$0x0], $0xffff;
	_ =	sdelay $0x4  }
0x71: {  	v21 =	vmul.f32 v22, v21;
	_ =	sdelay $0x1  }
0x72: {  	[tilespmem:$0xA2C0] =	vst v21  }
0x73: {  	v21 =	vld.idx.msk [tilespmem:v14+s9+$0x0], $0xffff;
	_ =	sdelay $0x4  }
0x74: {  	v21 =	vshll.u32 v21, $0x2  }
0x75: {  	v21 =	vor.u32 v1, v21;
	_ =	sdelay $0x3  }
0x76: {  	v22 =	vld [tilespmem:$0xA150]  }
0x77: {  	v21 =	vld.idx.msk [tilespmem:v21+s3+$0x0], $0xffff;
	_ =	sdelay $0x4  }
0x78: {  	v21 =	vmul.f32 v22, v21;
	_ =	sdelay $0x1  }
0x79: {  	[tilespmem:$0xA2D0] =	vst v21  }
0x7a: {  	v21 =	vld.idx.msk [tilespmem:v15+s9+$0x0], $0xffff;
	_ =	sdelay $0x4  }
0x7b: {  	v21 =	vshll.u32 v21, $0x2  }
0x7c: {  	v21 =	vor.u32 v1, v21;
	_ =	sdelay $0x3  }
0x7d: {  	v22 =	vld [tilespmem:$0xA160]  }
0x7e: {  	v21 =	vld.idx.msk [tilespmem:v21+s3+$0x0], $0xffff;
	_ =	sdelay $0x4  }
0x7f: {  	v21 =	vmul.f32 v22, v21;
	_ =	sdelay $0x1  }
0x80: {  	[tilespmem:$0xA2E0] =	vst v21  }
0x81: {  	v21 =	vld.idx.msk [tilespmem:v16+s9+$0x0], $0xffff;
	_ =	sdelay $0x4  }
0x82: {  	v21 =	vshll.u32 v21, $0x2  }
0x83: {  	v21 =	vor.u32 v1, v21;
	_ =	sdelay $0x3  }
0x84: {  	v22 =	vld [tilespmem:$0xA170]  }
0x85: {  	v21 =	vld.idx.msk [tilespmem:v21+s3+$0x0], $0xffff;
	_ =	sdelay $0x4  }
0x86: {  	v21 =	vmul.f32 v22, v21;
	_ =	sdelay $0x1  }
0x87: {  	[tilespmem:$0xA2F0] =	vst v21  }
0x88: {  	v21 =	vld.idx.msk [tilespmem:v17+s9+$0x0], $0xffff;
	_ =	sdelay $0x4  }
0x89: {  	v21 =	vshll.u32 v21, $0x2  }
0x8a: {  	v21 =	vor.u32 v1, v21;
	_ =	sdelay $0x3  }
0x8b: {  	v22 =	vld [tilespmem:$0xA180]  }
0x8c: {  	v21 =	vld.idx.msk [tilespmem:v21+s3+$0x0], $0xffff;
	_ =	sdelay $0x4  }
0x8d: {  	v21 =	vmul.f32 v22, v21;
	_ =	sdelay $0x1  }
0x8e: {  	[tilespmem:$0xA300] =	vst v21  }
0x8f: {  	v21 =	vld.idx.msk [tilespmem:v18+s9+$0x0], $0xffff;
	_ =	sdelay $0x4  }
0x90: {  	v21 =	vshll.u32 v21, $0x2  }
0x91: {  	v21 =	vor.u32 v1, v21;
	_ =	sdelay $0x3  }
0x92: {  	v22 =	vld [tilespmem:$0xA190]  }
0x93: {  	v21 =	vld.idx.msk [tilespmem:v21+s3+$0x0], $0xffff;
	_ =	sdelay $0x4  }
0x94: {  	v21 =	vmul.f32 v22, v21;
	_ =	sdelay $0x1  }
0x95: {  	[tilespmem:$0xA310] =	vst v21  }
0x96: {  	v21 =	vld.idx.msk [tilespmem:v19+s9+$0x0], $0xffff;
	_ =	sdelay $0x4  }
0x97: {  	v21 =	vshll.u32 v21, $0x2  }
0x98: {  	v21 =	vor.u32 v1, v21;
	_ =	sdelay $0x3  }
0x99: {  	v22 =	vld [tilespmem:$0xA1A0]  }
0x9a: {  	v21 =	vld.idx.msk [tilespmem:v21+s3+$0x0], $0xffff;
	_ =	sdelay $0x4  }
0x9b: {  	v21 =	vmul.f32 v22, v21;
	_ =	sdelay $0x1  }
0x9c: {  	[tilespmem:$0xA320] =	vst v21  }
0x9d: {  	v21 =	vld.idx.msk [tilespmem:v20+s9+$0x0], $0xffff;
	_ =	sdelay $0x4  }
0x9e: {  	v21 =	vshll.u32 v21, $0x2  }
0x9f: {  	v21 =	vor.u32 v1, v21;
	_ =	sdelay $0x3  }
0xa0: {  	v22 =	vld [tilespmem:$0xA1B0]  }
0xa1: {  	v21 =	vld.idx.msk [tilespmem:v21+s3+$0x0], $0xffff;
	_ =	sdelay $0x4  }
0xa2: {  	v21 =	vmul.f32 v22, v21  }
0xa3: {  	p0 =	sne.s32 s14, $0x1360  }
.Ltmp0:
0xa4: {  	s31 =	sadd.s32 s14, s5;
	[tilespmem:$0xA330] =	vst v21;
	(pc) =	sbr.rel @p0 .LBB2_2-.Ltmp0, $4  }
0xa5: {  	[hbm4b:s31+s3] =	stream.linear.scatter [tilespmem:s11], [sflag:$0x1], $0x140, $0x38;
	[tilespmem:$0xA380] =	vst v63  }
0xa6: {  	_ =	swait.ge [sflag:s8], $0x140  }
0xa7: {  	[sflag:s8] =	ssyncset.done $0x0  }
0xa8: {  	s13 =	sadd.s32 $0xA, s13;
	s14 =	sadd.s32 $0x28, s14;
	[sflag:s8] =	ssyncadd.s32 $0xFFFFFEC0  }
0xa9: {  	s12 =	sadd.s32 $0x1, s12  }
0xaa: {  	p0 =	sne.s32 s12, s4  }
.Ltmp1:
0xab: {  	_ = 	snop;
	(pc) =	sbr.rel @p0 .LBB2_1-.Ltmp1, $1  }
0xac: {  	_ =	sdelay $0x3  }
0xad: {  	_ =	sfence.sel $0x180000  }
0xae: {  	[bflag:$0x0] =	sbarrier.arrive $0xFFFF  }
0xaf: {  	p0 =	sne.s32 s0, $0x0;
	_ =	strace $0x9000004A  }
0xb0: {  	s0 =	sadd.s32 @!p0 $0x100000, s2;
	[bflag:$0x2] =	sbarrier.arrive $0xFFFF  }
0xb1: {  	[sflag:s0] =	ssyncadd.tile.s32 @!p0 $0x1;
	_ =	shalt  }
.Lfunc_end2:
_tile_overlayer_lowered:
.L_overlay_start_2:
0xb2: {  	(tag) =	ssettag $0x2  }
0xb3: {  	s0 =	rddreg [dreg:$0x0];
	s2 =	stileid.u32  }
0xb4: {  	s1 =	rddreg [dreg:$0x1];
	p0 =	sne.s32 s2, $0x0  }
0xb5: {  	s3 =	rddreg [dreg:$0x2];
	[bflag:$0x3] =	sbarrier.arrive $0xFFFF;
	s2 =	simm.s32 @!p0 $0x1C01  }
0xb6: {  	[timem:s3], [sflag:s2] =	dma.local @!p0 [hbm:s0], s1  }
0xb7: {  	s0 =	simm.s32 @!p0 $0x1  }
0xb8: {  	_ =	swait.ge @!p0 [sflag:s0], s1  }
0xb9: {  	s1 =	ssub.s32 @!p0 $0x0, s1;
	[sflag:s0] =	ssyncset.done @!p0 $0x0  }
0xba: {  	[sflag:s0] =	ssyncadd.s32 @!p0 s1  }
0xbb: {  	[bflag:$0x3] =	sbarrier.arrive $0xFFFF  }
0xbc: {  	_ =	shalt  }

// kernel: kernel.15.cloned.1.call-start
scs
__scs_entry_jumppad:
0x0: {  	(pc) =	sbr.rel $0x88, $3  }
0x1: {  	(tag) =	ssettag $0x0;
	lr =	simm.s32 $0x1  }
0x2: {  	[smem:$0x3F9A] =	sst lr;
	_ =	strace $0xD0000000  }
0x3: {  	_ = 	snop  }
0x4: {  	_ = 	snop  }
0x5: {  	_ = 	snop  }
0x6: {  	_ = 	snop  }
0x7: {  	_ = 	snop  }
__scs_overlays_trampoline_lowered:
0x8: {  	[smem:$0x3FA9] =	sst s0  }
0x9: {  	[smem:$0x3FAA] =	sst s1  }
0xa: {  	[smem:$0x3FAB] =	sst s2  }
0xb: {  	[smem:$0x3FAC] =	sst s3  }
0xc: {  	[smem:$0x3FAD] =	sst s4  }
0xd: {  	[smem:$0x3FAE] =	sst s5  }
0xe: {  	[smem:$0x3FAF] =	sst s6  }
0xf: {  	[smem:$0x3FB0] =	sst s7  }
0x10: {  	[smem:$0x3FB1] =	sst s8  }
0x11: {  	[smem:$0x3FB2] =	sst s9;
	s0 =	simm.s32 @!p0 $0x0  }
0x12: {  	s1 =	sld [smem:$0x3F98];
	s0 =	simm.s32 @p0 $0x1  }
0x13: {  	[smem:$0x3FB3] =	sst s0;
	s0 =	simm.s32 @!p1 $0x0  }
0x14: {  	s2 =	sld [smem:$0x3F97];
	s0 =	simm.s32 @p1 $0x1  }
0x15: {  	[smem:$0x3FB4] =	sst s0;
	s0 =	simm.s32 @!p2 $0x0  }
0x16: {  	s3 =	sld [smem:$0x3FDB];
	s0 =	simm.s32 @p2 $0x1  }
0x17: {  	s4 =	simm.s32 $0x1BF5;
	[smem:$0x3FB6] =	sst s0  }
0x18: {  	s0 =	sld [smem:$0x3F99];
	_ =	swait.ge [sflag:s4], $0x0  }
0x19: {  	s7 =	sld [smem:$0x3F9A]  }
0x1a: {  	s8 =	sadd.s32 $0xFFFFE003, lr  }
0x1b: {  	s9 =	sadd.s32 $0xFFFFFEF7, lr;
	s5 =	simm.s32 $0xFFFFFFFF;
	p2 =	slt.u32 s8, $0xFFFFF086  }
0x1c: {  	p1 =	slt.u32 s9, $0xF7A;
	s5 =	simm.s32 @!p2 $0x0  }
0x1d: {  	s5 =	simm.s32 @p1 $0x1;
	p0 =	seq.s32 s7, s2  }
0x1e: {  	s7 =	smul.u32 @!p0 $0xF7A, s2;
	p2 =	seq.s32 @!p0 s5, $0x0  }
0x1f: {  	s9 =	smul.u32 $0xF7A, s1;
	s8 =	simm.s32 @!p0 $0x1BF5;
	p2 =	por !p2, p0  }
0x20: {  	[sflag:s8] =	ssyncset.s32 @!p0 $0xFFFFF086;
	s6 =	sadd.s32 @!p0 s3, s7;
	s7 =	simm.s32 @!p0 $0x108  }
0x21: {  	s3 =	sadd.s32 s3, s9;
	s6 =	sadd.s32 @!p0 $0x88, s6;
	s7 =	simm.s32 @p2 $0x1082  }
0x22: {  	[simem:s7], [sflag:s8] =	dma.local @!p0 [hbm:s6], $0xF7A  }
0x23: {  	s9 =	sor.u32 $0xD0000000, s2;
	s6 =	simm.s32 $0x108;
	_ =	swait.ge @!p0 [sflag:s8], $0x0  }
0x24: {  	s3 =	sadd.s32 $0x88, s3;
	s6 =	simm.s32 @!p1 $0x1082;
	[sflag:s4] =	ssyncset.s32 $0xFFFFF086  }
0x25: {  	[simem:s6], [sflag:s4] =	dma.local [hbm:s3], $0xF7A  }
0x26: {  	[smem:$0x3F9A] =	sst s1;
	(tag) =	ssettag s2;
	_ =	strace s9  }
0x27: {  	s1 =	sld [smem:$0x3FAA]  }
0x28: {  	s2 =	sld [smem:$0x3FAB]  }
0x29: {  	s4 =	sld [smem:$0x3FAD]  }
0x2a: {  	p0 =	seq.s32 s5, $0x0;
	s5 =	sld [smem:$0x3FAE]  }
0x2b: {  	s6 =	sld [smem:$0x3FAF]  }
0x2c: {  	s7 =	sld [smem:$0x3FB0]  }
0x2d: {  	s3 =	simm.s32 $0x108;
	s8 =	sld [smem:$0x3FB1]  }
0x2e: {  	s3 =	simm.s32 @!p0 $0x1082;
	s9 =	sld [smem:$0x3FB2]  }
0x2f: {  	lr =	sadd.s32 s0, s3;
	s0 =	sld [smem:$0x3FA9]  }
0x30: {  	s3 =	sld [smem:$0x3FAC]  }
0x31: {  	[smem:$0x3FB5] =	sst s10  }
0x32: {  	s10 =	sld [smem:$0x3FB3];
	_ =	sdelay $0x3  }
0x33: {  	p0 =	seq.s32 s10, $0x1;
	s10 =	sld [smem:$0x3FB5];
	_ =	sdelay $0x3  }
0x34: {  	[smem:$0x3FB5] =	sst s10  }
0x35: {  	s10 =	sld [smem:$0x3FB4];
	_ =	sdelay $0x3  }
0x36: {  	p1 =	seq.s32 s10, $0x1;
	s10 =	sld [smem:$0x3FB5];
	_ =	sdelay $0x3  }
0x37: {  	[smem:$0x3FB5] =	sst s10  }
0x38: {  	s10 =	sld [smem:$0x3FB6]  }
0x39: {  	_ = 	snop;
	(pc) =	sbr.ind lr, $3  }
0x3a: {  	_ = 	snop  }
0x3b: {  	_ = 	snop  }
0x3c: {  	p2 =	seq.s32 s10, $0x1;
	s10 =	sld [smem:$0x3FB5]  }
0x3d: {  	_ =	shalt  }
0x3e: {  	_ =	shalt  }
0x3f: {  	_ =	shalt  }
0x40: {  	_ =	shalt  }
0x41: {  	_ =	shalt  }
0x42: {  	_ =	shalt  }
0x43: {  	_ =	shalt  }
0x44: {  	_ =	shalt  }
0x45: {  	_ =	shalt  }
0x46: {  	_ =	shalt  }
0x47: {  	_ =	shalt  }
0x48: {  	_ =	shalt  }
0x49: {  	_ =	shalt  }
0x4a: {  	_ =	shalt  }
0x4b: {  	_ =	shalt  }
0x4c: {  	_ =	shalt  }
0x4d: {  	_ =	shalt  }
0x4e: {  	_ =	shalt  }
0x4f: {  	_ =	shalt  }
0x50: {  	_ =	shalt  }
0x51: {  	_ =	shalt  }
0x52: {  	_ =	shalt  }
0x53: {  	_ =	shalt  }
0x54: {  	_ =	shalt  }
0x55: {  	_ =	shalt  }
0x56: {  	_ =	shalt  }
0x57: {  	_ =	shalt  }
0x58: {  	_ =	shalt  }
0x59: {  	_ =	shalt  }
0x5a: {  	_ =	shalt  }
0x5b: {  	_ =	shalt  }
0x5c: {  	_ =	shalt  }
0x5d: {  	_ =	shalt  }
0x5e: {  	_ =	shalt  }
0x5f: {  	_ =	shalt  }
0x60: {  	_ =	shalt  }
0x61: {  	_ =	shalt  }
0x62: {  	_ =	shalt  }
0x63: {  	_ =	shalt  }
0x64: {  	_ =	shalt  }
0x65: {  	_ =	shalt  }
0x66: {  	_ =	shalt  }
0x67: {  	_ =	shalt  }
0x68: {  	_ =	shalt  }
0x69: {  	_ =	shalt  }
0x6a: {  	_ =	shalt  }
0x6b: {  	_ =	shalt  }
0x6c: {  	_ =	shalt  }
0x6d: {  	_ =	shalt  }
0x6e: {  	_ =	shalt  }
0x6f: {  	_ =	shalt  }
0x70: {  	_ =	shalt  }
0x71: {  	_ =	shalt  }
0x72: {  	_ =	shalt  }
0x73: {  	_ =	shalt  }
0x74: {  	_ =	shalt  }
0x75: {  	_ =	shalt  }
0x76: {  	_ =	shalt  }
0x77: {  	_ =	shalt  }
0x78: {  	_ =	shalt  }
0x79: {  	_ =	shalt  }
0x7a: {  	_ =	shalt  }
0x7b: {  	_ =	shalt  }
0x7c: {  	_ =	shalt  }
0x7d: {  	_ =	shalt  }
0x7e: {  	_ =	shalt  }
0x7f: {  	_ =	shalt  }
0x80: {  	_ =	shalt  }
0x81: {  	_ =	shalt  }
0x82: {  	_ =	shalt  }
0x83: {  	_ =	shalt  }
0x84: {  	_ =	shalt  }
0x85: {  	_ =	shalt  }
0x86: {  	_ =	shalt  }
0x87: {  	_ =	shalt  }
.Lfunc_end0:
.L_simem_size_0:
called_computation.2_lowered:
.L_overlay_start_0:
0x88: {  	s2 =	sld [smem:$0x3FD9]  }
0x89: {  	s3 =	sld [smem:$0x3FFE];
	_ =	sdelay $0x1  }
0x8a: {  	s1 =	srdreg.scid  }
0x8b: {  	s0 =	sand.u32 $0x1, s1  }
0x8c: {  	s14 =	sshll.u32 s0, $0xA;
	s2 =	sadd.s32 s3, s2  }
0x8d: {  	s2 =	sadd.s32 s2, s14  }
0x8e: {  	[smem:$0x3FC1] =	sst s2  }
0x8f: {  	_ = 	snop  }
0x90: {  	s2 =	sld [smem:$0x3FD0];
	_ =	sdelay $0x2  }
0x91: {  	s15 =	simm.s32 $0xA;
	s4 =	simm.s32 $0x10  }
0x92: {  	[smem:s4], [sflag:s15] =	dma.local [hbm:s2], $0x1  }
0x93: {  	_ =	swait.eq [sflag:s15], $0x1  }
0x94: {  	[sflag:s15] =	ssyncset.done $0x0  }
0x95: {  	s16 =	sld [smem:$0x10];
	[sflag:s15] =	ssyncadd.s32 $0xFFFFFFFF  }
0x96: {  	s17 =	sld [smem:$0x11];
	(tm) =	ssettm $0x1  }
0x97: {  	s18 =	sld [smem:$0x3FFB];
	_ =	sdelay $0x3  }
0x98: {  	_ =	strace s18  }
0x99: {  	s4 =	sld [smem:$0x3FFC];
	_ =	sdelay $0x3  }
0x9a: {  	_ =	strace s4  }
0x9b: {  	s4 =	sld [smem:$0x3FFD];
	_ =	sdelay $0x3  }
0x9c: {  	_ =	strace s4  }
0x9d: {  	_ =	strace $0x8FFFFFFF  }
0x9e: {  	s19 =	sld [smem:$0x3FDB];
	_ =	sdelay $0x1  }
0x9f: {  	s5 =	simm.s32 $_scs_section_size  }
0xa0: {  	s6 =	simm.s32 $_size__tile_overlayer_lowered;
	s7 =	simm.s32 $_tile_overlayer_lowered  }
0xa1: {  	s22 =	simm.s32 $0x1BFF;
	s21 =	sshll.u32 s7, $0x1;
	s4 =	sadd.s32 s5, s19  }
0xa2: {  	s8 =	simm.s32 $0x0;
	s20 =	sshll.u32 s6, $0x1;
	s6 =	sadd.s32 s21, s4  }
0xa3: {  	[timem:s8], [sflag:s22] =	dma.local [hbm:s6], s20  }
0xa4: {  	_ =	swait.ge [sflag:s22], s20  }
0xa5: {  	s5 =	ssub.s32 $0x0, s20;
	[sflag:s22] =	ssyncset.done $0x0  }
0xa6: {  	[sflag:s22] =	ssyncadd.s32 s5;
	_ =	sdelay $0x1  }
0xa7: {  	s23 =	simm.s32 $0x1B8B  }
0xa8: {  	_ =	swait.ge [sflag:s23], $0x1  }
0xa9: {  	[sflag:s23] =	ssyncset.done $0x0  }
0xaa: {  	s25 =	simm.s32 $0x1B8E;
	s24 =	sld [smem:$0x3FFE];
	[sflag:s23] =	ssyncadd.s32 $0xFFFFFFFF  }
0xab: {  	s26 =	simm.s32 $execute0_lowered;
	[smem:$0x3FD2] =	sst s25  }
0xac: {  	s6 =	sshll.u32 s26, $0x1;
	_ =	strace $0x8000004C;
	[dreg:$0x1] =	wrdreg $0xFFFFFFFF  }
0xad: {  	s28 =	simm.s32 $_size_execute0_lowered;
	s4 =	sadd.s32 s4, s6;
	[dreg:$0x0] =	wrdreg $0x0  }
0xae: {  	s6 =	sshll.u32 s28, $0x1;
	[dreg:$0x2] =	wrdreg s4  }
0xaf: {  	[dreg:$0x3] =	wrdreg s6  }
0xb0: {  	[dreg:$0x4] =	wrdreg $0xC0  }
0xb1: {  	_ =	task [dreg:s8], $0x5FFFF  }
0xb2: {  	[dreg:$0x1] =	wrdreg $0xFFFFFFFF  }
0xb3: {  	[dreg:$0x0] =	wrdreg $0x60  }
0xb4: {  	[dreg:$0x2] =	wrdreg s24  }
0xb5: {  	[dreg:$0x3] =	wrdreg s16  }
0xb6: {  	[dreg:$0x4] =	wrdreg s17  }
0xb7: {  	[dreg:$0x5] =	wrdreg $0xB4A00  }
0xb8: {  	[dreg:$0x6] =	wrdreg $0x9  }
0xb9: {  	_ =	task.clear_ibuf [dreg:s8], $0x7FFFF;
	_ =	strace $0x9000004C  }
0xba: {  	s29 =	simm.s32 $0x9;
	_ =	strace $0x8000004E  }
0xbb: {  	_ =	swait.ge [sflag:s29], $0x1  }
0xbc: {  	[sflag:s29] =	ssyncadd.s32 $0xFFFFFFFF  }
0xbd: {  	_ =	strace $0x9000004E  }
0xbe: {  	_ =	sfence  }
0xbf: {  	s30 =	sld [smem:$0x0];
	_ =	sdelay $0x2  }
0xc0: {  	s31 =	sshll.u32 s1, $0xD;
	s1 =	sshrl.u32 s1, $0x2  }
0xc1: {  	s3 =	sand.u32 $0x4000, s31;
	s1 =	sadd.s32 s1, s30  }
0xc2: {  	s0 =	sor.u32 s3, s0;
	s1 =	sshll.u32 s1, $0x11  }
0xc3: {  	s0 =	sor.u32 s1, s0  }
0xc4: {  	s0 =	sadd.s32 $0x8F2B, s0  }
0xc5: {  	[sflag:s0] =	ssyncadd.remote.s32 $0x1  }
0xc6: {  	_ =	sfence.sel $0xFFFF  }
0xc7: {  	[dreg:$0x0] =	wrdreg $0xFFFFFFFF;
	(pc) =	sbr.abs _section_cstart, $3  }
0xc8: {  	[dreg:$0x1] =	wrdreg $0xFFFFFFFF  }
0xc9: {  	_ =	task.clear_ibuf [dreg:s8], $0x2FFFF;
	_ =	strace $0x9FFFFFFF  }
0xca: {  	(tm) =	ssettm $0x7FFFFFFF  }
0xcb: {  	_ =	shalt  }
tec
execute0_lowered:
.L_overlay_start_1:
0x0: {  	(tag) =	ssettag $0x1  }
0x1: {  	s0 =	rddreg [dreg:$0x0]  }
0x2: {  	s3 =	rddreg [dreg:$0x3];
	s4 =	simm.s32 $0x0;
	s1 =	srdreg.scid  }
0x3: {  	s11 =	stileid.u32;
	s29 =	simm.s32 $0x1;
	s30 =	simm.s32 $0x4F60  }
0x4: {  	s31 =	simm.s32 $0xB360;
	[smem:$0x7FF] =	sst s4;
	s1 =	sand.u32 $0x1, s1  }
0x5: {  	s5 =	sadd.s32 $0x14A00, s0;
	s6 =	sadd.s32 $0x3F200, s0;
	s8 =	sadd.s32 $0xAC00, s0  }
0x6: {  	s9 =	sadd.s32 $0xE00, s0;
	s10 =	sadd.s32 $0x521200, s0;
	s13 =	smul.u32 $0x28000, s11  }
0x7: {  	s7 =	sshll.u32 s11, $0x1;
	s2 =	smul.u32 $0x14000, s1;
	s23 =	ssub.s32 $0x2, s1  }
0x8: {  	s11 =	smul.u32 $0x280, s11;
	s12 =	sshrl.u32 s23, $0x1;
	s24 =	sshrl.u32 s13, $0x2  }
0x9: {  	s0 =	sadd.s32 s2, s0;
	s2 =	ssub.s32 s23, s12;
	s18 =	sadd.s32 s24, s3  }
0xa: {  	_ =	strace $0x8000004D;
	s25 =	smax.u32 s2, $0x1;
	[dreg:$0x5] =	wrdreg s18  }
0xb: {  	s1 =	sor.u32 s1, s7;
	s26 =	sadd.s32 $0x8C00, s18;
	[dreg:$0x6] =	wrdreg s25  }
0xc: {  	s7 =	simm.s32 $0x9F60;
	s19 =	sadd.s32 $0x1400, s18;
	[dreg:$0xd] =	wrdreg s26  }
0xd: {  	s12 =	smul.u32 $0x2710, s1;
	s20 =	sadd.s32 $0x2800, s18;
	[dreg:$0x7] =	wrdreg s19  }
0xe: {  	s24 =	simm.s32 $0x8B60;
	s21 =	sadd.s32 $0x3C00, s18;
	[dreg:$0x8] =	wrdreg s20  }
0xf: {  	s1 =	simm.s32 $0x0;
	s22 =	sadd.s32 $0x5000, s18;
	[dreg:$0x9] =	wrdreg s21  }
0x10: {  	s13 =	sadd.s32 $0x792200, s0;
	s23 =	sadd.s32 $0x6400, s18;
	[dreg:$0xa] =	wrdreg s22  }
0x11: {  	s14 =	sadd.s32 $0x7BA200, s0;
	s28 =	sadd.s32 $0x7800, s18;
	[dreg:$0xb] =	wrdreg s23  }
0x12: {  	v0 =	vimm.f32 $0.0e+00;
	s25 =	simm.s32 $0x2;
	s26 =	simm.s32 $0x50;
	[dreg:$0xc] =	wrdreg s28  }
.LBB2_1:
0x13: {  	[dreg:$0xe] =	wrdreg s1;
	s2 =	simm.s32 $0x100;
	s1 =	simm.s32 $0x0  }
.LBB2_2:
0x14: {  	p0 =	sne.s32 s2, $0x4F00;
	[tilespmem:s1+$0x8B90] =	vst v0;
	s0 =	smov.u32 s2;
	s2 =	sadd.s32 $0x100, s2  }
.Ltmp0:
0x15: {  	[tilespmem:s1+$0x8B80] =	vst v0;
	(pc) =	sbr.rel @p0 .LBB2_2-.Ltmp0, $3  }
0x16: {  	[tilespmem:s1+$0x8B60] =	vst v0  }
0x17: {  	[tilespmem:s1+$0x8B70] =	vst v0;
	_ =	sdelay $0x1  }
0x18: {  	s1 =	sshra.s32 s0, $0x2  }
0x19: {  	[tilespmem:s1+$0x8B90] =	vst v0  }
0x1a: {  	[tilespmem:s1+$0x8B80] =	vst v0  }
0x1b: {  	[tilespmem:s1+$0x8B60] =	vst v0  }
0x1c: {  	[tilespmem:s1+$0x8B70] =	vst v0  }
0x1d: {  	[spmem:s18] =	stream.linear.scatter [tilespmem:s24], [sflag:$0x2], $0x1400, $0x38;
	[tilespmem:$0x154A0] =	vst v63  }
0x1e: {  	_ =	swait.ge [sflag:s25], $0x1400  }
0x1f: {  	[sflag:s25] =	ssyncset.done $0x0  }
0x20: {  	[sflag:s25] =	ssyncadd.s32 $0xFFFFEC00  }
0x21: {  	[spmem:s19] =	stream.linear.scatter [tilespmem:s24], [sflag:$0x2], $0x1400, $0x38;
	[tilespmem:$0x154A0] =	vst v63  }
0x22: {  	_ =	swait.ge [sflag:s25], $0x1400  }
0x23: {  	[sflag:s25] =	ssyncset.done $0x0  }
0x24: {  	[sflag:s25] =	ssyncadd.s32 $0xFFFFEC00  }
0x25: {  	[spmem:s20] =	stream.linear.scatter [tilespmem:s24], [sflag:$0x2], $0x1400, $0x38;
	[tilespmem:$0x154A0] =	vst v63  }
0x26: {  	_ =	swait.ge [sflag:s25], $0x1400  }
0x27: {  	[sflag:s25] =	ssyncset.done $0x0  }
0x28: {  	[sflag:s25] =	ssyncadd.s32 $0xFFFFEC00  }
0x29: {  	[spmem:s21] =	stream.linear.scatter [tilespmem:s24], [sflag:$0x2], $0x1400, $0x38;
	[tilespmem:$0x154A0] =	vst v63  }
0x2a: {  	_ =	swait.ge [sflag:s25], $0x1400  }
0x2b: {  	[sflag:s25] =	ssyncset.done $0x0  }
0x2c: {  	[sflag:s25] =	ssyncadd.s32 $0xFFFFEC00  }
0x2d: {  	[spmem:s22] =	stream.linear.scatter [tilespmem:s24], [sflag:$0x2], $0x1400, $0x38;
	[tilespmem:$0x154A0] =	vst v63  }
0x2e: {  	_ =	swait.ge [sflag:s25], $0x1400  }
0x2f: {  	[sflag:s25] =	ssyncset.done $0x0  }
0x30: {  	[sflag:s25] =	ssyncadd.s32 $0xFFFFEC00  }
0x31: {  	[spmem:s23] =	stream.linear.scatter [tilespmem:s24], [sflag:$0x2], $0x1400, $0x38;
	[tilespmem:$0x154A0] =	vst v63  }
0x32: {  	_ =	swait.ge [sflag:s25], $0x1400  }
0x33: {  	[sflag:s25] =	ssyncset.done $0x0  }
0x34: {  	[sflag:s25] =	ssyncadd.s32 $0xFFFFEC00  }
0x35: {  	[spmem:s28] =	stream.linear.scatter [tilespmem:s24], [sflag:$0x2], $0x1400, $0x38;
	[tilespmem:$0x154A0] =	vst v63  }
0x36: {  	_ =	swait.ge [sflag:s25], $0x1400  }
0x37: {  	[sflag:s25] =	ssyncset.done $0x0  }
0x38: {  	s0 =	rddreg [dreg:$0xd];
	[sflag:s25] =	ssyncadd.s32 $0xFFFFEC00  }
0x39: {  	[spmem:s0] =	stream.linear.scatter [tilespmem:s24], [sflag:$0x2], $0x1400, $0x38;
	[tilespmem:$0x154A0] =	vst v63  }
0x3a: {  	_ =	swait.ge [sflag:s25], $0x1400  }
0x3b: {  	[sflag:s25] =	ssyncset.done $0x0  }
0x3c: {  	[sflag:s25] =	ssyncadd.s32 $0xFFFFEC00  }
0x3d: {  	s17 =	simm.s32 $0x0;
	[bflag:$0x0] =	sbarrier.arrive $0xFFFF  }
.LBB2_4:
0x3e: {  	s0 =	smul.u32 $0x50, s17;
	_ =	sdelay $0x1  }
0x3f: {  	s18 =	sadd.s32 s12, s0  }
0x40: {  	s1 =	sshrl.u32 s18, $0x3  }
0x41: {  	s2 =	sadd.s32 s8, s1  }
0x42: {  	[tilespmem:s4], [sflag:$0x2] =	stream.linear.gather [hbm4b:s2+s4], $0x50, $0x38;
	[tilespmem:$0x154A0] =	vst v63  }
0x43: {  	_ =	swait.ge [sflag:s25], $0x50  }
0x44: {  	[sflag:s25] =	ssyncset.done $0x0  }
0x45: {  	s20 =	sadd.s32 $0x50, s0;
	s2 =	sadd.s32 s9, s1;
	[sflag:s25] =	ssyncadd.s32 $0xFFFFFFB0  }
0x46: {  	[tilespmem:s20], [sflag:$0x2] =	stream.linear.gather [hbm4b:s2+s4], $0x50, $0x38;
	[tilespmem:$0x154A0] =	vst v63  }
0x47: {  	_ =	swait.ge [sflag:s25], $0x50  }
0x48: {  	[sflag:s25] =	ssyncset.done $0x0  }
0x49: {  	s15 =	simm.s32 $0x2760;
	[sflag:s25] =	ssyncadd.s32 $0xFFFFFFB0  }
0x4a: {  	[tilespmem:s15], [sflag:$0x1] =	stream.indirect.gather [hbm4b:s5+s26], $0x80, s4, s26, $0xb8;
	[tilespmem:$0x154A0] =	vst v63  }
0x4b: {  	_ =	swait.ge [sflag:s29], $0x2800  }
0x4c: {  	s19 =	sshll.u32 s18, $0x4;
	[sflag:s29] =	ssyncset.done $0x0  }
0x4d: {  	s16 =	sadd.s32 s6, s19;
	[sflag:s29] =	ssyncadd.s32 $0xFFFFD800  }
0x4e: {  	[tilespmem:s30], [sflag:$0x2] =	stream.linear.gather [hbm4b:s16+s4], $0x2800, $0x38;
	[tilespmem:$0x154A0] =	vst v63  }
0x4f: {  	_ =	swait.ge [sflag:s25], $0x2800  }
0x50: {  	[sflag:s25] =	ssyncset.done $0x0  }
0x51: {  	[sflag:s25] =	ssyncadd.s32 $0xFFFFD800  }
0x52: {  	s22 =	simm.s32 $0x0;
	s21 =	sshrl.u32 s18, $0x1;
	s23 =	rddreg [dreg:$0x1]  }
0x53: {  	v1 =	vmov s22;
	s0 =	sadd.s32 s23, s21  }
0x54: {  	v1 =	vand.u32 $0xFFFFFFFC, v1;
	[tilespmem:s31], [sflag:$0x2] =	stream.linear.gather [hbm4b:s0+s4], $0x140, $0x38;
	[tilespmem:$0x154A0] =	vst v63  }
0x55: {  	v1 =	vbroadcast v1, $0x0;
	_ =	swait.ge [sflag:s25], $0x140  }
0x56: {  	[sflag:s25] =	ssyncset.done $0x0  }
0x57: {  	s23 =	simm.s32 $0x4FA0;
	[sflag:s25] =	ssyncadd.s32 $0xFFFFFEC0  }
0x58: {  	s21 =	simm.s32 $0x27A0;
	v2 =	vld [tilespmem:s23+$0xFFFFFFC0]  }
0x59: {  	v3 =	vld [tilespmem:s21+$0xFFFFFFC0];
	_ =	sdelay $0x1  }
0x5a: {  	v1 =	vld.idx.msk [tilespmem:v1+s31+$0x0], $0xffff;
	_ =	sdelay $0x2  }
0x5b: {  	v2 =	vadd.f32 v2, v3;
	_ =	sdelay $0x1  }
0x5c: {  	v2 =	vmul.f32 v2, v1;
	_ =	sdelay $0x1  }
0x5d: {  	v3 =	vmul.f32 $1.442695020e+00, v2;
	_ =	sdelay $0x1  }
0x5e: {  	(erf) = vpow2.f32 v3;
	_ =	sdelay $0x8  }
0x5f: {  	v3 =	vpop (erf)  }
0x60: {  	v3 =	vadd.f32 $-1.000000000e+00, v3  }
0x61: {  	s28 =	simm.s32 $0x7780;
	vm0 =	vgt.f32 v2, $0.0e+00  }
0x62: {  	[tilespmem:s28+$0xFFFFFFE0] =	vst v2;
	v2 =	vsel vm0, v2, v3  }
0x63: {  	[tilespmem:s23+$0xFFFFFFC0] =	vst v2;
	v2 =	vld [tilespmem:s23+$0xFFFFFFD0]  }
0x64: {  	v3 =	vld [tilespmem:s21+$0xFFFFFFD0];
	_ =	sdelay $0x4  }
0x65: {  	v2 =	vadd.f32 v2, v3;
	_ =	sdelay $0x1  }
0x66: {  	v1 =	vmul.f32 v2, v1;
	_ =	sdelay $0x1  }
0x67: {  	v2 =	vmul.f32 $1.442695020e+00, v1;
	_ =	sdelay $0x1  }
0x68: {  	(erf) = vpow2.f32 v2;
	_ =	sdelay $0x6  }
0x69: {  	s2 =	simm.s32 $0x1  }
0x6a: {  	v2 =	vmov s2  }
0x6b: {  	v2 =	vand.u32 $0xFFFFFFFD, v2;
	v3 =	vpop (erf)  }
0x6c: {  	v2 =	vbroadcast v2, $0x0;
	v3 =	vadd.f32 $-1.000000000e+00, v3  }
0x6d: {  	vm9 =	vgt.f32 v1, $0.0e+00  }
0x6e: {  	[tilespmem:s28+$0xFFFFFFF0] =	vst v1;
	v1 =	vsel vm9, v1, v3  }
0x6f: {  	[tilespmem:s23+$0xFFFFFFD0] =	vst v1;
	v1 =	vld [tilespmem:s23+$0xFFFFFFE0]  }
0x70: {  	v3 =	vld [tilespmem:s21+$0xFFFFFFE0];
	_ =	sdelay $0x1  }
0x71: {  	v2 =	vld.idx.msk [tilespmem:v2+s31+$0x0], $0xffff;
	_ =	sdelay $0x2  }
0x72: {  	v1 =	vadd.f32 v1, v3;
	_ =	sdelay $0x1  }
0x73: {  	v1 =	vmul.f32 v1, v2;
	_ =	sdelay $0x1  }
0x74: {  	v3 =	vmul.f32 $1.442695020e+00, v1;
	_ =	sdelay $0x1  }
0x75: {  	(erf) = vpow2.f32 v3;
	_ =	sdelay $0x8  }
0x76: {  	v3 =	vpop (erf)  }
0x77: {  	v3 =	vadd.f32 $-1.000000000e+00, v3  }
0x78: {  	vm10 =	vgt.f32 v1, $0.0e+00  }
0x79: {  	[tilespmem:s28+$0x0] =	vst v1;
	v1 =	vsel vm10, v1, v3  }
0x7a: {  	[tilespmem:s23+$0xFFFFFFE0] =	vst v1;
	v1 =	vld [tilespmem:s23+$0xFFFFFFF0]  }
0x7b: {  	v3 =	vld [tilespmem:s21+$0xFFFFFFF0];
	_ =	sdelay $0x4  }
0x7c: {  	v1 =	vadd.f32 v1, v3;
	_ =	sdelay $0x1  }
0x7d: {  	v1 =	vmul.f32 v1, v2;
	_ =	sdelay $0x1  }
0x7e: {  	v2 =	vmul.f32 $1.442695020e+00, v1;
	_ =	sdelay $0x1  }
0x7f: {  	(erf) = vpow2.f32 v2;
	_ =	sdelay $0x6  }
0x80: {  	s15 =	simm.s32 $0x2  }
0x81: {  	v2 =	vmov s15  }
0x82: {  	v2 =	vand.u32 $0xFFFFFFFE, v2;
	v3 =	vpop (erf)  }
0x83: {  	v2 =	vbroadcast v2, $0x0;
	v3 =	vadd.f32 $-1.000000000e+00, v3  }
0x84: {  	vm11 =	vgt.f32 v1, $0.0e+00  }
0x85: {  	[tilespmem:s28+$0x10] =	vst v1;
	v1 =	vsel vm11, v1, v3  }
0x86: {  	[tilespmem:s23+$0xFFFFFFF0] =	vst v1;
	v1 =	vld [tilespmem:s23+$0x0]  }
0x87: {  	v3 =	vld [tilespmem:s21+$0x0];
	_ =	sdelay $0x1  }
0x88: {  	v2 =	vld.idx.msk [tilespmem:v2+s31+$0x0], $0xffff;
	_ =	sdelay $0x2  }
0x89: {  	v1 =	vadd.f32 v1, v3;
	_ =	sdelay $0x1  }
0x8a: {  	v1 =	vmul.f32 v1, v2;
	_ =	sdelay $0x1  }
0x8b: {  	v3 =	vmul.f32 $1.442695020e+00, v1;
	_ =	sdelay $0x1  }
0x8c: {  	(erf) = vpow2.f32 v3;
	_ =	sdelay $0x8  }
0x8d: {  	v3 =	vpop (erf)  }
0x8e: {  	v3 =	vadd.f32 $-1.000000000e+00, v3  }
0x8f: {  	s22 =	simm.s32 $0x9F80;
	vm12 =	vgt.f32 v1, $0.0e+00  }
0x90: {  	[tilespmem:s22+$0xFFFFFFE0] =	vst v1;
	v1 =	vsel vm12, v1, v3  }
0x91: {  	[tilespmem:s23+$0x0] =	vst v1;
	v1 =	vld [tilespmem:s23+$0x10]  }
0x92: {  	v3 =	vld [tilespmem:s21+$0x10];
	_ =	sdelay $0x4  }
0x93: {  	v1 =	vadd.f32 v1, v3;
	_ =	sdelay $0x1  }
0x94: {  	v1 =	vmul.f32 v1, v2;
	_ =	sdelay $0x1  }
0x95: {  	v2 =	vmul.f32 $1.442695020e+00, v1;
	_ =	sdelay $0x1  }
0x96: {  	(erf) = vpow2.f32 v2;
	_ =	sdelay $0x8  }
0x97: {  	v2 =	vpop (erf)  }
0x98: {  	s16 =	simm.s32 $0x3;
	v2 =	vadd.f32 $-1.000000000e+00, v2  }
0x99: {  	v3 =	vmov s16;
	vm13 =	vgt.f32 v1, $0.0e+00  }
0x9a: {  	[tilespmem:s22+$0xFFFFFFF0] =	vst v1;
	v1 =	vsel vm13, v1, v2  }
0x9b: {  	v4 =	vld [tilespmem:s23+$0x20];
	[tilespmem:s23+$0x10] =	vst v1  }
0x9c: {  	v1 =	vld [tilespmem:s21+$0x20];
	_ =	sdelay $0x1  }
0x9d: {  	v2 =	vld.idx.msk [tilespmem:v3+s31+$0x0], $0xffff;
	_ =	sdelay $0x2  }
0x9e: {  	v1 =	vadd.f32 v4, v1;
	_ =	sdelay $0x1  }
0x9f: {  	v1 =	vmul.f32 v1, v2;
	_ =	sdelay $0x1  }
0xa0: {  	v3 =	vmul.f32 $1.442695020e+00, v1;
	_ =	sdelay $0x1  }
0xa1: {  	(erf) = vpow2.f32 v3;
	_ =	sdelay $0x8  }
0xa2: {  	v3 =	vpop (erf)  }
0xa3: {  	v3 =	vadd.f32 $-1.000000000e+00, v3  }
0xa4: {  	vm14 =	vgt.f32 v1, $0.0e+00  }
0xa5: {  	[tilespmem:s22+$0x0] =	vst v1;
	v1 =	vsel vm14, v1, v3  }
0xa6: {  	v62 =	vld [tilespmem:s23+$0x30];
	[tilespmem:s23+$0x20] =	vst v1  }
0xa7: {  	v1 =	vld [tilespmem:s21+$0x30];
	_ =	sdelay $0x4  }
0xa8: {  	v1 =	vadd.f32 v62, v1;
	_ =	sdelay $0x1  }
0xa9: {  	v2 =	vmul.f32 v1, v2;
	_ =	sdelay $0x1  }
0xaa: {  	v1 =	vmul.f32 $1.442695020e+00, v2;
	_ =	sdelay $0x1  }
0xab: {  	(erf) = vpow2.f32 v1;
	_ =	sdelay $0x7  }
0xac: {  	s28 =	simm.s32 $0x4  }
0xad: {  	v3 =	vmov s28;
	v1 =	vpop (erf)  }
0xae: {  	v63 =	vadd.f32 $-1.000000000e+00, v1;
	v1 =	vand.u32 $0xFFFFFFFC, v3  }
0xaf: {  	v1 =	vbroadcast v1, $0x0  }
0xb0: {  	s1 =	simm.s32 $0x77C0;
	vm15 =	vgt.f32 v2, $0.0e+00  }
0xb1: {  	s2 =	simm.s32 $0xB;
	s15 =	simm.s32 $0x5020;
	s16 =	simm.s32 $0x7;
	[tilespmem:s22+$0x10] =	vst v2;
	v2 =	vsel vm15, v2, v63  }
.LBB2_5:
0xb2: {  	s22 =	sadd.s32 $0x40, s22;
	s21 =	sadd.s32 $0x80, s21  }
0xb3: {  	v3 =	vld [tilespmem:s15+$0xFFFFFFC0];
	[tilespmem:s23+$0x30] =	vst v2;
	s28 =	smov.u32 s2;
	s0 =	sadd.s32 $0x4, s2;
	s23 =	smov.u32 s15  }
0xb4: {  	p0 =	sne.s32 s2, $0x13F;
	v2 =	vld [tilespmem:s21+$0xFFFFFFC0]  }
0xb5: {  	v1 =	vld.idx.msk [tilespmem:v1+s31+$0x0], $0xffff;
	_ =	sdelay $0x3  }
0xb6: {  	v2 =	vadd.f32 v3, v2;
	_ =	sdelay $0x1  }
0xb7: {  	v2 =	vmul.f32 v2, v1;
	_ =	sdelay $0x1  }
0xb8: {  	v3 =	vmul.f32 $1.442695020e+00, v2;
	_ =	sdelay $0x1  }
0xb9: {  	(erf) = vpow2.f32 v3;
	_ =	sdelay $0x8  }
0xba: {  	v3 =	vpop (erf)  }
0xbb: {  	v3 =	vadd.f32 $-1.000000000e+00, v3  }
0xbc: {  	vm0 =	vgt.f32 v2, $0.0e+00  }
0xbd: {  	[tilespmem:s1+$0xFFFFFFE0] =	vst v2;
	v2 =	vsel vm0, v2, v3  }
0xbe: {  	[tilespmem:s15+$0xFFFFFFC0] =	vst v2;
	v2 =	vld [tilespmem:s15+$0xFFFFFFD0]  }
0xbf: {  	v3 =	vld [tilespmem:s21+$0xFFFFFFD0];
	_ =	sdelay $0x4  }
0xc0: {  	v2 =	vadd.f32 v2, v3;
	_ =	sdelay $0x1  }
0xc1: {  	v1 =	vmul.f32 v2, v1;
	_ =	sdelay $0x1  }
0xc2: {  	v2 =	vmul.f32 $1.442695020e+00, v1;
	_ =	sdelay $0x1  }
0xc3: {  	(erf) = vpow2.f32 v2;
	_ =	sdelay $0x5  }
0xc4: {  	s2 =	sadd.s32 $0xFFFFFFFE, s16  }
0xc5: {  	v2 =	vmov s2  }
0xc6: {  	v2 =	vand.u32 $0xFFFFFFFD, v2  }
0xc7: {  	v2 =	vbroadcast v2, $0x0;
	v3 =	vpop (erf)  }
0xc8: {  	v3 =	vadd.f32 $-1.000000000e+00, v3  }
0xc9: {  	vm0 =	vgt.f32 v1, $0.0e+00  }
0xca: {  	[tilespmem:s1+$0xFFFFFFF0] =	vst v1;
	v1 =	vsel vm0, v1, v3  }
0xcb: {  	[tilespmem:s15+$0xFFFFFFD0] =	vst v1;
	v1 =	vld [tilespmem:s15+$0xFFFFFFE0]  }
0xcc: {  	v3 =	vld [tilespmem:s21+$0xFFFFFFE0]  }
0xcd: {  	v2 =	vld.idx.msk [tilespmem:v2+s31+$0x0], $0xffff;
	_ =	sdelay $0x3  }
0xce: {  	v1 =	vadd.f32 v1, v3;
	_ =	sdelay $0x1  }
0xcf: {  	v1 =	vmul.f32 v1, v2;
	_ =	sdelay $0x1  }
0xd0: {  	v3 =	vmul.f32 $1.442695020e+00, v1;
	_ =	sdelay $0x1  }
0xd1: {  	(erf) = vpow2.f32 v3;
	_ =	sdelay $0x8  }
0xd2: {  	v3 =	vpop (erf)  }
0xd3: {  	v3 =	vadd.f32 $-1.000000000e+00, v3  }
0xd4: {  	vm0 =	vgt.f32 v1, $0.0e+00  }
0xd5: {  	[tilespmem:s1+$0x0] =	vst v1;
	v1 =	vsel vm0, v1, v3  }
0xd6: {  	[tilespmem:s15+$0xFFFFFFE0] =	vst v1;
	v1 =	vld [tilespmem:s15+$0xFFFFFFF0]  }
0xd7: {  	v3 =	vld [tilespmem:s21+$0xFFFFFFF0];
	_ =	sdelay $0x4  }
0xd8: {  	v1 =	vadd.f32 v1, v3;
	_ =	sdelay $0x1  }
0xd9: {  	v1 =	vmul.f32 v1, v2;
	_ =	sdelay $0x1  }
0xda: {  	v2 =	vmul.f32 $1.442695020e+00, v1;
	_ =	sdelay $0x1  }
0xdb: {  	(erf) = vpow2.f32 v2;
	_ =	sdelay $0x5  }
0xdc: {  	s2 =	sadd.s32 $0xFFFFFFFF, s16  }
0xdd: {  	v2 =	vmov s2  }
0xde: {  	v2 =	vand.u32 $0xFFFFFFFE, v2  }
0xdf: {  	v2 =	vbroadcast v2, $0x0;
	v3 =	vpop (erf)  }
0xe0: {  	v3 =	vadd.f32 $-1.000000000e+00, v3  }
0xe1: {  	vm0 =	vgt.f32 v1, $0.0e+00  }
0xe2: {  	[tilespmem:s1+$0x10] =	vst v1;
	v1 =	vsel vm0, v1, v3  }
0xe3: {  	[tilespmem:s15+$0xFFFFFFF0] =	vst v1;
	v1 =	vld [tilespmem:s15+$0x0]  }
0xe4: {  	v3 =	vld [tilespmem:s21+$0x0]  }
0xe5: {  	v2 =	vld.idx.msk [tilespmem:v2+s31+$0x0], $0xffff;
	_ =	sdelay $0x3  }
0xe6: {  	v1 =	vadd.f32 v1, v3;
	_ =	sdelay $0x1  }
0xe7: {  	v1 =	vmul.f32 v1, v2;
	_ =	sdelay $0x1  }
0xe8: {  	[tilespmem:s22+$0xFFFFFFE0] =	vst v1;
	v3 =	vmul.f32 $1.442695020e+00, v1;
	_ =	sdelay $0x1  }
0xe9: {  	(erf) = vpow2.f32 v3;
	_ =	sdelay $0x8  }
0xea: {  	v3 =	vpop (erf)  }
0xeb: {  	v3 =	vadd.f32 $-1.000000000e+00, v3  }
0xec: {  	vm0 =	vgt.f32 v1, $0.0e+00  }
0xed: {  	v1 =	vsel vm0, v1, v3  }
0xee: {  	[tilespmem:s15+$0x0] =	vst v1;
	v1 =	vld [tilespmem:s15+$0x10]  }
0xef: {  	v3 =	vld [tilespmem:s21+$0x10];
	_ =	sdelay $0x4  }
0xf0: {  	v1 =	vadd.f32 v1, v3;
	_ =	sdelay $0x1  }
0xf1: {  	v1 =	vmul.f32 v1, v2;
	_ =	sdelay $0x1  }
0xf2: {  	[tilespmem:s22+$0xFFFFFFF0] =	vst v1;
	v2 =	vmul.f32 $1.442695020e+00, v1  }
0xf3: {  	v3 =	vld [tilespmem:s15+$0x20]  }
0xf4: {  	(erf) = vpow2.f32 v2;
	_ =	sdelay $0x8  }
0xf5: {  	v2 =	vpop (erf)  }
0xf6: {  	v4 =	vmov s16;
	s16 =	smov.u32 s28;
	v2 =	vadd.f32 $-1.000000000e+00, v2  }
0xf7: {  	vm0 =	vgt.f32 v1, $0.0e+00  }
0xf8: {  	v1 =	vsel vm0, v1, v2  }
0xf9: {  	[tilespmem:s15+$0x10] =	vst v1  }
0xfa: {  	v1 =	vld [tilespmem:s21+$0x20]  }
0xfb: {  	v2 =	vld.idx.msk [tilespmem:v4+s31+$0x0], $0xffff;
	_ =	sdelay $0x3  }
0xfc: {  	v1 =	vadd.f32 v3, v1;
	_ =	sdelay $0x1  }
0xfd: {  	v1 =	vmul.f32 v1, v2;
	_ =	sdelay $0x1  }
0xfe: {  	[tilespmem:s22+$0x0] =	vst v1;
	v3 =	vmul.f32 $1.442695020e+00, v1  }
0xff: {  	v4 =	vld [tilespmem:s15+$0x30]  }
0x100: {  	(erf) = vpow2.f32 v3;
	_ =	sdelay $0x8  }
0x101: {  	v3 =	vpop (erf)  }
0x102: {  	v3 =	vadd.f32 $-1.000000000e+00, v3  }
0x103: {  	vm0 =	vgt.f32 v1, $0.0e+00  }
0x104: {  	v1 =	vsel vm0, v1, v3  }
0x105: {  	[tilespmem:s15+$0x20] =	vst v1  }
0x106: {  	v1 =	vld [tilespmem:s21+$0x30];
	_ =	sdelay $0x4  }
0x107: {  	v1 =	vadd.f32 v4, v1;
	_ =	sdelay $0x1  }
0x108: {  	v2 =	vmul.f32 v1, v2;
	_ =	sdelay $0x1  }
0x109: {  	[tilespmem:s22+$0x10] =	vst v2;
	v1 =	vmul.f32 $1.442695020e+00, v2;
	_ =	sdelay $0x1  }
0x10a: {  	(erf) = vpow2.f32 v1;
	_ =	sdelay $0x5  }
0x10b: {  	s2 =	sadd.s32 $0xFFFFFFFD, s16  }
0x10c: {  	v1 =	vmov s2  }
.Ltmp1:
0x10d: {  	v1 =	vand.u32 $0xFFFFFFFC, v1;
	(pc) =	sbr.rel @p0 .LBB2_5-.Ltmp1, $4  }
0x10e: {  	v1 =	vbroadcast v1, $0x0;
	v3 =	vpop (erf)  }
0x10f: {  	v3 =	vadd.f32 $-1.000000000e+00, v3  }
0x110: {  	vm0 =	vgt.f32 v2, $0.0e+00  }
0x111: {  	s1 =	sadd.s32 $0x40, s1;
	s15 =	sadd.s32 $0x80, s15;
	s2 =	smov.u32 s0;
	v2 =	vsel vm0, v2, v3  }
0x112: {  	_ = 	snop  }
0x113: {  	v3 =	vld [tilespmem:s15+$0xFFFFFFC0];
	[tilespmem:s23+$0x30] =	vst v2;
	s2 =	sadd.s32 $0x80, s21  }
0x114: {  	v2 =	vld [tilespmem:s2+$0xFFFFFFC0];
	_ =	sdelay $0x1  }
0x115: {  	v1 =	vld.idx.msk [tilespmem:v1+s31+$0x0], $0xffff;
	_ =	sdelay $0x2  }
0x116: {  	v2 =	vadd.f32 v3, v2;
	_ =	sdelay $0x1  }
0x117: {  	v2 =	vmul.f32 v2, v1;
	_ =	sdelay $0x1  }
0x118: {  	v3 =	vmul.f32 $1.442695020e+00, v2;
	_ =	sdelay $0x1  }
0x119: {  	(erf) = vpow2.f32 v3;
	_ =	sdelay $0x8  }
0x11a: {  	v3 =	vpop (erf)  }
0x11b: {  	v3 =	vadd.f32 $-1.000000000e+00, v3  }
0x11c: {  	vm0 =	vgt.f32 v2, $0.0e+00  }
0x11d: {  	[tilespmem:s1+$0xFFFFFFE0] =	vst v2;
	v2 =	vsel vm0, v2, v3  }
0x11e: {  	[tilespmem:s15+$0xFFFFFFC0] =	vst v2;
	v2 =	vld [tilespmem:s15+$0xFFFFFFD0]  }
0x11f: {  	v3 =	vld [tilespmem:s2+$0xFFFFFFD0];
	_ =	sdelay $0x4  }
0x120: {  	v2 =	vadd.f32 v2, v3;
	_ =	sdelay $0x1  }
0x121: {  	v1 =	vmul.f32 v2, v1;
	_ =	sdelay $0x1  }
0x122: {  	v2 =	vmul.f32 $1.442695020e+00, v1;
	_ =	sdelay $0x1  }
0x123: {  	(erf) = vpow2.f32 v2;
	_ =	sdelay $0x6  }
0x124: {  	s0 =	sadd.s32 $0xFFFFFFFE, s16  }
0x125: {  	v2 =	vmov s0  }
0x126: {  	v2 =	vand.u32 $0xFFFFFFFD, v2;
	v3 =	vpop (erf)  }
0x127: {  	v2 =	vbroadcast v2, $0x0;
	v3 =	vadd.f32 $-1.000000000e+00, v3  }
0x128: {  	vm9 =	vgt.f32 v1, $0.0e+00  }
0x129: {  	[tilespmem:s1+$0xFFFFFFF0] =	vst v1;
	v1 =	vsel vm9, v1, v3  }
0x12a: {  	[tilespmem:s15+$0xFFFFFFD0] =	vst v1;
	v1 =	vld [tilespmem:s15+$0xFFFFFFE0]  }
0x12b: {  	v3 =	vld [tilespmem:s2+$0xFFFFFFE0];
	_ =	sdelay $0x1  }
0x12c: {  	v2 =	vld.idx.msk [tilespmem:v2+s31+$0x0], $0xffff;
	_ =	sdelay $0x2  }
0x12d: {  	v1 =	vadd.f32 v1, v3;
	_ =	sdelay $0x1  }
0x12e: {  	v1 =	vmul.f32 v1, v2;
	_ =	sdelay $0x1  }
0x12f: {  	v3 =	vmul.f32 $1.442695020e+00, v1;
	_ =	sdelay $0x1  }
0x130: {  	(erf) = vpow2.f32 v3;
	_ =	sdelay $0x8  }
0x131: {  	v3 =	vpop (erf)  }
0x132: {  	v3 =	vadd.f32 $-1.000000000e+00, v3  }
0x133: {  	vm10 =	vgt.f32 v1, $0.0e+00  }
0x134: {  	[tilespmem:s1+$0x0] =	vst v1;
	v1 =	vsel vm10, v1, v3  }
0x135: {  	[tilespmem:s15+$0xFFFFFFE0] =	vst v1;
	v1 =	vld [tilespmem:s15+$0xFFFFFFF0]  }
0x136: {  	v3 =	vld [tilespmem:s2+$0xFFFFFFF0];
	_ =	sdelay $0x4  }
0x137: {  	v1 =	vadd.f32 v1, v3;
	_ =	sdelay $0x1  }
0x138: {  	v1 =	vmul.f32 v1, v2;
	_ =	sdelay $0x1  }
0x139: {  	v2 =	vmul.f32 $1.442695020e+00, v1;
	_ =	sdelay $0x1  }
0x13a: {  	(erf) = vpow2.f32 v2;
	_ =	sdelay $0x6  }
0x13b: {  	s28 =	sadd.s32 $0xFFFFFFFF, s16  }
0x13c: {  	v2 =	vmov s28  }
0x13d: {  	v2 =	vand.u32 $0xFFFFFFFE, v2;
	v3 =	vpop (erf)  }
0x13e: {  	v2 =	vbroadcast v2, $0x0;
	v3 =	vadd.f32 $-1.000000000e+00, v3  }
0x13f: {  	vm11 =	vgt.f32 v1, $0.0e+00  }
0x140: {  	[tilespmem:s1+$0x10] =	vst v1;
	v1 =	vsel vm11, v1, v3  }
0x141: {  	[tilespmem:s15+$0xFFFFFFF0] =	vst v1;
	v1 =	vld [tilespmem:s15+$0x0]  }
0x142: {  	v3 =	vld [tilespmem:s2+$0x0];
	_ =	sdelay $0x1  }
0x143: {  	v2 =	vld.idx.msk [tilespmem:v2+s31+$0x0], $0xffff;
	_ =	sdelay $0x2  }
0x144: {  	v1 =	vadd.f32 v1, v3;
	_ =	sdelay $0x1  }
0x145: {  	v1 =	vmul.f32 v1, v2;
	_ =	sdelay $0x1  }
0x146: {  	v3 =	vmul.f32 $1.442695020e+00, v1;
	_ =	sdelay $0x1  }
0x147: {  	(erf) = vpow2.f32 v3;
	_ =	sdelay $0x8  }
0x148: {  	v3 =	vpop (erf)  }
0x149: {  	v3 =	vadd.f32 $-1.000000000e+00, v3  }
0x14a: {  	s21 =	sadd.s32 $0x40, s22;
	vm12 =	vgt.f32 v1, $0.0e+00  }
0x14b: {  	[tilespmem:s21+$0xFFFFFFE0] =	vst v1;
	v1 =	vsel vm12, v1, v3  }
0x14c: {  	[tilespmem:s15+$0x0] =	vst v1;
	v1 =	vld [tilespmem:s15+$0x10]  }
0x14d: {  	v3 =	vld [tilespmem:s2+$0x10];
	_ =	sdelay $0x4  }
0x14e: {  	v1 =	vadd.f32 v1, v3;
	_ =	sdelay $0x1  }
0x14f: {  	v1 =	vmul.f32 v1, v2;
	_ =	sdelay $0x1  }
0x150: {  	v2 =	vmul.f32 $1.442695020e+00, v1;
	_ =	sdelay $0x1  }
0x151: {  	(erf) = vpow2.f32 v2;
	_ =	sdelay $0x8  }
0x152: {  	v2 =	vpop (erf)  }
0x153: {  	v2 =	vadd.f32 $-1.000000000e+00, v2  }
0x154: {  	v3 =	vmov s16;
	vm13 =	vgt.f32 v1, $0.0e+00  }
0x155: {  	[tilespmem:s21+$0xFFFFFFF0] =	vst v1;
	v1 =	vsel vm13, v1, v2  }
0x156: {  	v4 =	vld [tilespmem:s15+$0x20];
	[tilespmem:s15+$0x10] =	vst v1  }
0x157: {  	v1 =	vld [tilespmem:s2+$0x20];
	_ =	sdelay $0x1  }
0x158: {  	v2 =	vld.idx.msk [tilespmem:v3+s31+$0x0], $0xffff;
	_ =	sdelay $0x2  }
0x159: {  	v1 =	vadd.f32 v4, v1;
	_ =	sdelay $0x1  }
0x15a: {  	v1 =	vmul.f32 v1, v2;
	_ =	sdelay $0x1  }
0x15b: {  	v3 =	vmul.f32 $1.442695020e+00, v1;
	_ =	sdelay $0x1  }
0x15c: {  	(erf) = vpow2.f32 v3;
	_ =	sdelay $0x8  }
0x15d: {  	v3 =	vpop (erf)  }
0x15e: {  	v3 =	vadd.f32 $-1.000000000e+00, v3  }
0x15f: {  	vm14 =	vgt.f32 v1, $0.0e+00  }
0x160: {  	[tilespmem:s21+$0x0] =	vst v1;
	v1 =	vsel vm14, v1, v3  }
0x161: {  	v63 =	vld [tilespmem:s15+$0x30];
	[tilespmem:s15+$0x20] =	vst v1  }
0x162: {  	v1 =	vld [tilespmem:s2+$0x30];
	_ =	sdelay $0x4  }
0x163: {  	v1 =	vadd.f32 v63, v1;
	_ =	sdelay $0x1  }
0x164: {  	v1 =	vmul.f32 v1, v2;
	_ =	sdelay $0x1  }
0x165: {  	v2 =	vmul.f32 $1.442695020e+00, v1;
	_ =	sdelay $0x1  }
0x166: {  	(erf) = vpow2.f32 v2;
	_ =	sdelay $0x8  }
0x167: {  	v2 =	vpop (erf)  }
0x168: {  	v2 =	vadd.f32 $-1.000000000e+00, v2  }
0x169: {  	vm15 =	vgt.f32 v1, $0.0e+00  }
0x16a: {  	[tilespmem:s21+$0x10] =	vst v1;
	v1 =	vsel vm15, v1, v2  }
0x16b: {  	s22 =	simm.s32 $0x7760;
	[tilespmem:s15+$0x30] =	vst v1  }
0x16c: {  	[spmem:s3] =	stream.indirect.scatter.add.f32 [tilespmem:s22], [sflag:$0x2], $0x40, s20, s26, $0xb8;
	[tilespmem:$0x154A0] =	vst v63  }
0x16d: {  	_ =	swait.ge [sflag:s25], $0x1400  }
0x16e: {  	s23 =	sshll.u32 s18, $0x3;
	[sflag:s25] =	ssyncset.done $0x0  }
0x16f: {  	s0 =	sadd.s32 s10, s23;
	[sflag:s25] =	ssyncadd.s32 $0xFFFFEC00  }
0x170: {  	[hbm4b:s0+s4] =	stream.linear.scatter [tilespmem:s7], [sflag:$0x2], $0x1400, $0x38;
	[tilespmem:$0x154A0] =	vst v63  }
0x171: {  	_ =	swait.ge [sflag:s25], $0x1400  }
0x172: {  	[sflag:s25] =	ssyncset.done $0x0  }
0x173: {  	s17 =	sadd.s32 $0x1, s17;
	[sflag:s25] =	ssyncadd.s32 $0xFFFFEC00  }
0x174: {  	p0 =	sne.s32 s17, $0x7D;
	s28 =	rddreg [dreg:$0x2]  }
.Ltmp2:
0x175: {  	s0 =	sadd.s32 s28, s19;
	(pc) =	sbr.rel @p0 .LBB2_4-.Ltmp2, $4  }
0x176: {  	[hbm4b:s0+s4] =	stream.linear.scatter [tilespmem:s30], [sflag:$0x2], $0x2800, $0x38;
	[tilespmem:$0x154A0] =	vst v63  }
0x177: {  	_ =	swait.ge [sflag:s25], $0x2800  }
0x178: {  	[sflag:s25] =	ssyncset.done $0x0  }
0x179: {  	[sflag:s25] =	ssyncadd.s32 $0xFFFFD800  }
0x17a: {  	[bflag:$0x0] =	sbarrier.arrive $0xFFFF  }
0x17b: {  	s1 =	simm.s32 $0x0;
	s28 =	rddreg [dreg:$0xc]  }
.LBB2_8:
0x17c: {  	s0 =	smul.u32 $0x50, s1;
	_ =	sdelay $0x1  }
0x17d: {  	s2 =	sadd.s32 s11, s0  }
0x17e: {  	s0 =	sshll.u32 s2, $0x6  }
0x17f: {  	s0 =	sand.u32 $0x3FFFFFC0, s0  }
0x180: {  	s0 =	sadd.s32 s0, s3  }
0x181: {  	[tilespmem:s24], [sflag:$0x2] =	stream.linear.gather [spmem:s0], $0x1400, $0x38;
	[tilespmem:$0x154A0] =	vst v63  }
0x182: {  	_ =	swait.ge [sflag:s25], $0x1400  }
0x183: {  	[sflag:s25] =	ssyncset.done $0x0  }
0x184: {  	s15 =	simm.s32 $0x0;
	[sflag:s25] =	ssyncadd.s32 $0xFFFFEC00  }
0x185: {  	v1 =	vld [tilespmem:s15+$0x8B90]  }
0x186: {  	v2 =	vld [tilespmem:s15+$0x8B60]  }
0x187: {  	v3 =	vld [tilespmem:s15+$0x8B70]  }
0x188: {  	s16 =	simm.s32 $0x100;
	v4 =	vld [tilespmem:s15+$0x8B80]  }
.LBB2_9:
0x189: {  	p0 =	sne.s32 s16, $0x4F00  }
.Ltmp3:
0x18a: {  	s0 =	sshra.s32 s16, $0x2;
	s16 =	sadd.s32 $0x100, s16;
	[tilespmem:s15+$0x9F90] =	vst v1;
	(pc) =	sbr.rel @p0 .LBB2_9-.Ltmp3, $4  }
0x18b: {  	v1 =	vld [tilespmem:s0+$0x8B90];
	[tilespmem:s15+$0x9F60] =	vst v2  }
0x18c: {  	v2 =	vld [tilespmem:s0+$0x8B60];
	[tilespmem:s15+$0x9F70] =	vst v3  }
0x18d: {  	v3 =	vld [tilespmem:s0+$0x8B70];
	[tilespmem:s15+$0x9F80] =	vst v4;
	s15 =	smov.u32 s0  }
0x18e: {  	v4 =	vld [tilespmem:s15+$0x8B80]  }
0x18f: {  	_ = 	snop  }
0x190: {  	[tilespmem:s15+$0x9F90] =	vst v1  }
0x191: {  	s1 =	sadd.s32 $0x1, s1;
	[tilespmem:s15+$0x9F60] =	vst v2  }
0x192: {  	s0 =	sshll.u32 s2, $0x3;
	p0 =	sne.s32 s1, $0x8;
	[tilespmem:s15+$0x9F70] =	vst v3  }
.Ltmp4:
0x193: {  	s0 =	sadd.s32 s0, s13;
	[tilespmem:s15+$0x9F80] =	vst v4;
	(pc) =	sbr.rel @p0 .LBB2_8-.Ltmp4, $4  }
0x194: {  	[hbm4b:s0+s4] =	stream.linear.scatter [tilespmem:s7], [sflag:$0x2], $0x1400, $0x38;
	[tilespmem:$0x154A0] =	vst v63  }
0x195: {  	_ =	swait.ge [sflag:s25], $0x1400  }
0x196: {  	[sflag:s25] =	ssyncset.done $0x0  }
0x197: {  	[sflag:s25] =	ssyncadd.s32 $0xFFFFEC00  }
0x198: {  	[bflag:$0x0] =	sbarrier.arrive $0xFFFF  }
0x199: {  	s18 =	rddreg [dreg:$0x5]  }
0x19a: {  	s19 =	rddreg [dreg:$0x7]  }
0x19b: {  	s20 =	rddreg [dreg:$0x8]  }
0x19c: {  	s21 =	rddreg [dreg:$0x9]  }
0x19d: {  	s22 =	rddreg [dreg:$0xa]  }
0x19e: {  	s0 =	simm.s32 $0x100;
	s1 =	simm.s32 $0x0;
	s23 =	rddreg [dreg:$0xb]  }
.LBB2_12:
0x19f: {  	p0 =	seq.s32 s0, $0x4F00;
	[tilespmem:s1+$0x8B90] =	vst v0;
	s2 =	smov.u32 s0;
	s0 =	sadd.s32 $0x100, s0  }
.Ltmp5:
0x1a0: {  	[tilespmem:s1+$0x8B80] =	vst v0;
	(pc) =	sbr.rel @!p0 .LBB2_12-.Ltmp5, $3  }
0x1a1: {  	[tilespmem:s1+$0x8B60] =	vst v0  }
0x1a2: {  	[tilespmem:s1+$0x8B70] =	vst v0;
	_ =	sdelay $0x1  }
0x1a3: {  	s1 =	sshra.s32 s2, $0x2  }
0x1a4: {  	[tilespmem:s1+$0x8B90] =	vst v0  }
0x1a5: {  	[tilespmem:s1+$0x8B80] =	vst v0  }
0x1a6: {  	[tilespmem:s1+$0x8B60] =	vst v0  }
0x1a7: {  	[tilespmem:s1+$0x8B70] =	vst v0  }
0x1a8: {  	[spmem:s18] =	stream.linear.scatter [tilespmem:s24], [sflag:$0x2], $0x1400, $0x38;
	[tilespmem:$0x154A0] =	vst v63  }
0x1a9: {  	_ =	swait.ge [sflag:s25], $0x1400  }
0x1aa: {  	[sflag:s25] =	ssyncset.done $0x0  }
0x1ab: {  	[sflag:s25] =	ssyncadd.s32 $0xFFFFEC00  }
0x1ac: {  	[spmem:s19] =	stream.linear.scatter [tilespmem:s24], [sflag:$0x2], $0x1400, $0x38;
	[tilespmem:$0x154A0] =	vst v63  }
0x1ad: {  	_ =	swait.ge [sflag:s25], $0x1400  }
0x1ae: {  	[sflag:s25] =	ssyncset.done $0x0  }
0x1af: {  	[sflag:s25] =	ssyncadd.s32 $0xFFFFEC00  }
0x1b0: {  	[spmem:s20] =	stream.linear.scatter [tilespmem:s24], [sflag:$0x2], $0x1400, $0x38;
	[tilespmem:$0x154A0] =	vst v63  }
0x1b1: {  	_ =	swait.ge [sflag:s25], $0x1400  }
0x1b2: {  	[sflag:s25] =	ssyncset.done $0x0  }
0x1b3: {  	[sflag:s25] =	ssyncadd.s32 $0xFFFFEC00  }
0x1b4: {  	[spmem:s21] =	stream.linear.scatter [tilespmem:s24], [sflag:$0x2], $0x1400, $0x38;
	[tilespmem:$0x154A0] =	vst v63  }
0x1b5: {  	_ =	swait.ge [sflag:s25], $0x1400  }
0x1b6: {  	[sflag:s25] =	ssyncset.done $0x0  }
0x1b7: {  	[sflag:s25] =	ssyncadd.s32 $0xFFFFEC00  }
0x1b8: {  	[spmem:s22] =	stream.linear.scatter [tilespmem:s24], [sflag:$0x2], $0x1400, $0x38;
	[tilespmem:$0x154A0] =	vst v63  }
0x1b9: {  	_ =	swait.ge [sflag:s25], $0x1400  }
0x1ba: {  	[sflag:s25] =	ssyncset.done $0x0  }
0x1bb: {  	[sflag:s25] =	ssyncadd.s32 $0xFFFFEC00  }
0x1bc: {  	[spmem:s23] =	stream.linear.scatter [tilespmem:s24], [sflag:$0x2], $0x1400, $0x38;
	[tilespmem:$0x154A0] =	vst v63  }
0x1bd: {  	_ =	swait.ge [sflag:s25], $0x1400  }
0x1be: {  	[sflag:s25] =	ssyncset.done $0x0  }
0x1bf: {  	[sflag:s25] =	ssyncadd.s32 $0xFFFFEC00  }
0x1c0: {  	[spmem:s28] =	stream.linear.scatter [tilespmem:s24], [sflag:$0x2], $0x1400, $0x38;
	[tilespmem:$0x154A0] =	vst v63  }
0x1c1: {  	_ =	swait.ge [sflag:s25], $0x1400  }
0x1c2: {  	[sflag:s25] =	ssyncset.done $0x0  }
0x1c3: {  	s0 =	rddreg [dreg:$0xd];
	[sflag:s25] =	ssyncadd.s32 $0xFFFFEC00  }
0x1c4: {  	[spmem:s0] =	stream.linear.scatter [tilespmem:s24], [sflag:$0x2], $0x1400, $0x38;
	[tilespmem:$0x154A0] =	vst v63  }
0x1c5: {  	_ =	swait.ge [sflag:s25], $0x1400  }
0x1c6: {  	[sflag:s25] =	ssyncset.done $0x0  }
0x1c7: {  	[sflag:s25] =	ssyncadd.s32 $0xFFFFEC00  }
0x1c8: {  	s1 =	simm.s32 $0x0;
	s2 =	simm.s32 $0x0;
	[bflag:$0x0] =	sbarrier.arrive $0xFFFF  }
.LBB2_14:
0x1c9: {  	s15 =	smul.u32 $0x50, s2;
	_ =	sdelay $0x1  }
0x1ca: {  	s0 =	sadd.s32 s12, s15  }
0x1cb: {  	s0 =	sshll.u32 s0, $0x3  }
0x1cc: {  	s0 =	sadd.s32 s10, s0  }
0x1cd: {  	[tilespmem:s7], [sflag:$0x2] =	stream.linear.gather [hbm4b:s0+s1], $0x1400, $0x38;
	[tilespmem:$0x154A0] =	vst v63  }
0x1ce: {  	_ =	swait.ge [sflag:s25], $0x1400  }
0x1cf: {  	[sflag:s25] =	ssyncset.done $0x0  }
0x1d0: {  	s16 =	simm.s32 $0x0;
	[sflag:s25] =	ssyncadd.s32 $0xFFFFEC00  }
0x1d1: {  	v1 =	vld [tilespmem:s16+$0x9F90]  }
0x1d2: {  	v2 =	vld [tilespmem:s16+$0x9F60]  }
0x1d3: {  	v3 =	vld [tilespmem:s16+$0x9F70]  }
0x1d4: {  	s17 =	simm.s32 $0x100;
	v4 =	vld [tilespmem:s16+$0x9F80]  }
.LBB2_15:
0x1d5: {  	p0 =	sne.s32 s17, $0x4F00  }
.Ltmp6:
0x1d6: {  	s0 =	sshra.s32 s17, $0x2;
	s17 =	sadd.s32 $0x100, s17;
	[tilespmem:s16+$0x8B90] =	vst v1;
	(pc) =	sbr.rel @p0 .LBB2_15-.Ltmp6, $4  }
0x1d7: {  	v1 =	vld [tilespmem:s0+$0x9F90];
	[tilespmem:s16+$0x8B60] =	vst v2  }
0x1d8: {  	v2 =	vld [tilespmem:s0+$0x9F60];
	[tilespmem:s16+$0x8B70] =	vst v3  }
0x1d9: {  	v3 =	vld [tilespmem:s0+$0x9F70];
	[tilespmem:s16+$0x8B80] =	vst v4;
	s16 =	smov.u32 s0  }
0x1da: {  	v4 =	vld [tilespmem:s16+$0x9F80]  }
0x1db: {  	_ = 	snop  }
0x1dc: {  	[tilespmem:s16+$0x8B90] =	vst v1  }
0x1dd: {  	s2 =	sadd.s32 $0x1, s2;
	[tilespmem:s16+$0x8B60] =	vst v2  }
0x1de: {  	p0 =	sne.s32 s2, $0x7D;
	[tilespmem:s16+$0x8B70] =	vst v3  }
.Ltmp7:
0x1df: {  	s0 =	sadd.s32 $0x50, s15;
	[tilespmem:s16+$0x8B80] =	vst v4;
	(pc) =	sbr.rel @p0 .LBB2_14-.Ltmp7, $4  }
0x1e0: {  	[spmem:s3] =	stream.indirect.scatter.add.f32 [tilespmem:s24], [sflag:$0x2], $0x40, s0, s26, $0xb8;
	[tilespmem:$0x154A0] =	vst v63  }
0x1e1: {  	_ =	swait.ge [sflag:s25], $0x1400  }
0x1e2: {  	[sflag:s25] =	ssyncset.done $0x0  }
0x1e3: {  	[sflag:s25] =	ssyncadd.s32 $0xFFFFEC00  }
0x1e4: {  	[bflag:$0x0] =	sbarrier.arrive $0xFFFF;
	s1 =	simm.s32 $0x0  }
.LBB2_18:
0x1e5: {  	s0 =	smul.u32 $0x50, s1;
	_ =	sdelay $0x1  }
0x1e6: {  	s2 =	sadd.s32 s11, s0  }
0x1e7: {  	s0 =	sshll.u32 s2, $0x6  }
0x1e8: {  	s0 =	sand.u32 $0x3FFFFFC0, s0  }
0x1e9: {  	s0 =	sadd.s32 s0, s3  }
0x1ea: {  	[tilespmem:s24], [sflag:$0x2] =	stream.linear.gather [spmem:s0], $0x1400, $0x38;
	[tilespmem:$0x154A0] =	vst v63  }
0x1eb: {  	_ =	swait.ge [sflag:s25], $0x1400  }
0x1ec: {  	[sflag:s25] =	ssyncset.done $0x0  }
0x1ed: {  	s15 =	simm.s32 $0x0;
	[sflag:s25] =	ssyncadd.s32 $0xFFFFEC00  }
0x1ee: {  	v1 =	vld [tilespmem:s15+$0x8B90]  }
0x1ef: {  	v2 =	vld [tilespmem:s15+$0x8B60]  }
0x1f0: {  	v3 =	vld [tilespmem:s15+$0x8B70]  }
0x1f1: {  	s16 =	simm.s32 $0x100;
	v4 =	vld [tilespmem:s15+$0x8B80]  }
.LBB2_19:
0x1f2: {  	p0 =	sne.s32 s16, $0x4F00  }
.Ltmp8:
0x1f3: {  	s0 =	sshra.s32 s16, $0x2;
	s16 =	sadd.s32 $0x100, s16;
	[tilespmem:s15+$0x9F90] =	vst v1;
	(pc) =	sbr.rel @p0 .LBB2_19-.Ltmp8, $4  }
0x1f4: {  	v1 =	vld [tilespmem:s0+$0x8B90];
	[tilespmem:s15+$0x9F60] =	vst v2  }
0x1f5: {  	v2 =	vld [tilespmem:s0+$0x8B60];
	[tilespmem:s15+$0x9F70] =	vst v3  }
0x1f6: {  	v3 =	vld [tilespmem:s0+$0x8B70];
	[tilespmem:s15+$0x9F80] =	vst v4;
	s15 =	smov.u32 s0  }
0x1f7: {  	v4 =	vld [tilespmem:s15+$0x8B80]  }
0x1f8: {  	_ = 	snop  }
0x1f9: {  	[tilespmem:s15+$0x9F90] =	vst v1  }
0x1fa: {  	s1 =	sadd.s32 $0x1, s1;
	[tilespmem:s15+$0x9F60] =	vst v2  }
0x1fb: {  	s0 =	sshll.u32 s2, $0x3;
	p0 =	sne.s32 s1, $0x8;
	[tilespmem:s15+$0x9F70] =	vst v3  }
.Ltmp9:
0x1fc: {  	s0 =	sadd.s32 s0, s14;
	[tilespmem:s15+$0x9F80] =	vst v4;
	(pc) =	sbr.rel @p0 .LBB2_18-.Ltmp9, $4  }
0x1fd: {  	[hbm4b:s0+s4] =	stream.linear.scatter [tilespmem:s7], [sflag:$0x2], $0x1400, $0x38;
	[tilespmem:$0x154A0] =	vst v63  }
0x1fe: {  	_ =	swait.ge [sflag:s25], $0x1400  }
0x1ff: {  	[sflag:s25] =	ssyncset.done $0x0  }
0x200: {  	[sflag:s25] =	ssyncadd.s32 $0xFFFFEC00  }
0x201: {  	s1 =	rddreg [dreg:$0xe]  }
0x202: {  	s0 =	rddreg [dreg:$0x6];
	s1 =	sadd.s32 $0x1, s1  }
0x203: {  	p0 =	sne.s32 s1, s0  }
.Ltmp10:
0x204: {  	_ = 	snop;
	(pc) =	sbr.rel @p0 .LBB2_1-.Ltmp10, $1  }
0x205: {  	_ =	sdelay $0x3  }
0x206: {  	_ =	sfence.sel $0x180000  }
0x207: {  	[bflag:$0x0] =	sbarrier.arrive $0xFFFF  }
0x208: {  	_ =	strace $0x9000004D  }
0x209: {  	s0 =	stileid.u32;
	[bflag:$0x2] =	sbarrier.arrive $0xFFFF  }
0x20a: {  	p0 =	sne.s32 s0, $0x0;
	s0 =	rddreg [dreg:$0x4]  }
0x20b: {  	s0 =	sadd.s32 @!p0 $0x100000, s0  }
0x20c: {  	[sflag:s0] =	ssyncadd.tile.s32 @!p0 $0x1;
	_ =	shalt  }
.Lfunc_end2:
_tile_overlayer_lowered:
.L_overlay_start_2:
0x20d: {  	(tag) =	ssettag $0x2  }
0x20e: {  	s0 =	rddreg [dreg:$0x0];
	s2 =	stileid.u32  }
0x20f: {  	s1 =	rddreg [dreg:$0x1];
	p0 =	sne.s32 s2, $0x0  }
0x210: {  	s3 =	rddreg [dreg:$0x2];
	[bflag:$0x3] =	sbarrier.arrive $0xFFFF;
	s2 =	simm.s32 @!p0 $0x1C02  }
0x211: {  	[timem:s3], [sflag:s2] =	dma.local @!p0 [hbm:s0], s1  }
0x212: {  	s0 =	simm.s32 @!p0 $0x2  }
0x213: {  	_ =	swait.ge @!p0 [sflag:s0], s1  }
0x214: {  	s1 =	ssub.s32 @!p0 $0x0, s1;
	[sflag:s0] =	ssyncset.done @!p0 $0x0  }
0x215: {  	[sflag:s0] =	ssyncadd.s32 @!p0 s1  }
0x216: {  	[bflag:$0x3] =	sbarrier.arrive $0xFFFF  }
0x217: {  	_ =	shalt  }

// kernel: kernel.9.cloned.1.call-start
scs
__scs_entry_jumppad:
0x0: {  	(pc) =	sbr.rel $0x88, $3  }
0x1: {  	(tag) =	ssettag $0x0;
	lr =	simm.s32 $0x1  }
0x2: {  	[smem:$0x3F9A] =	sst lr;
	_ =	strace $0xD0000000  }
0x3: {  	_ = 	snop  }
0x4: {  	_ = 	snop  }
0x5: {  	_ = 	snop  }
0x6: {  	_ = 	snop  }
0x7: {  	_ = 	snop  }
__scs_overlays_trampoline_lowered:
0x8: {  	[smem:$0x3FA9] =	sst s0  }
0x9: {  	[smem:$0x3FAA] =	sst s1  }
0xa: {  	[smem:$0x3FAB] =	sst s2  }
0xb: {  	[smem:$0x3FAC] =	sst s3  }
0xc: {  	[smem:$0x3FAD] =	sst s4  }
0xd: {  	[smem:$0x3FAE] =	sst s5  }
0xe: {  	[smem:$0x3FAF] =	sst s6  }
0xf: {  	[smem:$0x3FB0] =	sst s7  }
0x10: {  	[smem:$0x3FB1] =	sst s8  }
0x11: {  	[smem:$0x3FB2] =	sst s9;
	s0 =	simm.s32 @!p0 $0x0  }
0x12: {  	s1 =	sld [smem:$0x3F98];
	s0 =	simm.s32 @p0 $0x1  }
0x13: {  	[smem:$0x3FB3] =	sst s0;
	s0 =	simm.s32 @!p1 $0x0  }
0x14: {  	s2 =	sld [smem:$0x3F97];
	s0 =	simm.s32 @p1 $0x1  }
0x15: {  	[smem:$0x3FB4] =	sst s0;
	s0 =	simm.s32 @!p2 $0x0  }
0x16: {  	s3 =	sld [smem:$0x3FDB];
	s0 =	simm.s32 @p2 $0x1  }
0x17: {  	s4 =	simm.s32 $0x1BF5;
	[smem:$0x3FB6] =	sst s0  }
0x18: {  	s0 =	sld [smem:$0x3F99];
	_ =	swait.ge [sflag:s4], $0x0  }
0x19: {  	s7 =	sld [smem:$0x3F9A]  }
0x1a: {  	s8 =	sadd.s32 $0xFFFFE003, lr  }
0x1b: {  	s9 =	sadd.s32 $0xFFFFFEF7, lr;
	s5 =	simm.s32 $0xFFFFFFFF;
	p2 =	slt.u32 s8, $0xFFFFF086  }
0x1c: {  	p1 =	slt.u32 s9, $0xF7A;
	s5 =	simm.s32 @!p2 $0x0  }
0x1d: {  	s5 =	simm.s32 @p1 $0x1;
	p0 =	seq.s32 s7, s2  }
0x1e: {  	s7 =	smul.u32 @!p0 $0xF7A, s2;
	p2 =	seq.s32 @!p0 s5, $0x0  }
0x1f: {  	s9 =	smul.u32 $0xF7A, s1;
	s8 =	simm.s32 @!p0 $0x1BF5;
	p2 =	por !p2, p0  }
0x20: {  	[sflag:s8] =	ssyncset.s32 @!p0 $0xFFFFF086;
	s6 =	sadd.s32 @!p0 s3, s7;
	s7 =	simm.s32 @!p0 $0x108  }
0x21: {  	s3 =	sadd.s32 s3, s9;
	s6 =	sadd.s32 @!p0 $0x88, s6;
	s7 =	simm.s32 @p2 $0x1082  }
0x22: {  	[simem:s7], [sflag:s8] =	dma.local @!p0 [hbm:s6], $0xF7A  }
0x23: {  	s9 =	sor.u32 $0xD0000000, s2;
	s6 =	simm.s32 $0x108;
	_ =	swait.ge @!p0 [sflag:s8], $0x0  }
0x24: {  	s3 =	sadd.s32 $0x88, s3;
	s6 =	simm.s32 @!p1 $0x1082;
	[sflag:s4] =	ssyncset.s32 $0xFFFFF086  }
0x25: {  	[simem:s6], [sflag:s4] =	dma.local [hbm:s3], $0xF7A  }
0x26: {  	[smem:$0x3F9A] =	sst s1;
	(tag) =	ssettag s2;
	_ =	strace s9  }
0x27: {  	s1 =	sld [smem:$0x3FAA]  }
0x28: {  	s2 =	sld [smem:$0x3FAB]  }
0x29: {  	s4 =	sld [smem:$0x3FAD]  }
0x2a: {  	p0 =	seq.s32 s5, $0x0;
	s5 =	sld [smem:$0x3FAE]  }
0x2b: {  	s6 =	sld [smem:$0x3FAF]  }
0x2c: {  	s7 =	sld [smem:$0x3FB0]  }
0x2d: {  	s3 =	simm.s32 $0x108;
	s8 =	sld [smem:$0x3FB1]  }
0x2e: {  	s3 =	simm.s32 @!p0 $0x1082;
	s9 =	sld [smem:$0x3FB2]  }
0x2f: {  	lr =	sadd.s32 s0, s3;
	s0 =	sld [smem:$0x3FA9]  }
0x30: {  	s3 =	sld [smem:$0x3FAC]  }
0x31: {  	[smem:$0x3FB5] =	sst s10  }
0x32: {  	s10 =	sld [smem:$0x3FB3];
	_ =	sdelay $0x3  }
0x33: {  	p0 =	seq.s32 s10, $0x1;
	s10 =	sld [smem:$0x3FB5];
	_ =	sdelay $0x3  }
0x34: {  	[smem:$0x3FB5] =	sst s10  }
0x35: {  	s10 =	sld [smem:$0x3FB4];
	_ =	sdelay $0x3  }
0x36: {  	p1 =	seq.s32 s10, $0x1;
	s10 =	sld [smem:$0x3FB5];
	_ =	sdelay $0x3  }
0x37: {  	[smem:$0x3FB5] =	sst s10  }
0x38: {  	s10 =	sld [smem:$0x3FB6]  }
0x39: {  	_ = 	snop;
	(pc) =	sbr.ind lr, $3  }
0x3a: {  	_ = 	snop  }
0x3b: {  	_ = 	snop  }
0x3c: {  	p2 =	seq.s32 s10, $0x1;
	s10 =	sld [smem:$0x3FB5]  }
0x3d: {  	_ =	shalt  }
0x3e: {  	_ =	shalt  }
0x3f: {  	_ =	shalt  }
0x40: {  	_ =	shalt  }
0x41: {  	_ =	shalt  }
0x42: {  	_ =	shalt  }
0x43: {  	_ =	shalt  }
0x44: {  	_ =	shalt  }
0x45: {  	_ =	shalt  }
0x46: {  	_ =	shalt  }
0x47: {  	_ =	shalt  }
0x48: {  	_ =	shalt  }
0x49: {  	_ =	shalt  }
0x4a: {  	_ =	shalt  }
0x4b: {  	_ =	shalt  }
0x4c: {  	_ =	shalt  }
0x4d: {  	_ =	shalt  }
0x4e: {  	_ =	shalt  }
0x4f: {  	_ =	shalt  }
0x50: {  	_ =	shalt  }
0x51: {  	_ =	shalt  }
0x52: {  	_ =	shalt  }
0x53: {  	_ =	shalt  }
0x54: {  	_ =	shalt  }
0x55: {  	_ =	shalt  }
0x56: {  	_ =	shalt  }
0x57: {  	_ =	shalt  }
0x58: {  	_ =	shalt  }
0x59: {  	_ =	shalt  }
0x5a: {  	_ =	shalt  }
0x5b: {  	_ =	shalt  }
0x5c: {  	_ =	shalt  }
0x5d: {  	_ =	shalt  }
0x5e: {  	_ =	shalt  }
0x5f: {  	_ =	shalt  }
0x60: {  	_ =	shalt  }
0x61: {  	_ =	shalt  }
0x62: {  	_ =	shalt  }
0x63: {  	_ =	shalt  }
0x64: {  	_ =	shalt  }
0x65: {  	_ =	shalt  }
0x66: {  	_ =	shalt  }
0x67: {  	_ =	shalt  }
0x68: {  	_ =	shalt  }
0x69: {  	_ =	shalt  }
0x6a: {  	_ =	shalt  }
0x6b: {  	_ =	shalt  }
0x6c: {  	_ =	shalt  }
0x6d: {  	_ =	shalt  }
0x6e: {  	_ =	shalt  }
0x6f: {  	_ =	shalt  }
0x70: {  	_ =	shalt  }
0x71: {  	_ =	shalt  }
0x72: {  	_ =	shalt  }
0x73: {  	_ =	shalt  }
0x74: {  	_ =	shalt  }
0x75: {  	_ =	shalt  }
0x76: {  	_ =	shalt  }
0x77: {  	_ =	shalt  }
0x78: {  	_ =	shalt  }
0x79: {  	_ =	shalt  }
0x7a: {  	_ =	shalt  }
0x7b: {  	_ =	shalt  }
0x7c: {  	_ =	shalt  }
0x7d: {  	_ =	shalt  }
0x7e: {  	_ =	shalt  }
0x7f: {  	_ =	shalt  }
0x80: {  	_ =	shalt  }
0x81: {  	_ =	shalt  }
0x82: {  	_ =	shalt  }
0x83: {  	_ =	shalt  }
0x84: {  	_ =	shalt  }
0x85: {  	_ =	shalt  }
0x86: {  	_ =	shalt  }
0x87: {  	_ =	shalt  }
.Lfunc_end0:
.L_simem_size_0:
called_computation_lowered:
.L_overlay_start_0:
0x88: {  	s2 =	sld [smem:$0x3FD9]  }
0x89: {  	s3 =	sld [smem:$0x3FFE];
	_ =	sdelay $0x1  }
0x8a: {  	s1 =	srdreg.scid  }
0x8b: {  	s0 =	sand.u32 $0x1, s1  }
0x8c: {  	s14 =	sshll.u32 s0, $0xA;
	s2 =	sadd.s32 s3, s2  }
0x8d: {  	s2 =	sadd.s32 s2, s14  }
0x8e: {  	[smem:$0x3FC1] =	sst s2  }
0x8f: {  	_ = 	snop  }
0x90: {  	s2 =	sld [smem:$0x3FD0];
	_ =	sdelay $0x2  }
0x91: {  	s15 =	simm.s32 $0xA;
	s4 =	simm.s32 $0x10  }
0x92: {  	[smem:s4], [sflag:s15] =	dma.local [hbm:s2], $0x1  }
0x93: {  	_ =	swait.eq [sflag:s15], $0x1  }
0x94: {  	[sflag:s15] =	ssyncset.done $0x0  }
0x95: {  	s16 =	sld [smem:$0x10];
	[sflag:s15] =	ssyncadd.s32 $0xFFFFFFFF  }
0x96: {  	s17 =	sld [smem:$0x11];
	(tm) =	ssettm $0x1  }
0x97: {  	s18 =	sld [smem:$0x3FFB];
	_ =	sdelay $0x3  }
0x98: {  	_ =	strace s18  }
0x99: {  	s4 =	sld [smem:$0x3FFC];
	_ =	sdelay $0x3  }
0x9a: {  	_ =	strace s4  }
0x9b: {  	s4 =	sld [smem:$0x3FFD];
	_ =	sdelay $0x3  }
0x9c: {  	_ =	strace s4  }
0x9d: {  	_ =	strace $0x8FFFFFFF  }
0x9e: {  	s19 =	sld [smem:$0x3FDB];
	_ =	sdelay $0x1  }
0x9f: {  	s5 =	simm.s32 $_scs_section_size  }
0xa0: {  	s6 =	simm.s32 $_size__tile_overlayer_lowered;
	s7 =	simm.s32 $_tile_overlayer_lowered  }
0xa1: {  	s22 =	simm.s32 $0x1BFF;
	s21 =	sshll.u32 s7, $0x1;
	s4 =	sadd.s32 s5, s19  }
0xa2: {  	s8 =	simm.s32 $0x0;
	s20 =	sshll.u32 s6, $0x1;
	s6 =	sadd.s32 s21, s4  }
0xa3: {  	[timem:s8], [sflag:s22] =	dma.local [hbm:s6], s20  }
0xa4: {  	_ =	swait.ge [sflag:s22], s20  }
0xa5: {  	s5 =	ssub.s32 $0x0, s20;
	[sflag:s22] =	ssyncset.done $0x0  }
0xa6: {  	[sflag:s22] =	ssyncadd.s32 s5;
	_ =	sdelay $0x1  }
0xa7: {  	s23 =	simm.s32 $0x1B8B  }
0xa8: {  	_ =	swait.ge [sflag:s23], $0x1  }
0xa9: {  	[sflag:s23] =	ssyncset.done $0x0  }
0xaa: {  	s25 =	simm.s32 $0x1B8E;
	s24 =	sld [smem:$0x3FFE];
	[sflag:s23] =	ssyncadd.s32 $0xFFFFFFFF  }
0xab: {  	s26 =	simm.s32 $execute0_lowered;
	[smem:$0x3FD2] =	sst s25  }
0xac: {  	s6 =	sshll.u32 s26, $0x1;
	_ =	strace $0x80000046;
	[dreg:$0x1] =	wrdreg $0xFFFFFFFF  }
0xad: {  	s28 =	simm.s32 $_size_execute0_lowered;
	s4 =	sadd.s32 s4, s6;
	[dreg:$0x0] =	wrdreg $0x0  }
0xae: {  	s6 =	sshll.u32 s28, $0x1;
	[dreg:$0x2] =	wrdreg s4  }
0xaf: {  	[dreg:$0x3] =	wrdreg s6  }
0xb0: {  	[dreg:$0x4] =	wrdreg $0xC0  }
0xb1: {  	_ =	task [dreg:s8], $0x5FFFF  }
0xb2: {  	[dreg:$0x1] =	wrdreg $0xFFFFFFFF  }
0xb3: {  	[dreg:$0x0] =	wrdreg $0x60  }
0xb4: {  	[dreg:$0x2] =	wrdreg s24  }
0xb5: {  	[dreg:$0x3] =	wrdreg s16  }
0xb6: {  	[dreg:$0x4] =	wrdreg s17  }
0xb7: {  	[dreg:$0x5] =	wrdreg $0x9  }
0xb8: {  	_ =	task.clear_ibuf [dreg:s8], $0x6FFFF;
	_ =	strace $0x90000046  }
0xb9: {  	s29 =	simm.s32 $0x9;
	_ =	strace $0x80000048  }
0xba: {  	_ =	swait.ge [sflag:s29], $0x1  }
0xbb: {  	[sflag:s29] =	ssyncadd.s32 $0xFFFFFFFF  }
0xbc: {  	_ =	strace $0x90000048  }
0xbd: {  	_ =	sfence  }
0xbe: {  	s30 =	sld [smem:$0x0];
	_ =	sdelay $0x2  }
0xbf: {  	s31 =	sshll.u32 s1, $0xD;
	s1 =	sshrl.u32 s1, $0x2  }
0xc0: {  	s3 =	sand.u32 $0x4000, s31;
	s1 =	sadd.s32 s1, s30  }
0xc1: {  	s0 =	sor.u32 s3, s0;
	s1 =	sshll.u32 s1, $0x11  }
0xc2: {  	s0 =	sor.u32 s1, s0  }
0xc3: {  	s0 =	sadd.s32 $0x8F2B, s0  }
0xc4: {  	[sflag:s0] =	ssyncadd.remote.s32 $0x1  }
0xc5: {  	_ =	sfence.sel $0xFFFF  }
0xc6: {  	[dreg:$0x0] =	wrdreg $0xFFFFFFFF;
	(pc) =	sbr.abs _section_cstart, $3  }
0xc7: {  	[dreg:$0x1] =	wrdreg $0xFFFFFFFF  }
0xc8: {  	_ =	task.clear_ibuf [dreg:s8], $0x2FFFF;
	_ =	strace $0x9FFFFFFF  }
0xc9: {  	(tm) =	ssettm $0x7FFFFFFF  }
tec
execute0_lowered:
.L_overlay_start_1:
0x0: {  	(tag) =	ssettag $0x1  }
0x1: {  	s11 =	rddreg [dreg:$0x0]  }
0x2: {  	s1 =	rddreg [dreg:$0x1]  }
0x3: {  	s13 =	rddreg [dreg:$0x2];
	s2 =	simm.s32 $0x0  }
0x4: {  	s7 =	srdreg.scid;
	s3 =	stileid.u32;
	s18 =	simm.s32 $0x1E280  }
0x5: {  	s19 =	simm.s32 $0x1E300;
	s20 =	simm.s32 $0x1E000;
	s21 =	simm.s32 $0x1E080  }
0x6: {  	s22 =	simm.s32 $0x1E100;
	s23 =	simm.s32 $0x1E380;
	s24 =	simm.s32 $0x80  }
0x7: {  	s25 =	simm.s32 $0x400;
	s26 =	simm.s32 $0x0;
	[smem:$0x7FF] =	sst s2  }
0x8: {  	s4 =	sadd.s32 $0x3CA00, s11;
	s5 =	sadd.s32 $0x3DE00, s11;
	s6 =	sadd.s32 $0xAC00, s11  }
0x9: {  	s10 =	sand.u32 $0x1, s7;
	s8 =	sshll.u32 s3, $0x1;
	s9 =	sshrl.u32 s3, $0x2  }
0xa: {  	_ =	strace $0x80000047;
	s12 =	sor.u32 s10, s8;
	s8 =	sadd.s32 $0x521400, s11  }
0xb: {  	s7 =	sadd.s32 $0xE00, s11;
	s14 =	smul.u32 $0x50000, s9;
	s9 =	sadd.s32 $0x521200, s11  }
0xc: {  	s16 =	ssub.s32 $0x2, s10;
	s10 =	sadd.s32 $0x521600, s11;
	s15 =	sshll.u32 s12, $0x7  }
0xd: {  	s11 =	sadd.s32 $0x522A00, s11;
	s17 =	sshrl.u32 s16, $0x1;
	s15 =	sand.u32 $0x380, s15  }
0xe: {  	s12 =	smul.u32 $0x2710, s12;
	s31 =	ssub.s32 s16, s17;
	s14 =	sor.u32 s14, s15  }
0xf: {  	v0 =	vlaneseq.u32;
	s16 =	simm.s32 $0x1;
	s17 =	simm.s32 $0x14000;
	s14 =	sshrl.u32 s14, $0x3  }
0x10: {  	vm0 =	vmmov $0xf;
	v0 =	vand.u32 $0x3, v0;
	s15 =	simm.s32 $0xA000;
	s13 =	sadd.s32 s13, s14;
	s14 =	smax.u32 s31, $0x1  }
.LBB2_1:
0x11: {  	[tilespmem:s15], [sflag:$0x1] =	stream.linear.gather [hbm4b:s4+s2], $0xA000, $0x38;
	[tilespmem:$0x1E500] =	vst v63  }
0x12: {  	_ =	swait.ge [sflag:s16], $0xA000  }
0x13: {  	[sflag:s16] =	ssyncset.done $0x0  }
0x14: {  	[sflag:s16] =	ssyncadd.s32 $0xFFFF6000  }
0x15: {  	[tilespmem:s17], [sflag:$0x1] =	stream.linear.gather [hbm4b:s5+s2], $0xA000, $0x38;
	[tilespmem:$0x1E500] =	vst v63  }
0x16: {  	_ =	swait.ge [sflag:s16], $0xA000  }
0x17: {  	[sflag:s16] =	ssyncset.done $0x0  }
0x18: {  	[sflag:s16] =	ssyncadd.s32 $0xFFFF6000  }
0x19: {  	[tilespmem:s18], [sflag:$0x1] =	stream.linear.gather [hbm4b:s8+s2], $0x80, $0x38;
	[tilespmem:$0x1E500] =	vst v63  }
0x1a: {  	_ =	swait.ge [sflag:s16], $0x80  }
0x1b: {  	[sflag:s16] =	ssyncset.done $0x0  }
0x1c: {  	[sflag:s16] =	ssyncadd.s32 $0xFFFFFF80  }
0x1d: {  	[tilespmem:s19], [sflag:$0x1] =	stream.linear.gather [hbm4b:s9+s2], $0x80, $0x38;
	[tilespmem:$0x1E500] =	vst v63  }
0x1e: {  	_ =	swait.ge [sflag:s16], $0x80  }
0x1f: {  	[sflag:s16] =	ssyncset.done $0x0  }
0x20: {  	[sflag:s16] =	ssyncadd.s32 $0xFFFFFF80  }
0x21: {  	[tilespmem:s2], [sflag:$0x1] =	stream.linear.gather [hbm4b:s10+s2], $0xA000, $0x38;
	[tilespmem:$0x1E500] =	vst v63  }
0x22: {  	_ =	swait.ge [sflag:s16], $0xA000  }
0x23: {  	[sflag:s16] =	ssyncset.done $0x0  }
0x24: {  	[sflag:s16] =	ssyncadd.s32 $0xFFFF6000  }
0x25: {  	v1 =	vld.idx.msk [tilespmem:v0+s18+$0x0], $0xffff  }
0x26: {  	v2 =	vld.idx.msk [tilespmem:v0+s19+$0x0], $0xffff;
	_ =	sdelay $0x4  }
0x27: {  	s28 =	simm.s32 $0x0;
	v1 =	vadd.f32 v2, v1  }
.LBB2_2:
0x28: {  	s29 =	smul.u32 $0x50, s28;
	_ =	sdelay $0x1  }
0x29: {  	s29 =	sadd.s32 s12, s29  }
0x2a: {  	s30 =	sshrl.u32 s29, $0x3  }
0x2b: {  	s0 =	simm.s32 $0x0;
	s31 =	sadd.s32 s6, s30  }
0x2c: {  	[tilespmem:s20], [sflag:$0x1] =	stream.linear.gather [hbm4b:s31+s0], $0x50, $0x38;
	[tilespmem:$0x1E500] =	vst v63  }
0x2d: {  	_ =	swait.ge [sflag:s16], $0x50  }
0x2e: {  	[sflag:s16] =	ssyncset.done $0x0  }
0x2f: {  	s30 =	sadd.s32 s7, s30;
	[sflag:s16] =	ssyncadd.s32 $0xFFFFFFB0  }
0x30: {  	[tilespmem:s21], [sflag:$0x1] =	stream.linear.gather [hbm4b:s30+s0], $0x50, $0x38;
	[tilespmem:$0x1E500] =	vst v63  }
0x31: {  	_ =	swait.ge [sflag:s16], $0x50  }
0x32: {  	s29 =	sshrl.u32 s29, $0x1;
	[sflag:s16] =	ssyncset.done $0x0  }
0x33: {  	v2 =	vmov s0;
	s30 =	sadd.s32 s1, s29;
	[sflag:s16] =	ssyncadd.s32 $0xFFFFFFB0  }
0x34: {  	[tilespmem:s22], [sflag:$0x1] =	stream.linear.gather [hbm4b:s30+s0], $0x140, $0x38;
	[tilespmem:$0x1E500] =	vst v63  }
0x35: {  	_ =	swait.ge [sflag:s16], $0x140  }
0x36: {  	[sflag:s16] =	ssyncset.done $0x0  }
0x37: {  	[sflag:s16] =	ssyncadd.s32 $0xFFFFFEC0  }
0x38: {  	v3 =	vld.idx.msk [tilespmem:v2+s20+$0x0], $0xffff;
	_ =	sdelay $0x1  }
0x39: {  	v4 =	vld.idx.msk [tilespmem:v2+s21+$0x0], $0xffff;
	_ =	sdelay $0x1  }
0x3a: {  	v2 =	vshll.u32 v2, $0x2  }
0x3b: {  	v2 =	vor.u32 v0, v2;
	v3 =	vshll.u32 v3, $0x2  }
0x3c: {  	v5 =	vor.u32 v0, v3  }
0x3d: {  	v3 =	vshll.u32 v4, $0x2  }
0x3e: {  	v3 =	vor.u32 v0, v3;
	_ =	sdelay $0x1  }
0x3f: {  	v4 =	vld.idx.msk [tilespmem:v2+s22+$0x0], $0xffff  }
0x40: {  	v5 =	vld.idx.msk [tilespmem:v5+s15+$0x0], $0xffff;
	_ =	sdelay $0x1  }
0x41: {  	v6 =	vld.idx.msk [tilespmem:v3+s17+$0x0], $0xffff;
	_ =	sdelay $0x2  }
0x42: {  	v4 =	vadd.f32 v4, v5;
	_ =	sdelay $0x1  }
0x43: {  	v5 =	vadd.f32 v6, v1;
	v4 =	vadd.f32 v4, v6;
	_ =	sdelay $0x1  }
0x44: {  	v7 =	vmul.f32 $2.000000030e-01, v5;
	v6 =	vmul.f32 $2.000000030e-01, v4  }
0x45: {  	vm2 =	vgt.f32 v5, $0.0e+00;
	vm1 =	vgt.f32 v4, $0.0e+00  }
0x46: {  	v5 =	vsel vm2, v5, v7;
	v4 =	vsel vm1, v4, v6  }
0x47: {  	v4 =	vsub.f32 v4, v5;
	_ =	sdelay $0x1  }
0x48: {  	v4 =	vmul.f32 $1.442695020e+00, v4;
	_ =	sdelay $0x1  }
0x49: {  	(erf) = vpow2.f32 v4;
	_ =	sdelay $0x5  }
0x4a: {  	v6 =	vld.idx.msk [tilespmem:v3+s2+$0x0], $0xffff;
	_ =	sdelay $0x2  }
0x4b: {  	s31 =	simm.s32 $0x1;
	v4 =	vpop (erf)  }
0x4c: {  	v5 =	vnsel vm0, $0x0, v4;
	v4 =	vmov s31  }
0x4d: {  	s30 =	simm.s32 $0x2;
	v6 =	vadd.f32 v5, v6  }
.LBB2_3:
0x4e: {  	p0 =	sne.s32 s30, $0x4F  }
0x4f: {  	[tilespmem:v3+s2+$0x0] =	vst.idx.msk $0xf, v6  }
0x50: {  	[tilespmem:v2+s23+$0x0] =	vst.idx.msk $0xf, v5  }
0x51: {  	v2 =	vld.idx.msk [tilespmem:v4+s20+$0x0], $0xffff;
	_ =	sdelay $0x1  }
0x52: {  	v3 =	vld.idx.msk [tilespmem:v4+s21+$0x0], $0xffff;
	_ =	sdelay $0x2  }
0x53: {  	v4 =	vshll.u32 v4, $0x2  }
0x54: {  	v5 =	vshll.u32 v2, $0x2;
	v2 =	vor.u32 v0, v4  }
0x55: {  	v4 =	vor.u32 v0, v5  }
0x56: {  	v3 =	vshll.u32 v3, $0x2  }
0x57: {  	v3 =	vor.u32 v0, v3;
	_ =	sdelay $0x1  }
0x58: {  	v5 =	vld.idx.msk [tilespmem:v2+s22+$0x0], $0xffff  }
0x59: {  	v4 =	vld.idx.msk [tilespmem:v4+s15+$0x0], $0xffff;
	_ =	sdelay $0x1  }
0x5a: {  	v6 =	vld.idx.msk [tilespmem:v3+s17+$0x0], $0xffff;
	_ =	sdelay $0x3  }
0x5b: {  	v4 =	vadd.f32 v5, v4;
	_ =	sdelay $0x1  }
0x5c: {  	v4 =	vadd.f32 v4, v6;
	v5 =	vadd.f32 v6, v1;
	_ =	sdelay $0x1  }
0x5d: {  	v6 =	vmul.f32 $2.000000030e-01, v4;
	v7 =	vmul.f32 $2.000000030e-01, v5  }
0x5e: {  	vm1 =	vgt.f32 v4, $0.0e+00;
	vm2 =	vgt.f32 v5, $0.0e+00  }
0x5f: {  	v4 =	vsel vm1, v4, v6;
	v5 =	vsel vm2, v5, v7  }
0x60: {  	v4 =	vsub.f32 v4, v5;
	_ =	sdelay $0x1  }
0x61: {  	v4 =	vmul.f32 $1.442695020e+00, v4;
	_ =	sdelay $0x1  }
0x62: {  	(erf) = vpow2.f32 v4;
	_ =	sdelay $0x4  }
0x63: {  	v6 =	vld.idx.msk [tilespmem:v3+s2+$0x0], $0xffff;
	_ =	sdelay $0x1  }
.Ltmp0:
0x64: {  	(pc) =	sbr.rel @p0 .LBB2_3-.Ltmp0, $4  }
0x65: {  	_ = 	snop  }
0x66: {  	v5 =	vpop (erf)  }
0x67: {  	v4 =	vmov s30;
	v5 =	vnsel vm0, $0x0, v5  }
0x68: {  	s30 =	sadd.s32 $0x1, s30;
	v6 =	vadd.f32 v5, v6  }
0x69: {  	_ =	sdelay $0x3  }
0x6a: {  	[tilespmem:v3+s2+$0x0] =	vst.idx.msk $0xf, v6  }
0x6b: {  	[tilespmem:v2+s23+$0x0] =	vst.idx.msk $0xf, v5  }
0x6c: {  	v2 =	vld.idx.msk [tilespmem:v4+s20+$0x0], $0xffff;
	_ =	sdelay $0x1  }
0x6d: {  	v3 =	vld.idx.msk [tilespmem:v4+s21+$0x0], $0xffff;
	_ =	sdelay $0x1  }
0x6e: {  	v60 =	vshll.u32 v4, $0x2  }
0x6f: {  	v4 =	vor.u32 v0, v60;
	v2 =	vshll.u32 v2, $0x2  }
0x70: {  	v2 =	vor.u32 v0, v2  }
0x71: {  	v3 =	vshll.u32 v3, $0x2  }
0x72: {  	v3 =	vor.u32 v0, v3;
	_ =	sdelay $0x1  }
0x73: {  	v5 =	vld.idx.msk [tilespmem:v4+s22+$0x0], $0xffff  }
0x74: {  	v2 =	vld.idx.msk [tilespmem:v2+s15+$0x0], $0xffff;
	_ =	sdelay $0x1  }
0x75: {  	v6 =	vld.idx.msk [tilespmem:v3+s17+$0x0], $0xffff;
	_ =	sdelay $0x2  }
0x76: {  	v2 =	vadd.f32 v5, v2;
	_ =	sdelay $0x1  }
0x77: {  	v61 =	vadd.f32 v6, v1;
	v2 =	vadd.f32 v2, v6;
	_ =	sdelay $0x1  }
0x78: {  	v7 =	vmul.f32 $2.000000030e-01, v61;
	v62 =	vmul.f32 $2.000000030e-01, v2  }
0x79: {  	vm2 =	vgt.f32 v61, $0.0e+00;
	vm1 =	vgt.f32 v2, $0.0e+00  }
0x7a: {  	v5 =	vsel vm2, v61, v7;
	v2 =	vsel vm1, v2, v62  }
0x7b: {  	v2 =	vsub.f32 v2, v5;
	_ =	sdelay $0x1  }
0x7c: {  	v2 =	vmul.f32 $1.442695020e+00, v2;
	_ =	sdelay $0x1  }
0x7d: {  	(erf) = vpow2.f32 v2;
	_ =	sdelay $0x5  }
0x7e: {  	v2 =	vld.idx.msk [tilespmem:v3+s2+$0x0], $0xffff;
	_ =	sdelay $0x2  }
0x7f: {  	v63 =	vpop (erf)  }
0x80: {  	v5 =	vnsel vm0, $0x0, v63  }
0x81: {  	v2 =	vadd.f32 v5, v2  }
0x82: {  	s28 =	sadd.s32 $0x1, s28  }
0x83: {  	p0 =	sne.s32 s28, $0x7D;
	[tilespmem:v3+s2+$0x0] =	vst.idx.msk $0xf, v2  }
.Ltmp1:
0x84: {  	s0 =	sadd.s32 s11, s29;
	[tilespmem:v4+s23+$0x0] =	vst.idx.msk $0xf, v5;
	(pc) =	sbr.rel @p0 .LBB2_2-.Ltmp1, $4  }
0x85: {  	[hbm4b:s0+s2] =	stream.linear.scatter [tilespmem:s23], [sflag:$0x1], $0x140, $0x38;
	[tilespmem:$0x1E500] =	vst v63  }
0x86: {  	_ =	swait.ge [sflag:s16], $0x140  }
0x87: {  	[sflag:s16] =	ssyncset.done $0x0  }
0x88: {  	[sflag:s16] =	ssyncadd.s32 $0xFFFFFEC0  }
0x89: {  	s26 =	sadd.s32 $0x1, s26  }
0x8a: {  	p0 =	sne.s32 s26, s14  }
.Ltmp2:
0x8b: {  	_ = 	snop;
	(pc) =	sbr.rel @p0 .LBB2_1-.Ltmp2, $4  }
0x8c: {  	[hbm4b:s13+s24] =	stream.strided.scatter [tilespmem:s2], [sflag:$0x1], $0xA000, s25, s24, $0x38;
	[tilespmem:$0x1E500] =	vst v63  }
0x8d: {  	_ =	swait.ge [sflag:s16], $0xA000  }
0x8e: {  	[sflag:s16] =	ssyncset.done $0x0  }
0x8f: {  	[sflag:s16] =	ssyncadd.s32 $0xFFFF6000  }
0x90: {  	_ =	sfence.sel $0x180000  }
0x91: {  	[bflag:$0x0] =	sbarrier.arrive $0xFFFF  }
0x92: {  	_ =	strace $0x90000047  }
0x93: {  	[bflag:$0x2] =	sbarrier.arrive $0xFFFF  }
0x94: {  	p0 =	sne.s32 s3, $0x0;
	s0 =	rddreg [dreg:$0x3]  }
0x95: {  	s0 =	sadd.s32 @!p0 $0x100000, s0  }
0x96: {  	[sflag:s0] =	ssyncadd.tile.s32 @!p0 $0x1;
	_ =	shalt  }
.Lfunc_end2:
_tile_overlayer_lowered:
.L_overlay_start_2:
0x97: {  	(tag) =	ssettag $0x2  }
0x98: {  	s0 =	rddreg [dreg:$0x0];
	s2 =	stileid.u32  }
0x99: {  	s1 =	rddreg [dreg:$0x1];
	p0 =	sne.s32 s2, $0x0  }
0x9a: {  	s3 =	rddreg [dreg:$0x2];
	[bflag:$0x3] =	sbarrier.arrive $0xFFFF;
	s2 =	simm.s32 @!p0 $0x1C01  }
0x9b: {  	[timem:s3], [sflag:s2] =	dma.local @!p0 [hbm:s0], s1  }
0x9c: {  	s0 =	simm.s32 @!p0 $0x1  }
0x9d: {  	_ =	swait.ge @!p0 [sflag:s0], s1  }
0x9e: {  	s1 =	ssub.s32 @!p0 $0x0, s1;
	[sflag:s0] =	ssyncset.done @!p0 $0x0  }
0x9f: {  	[sflag:s0] =	ssyncadd.s32 @!p0 s1  }
0xa0: {  	[bflag:$0x3] =	sbarrier.arrive $0xFFFF  }
0xa1: {  	_ =	shalt  }

</sc_bundles>
